<compile_context>
chip_gen: v7x
topology: tpu7x:2x2x1
jax: 0.10.2.dev20260603
libtpu: 0.0.44.dev20260713+nightly
codegen_flags: <defaults>
</compile_context>

<pallas_src>
import functools

import jax
import jax.numpy as jnp
from jax import lax
from jax.experimental import pallas as pl
from jax.experimental.pallas import tpu as pltpu
from jax.experimental.pallas import tpu_sc as plsc

_N = 50000
_NP = 50176
_S = 1600000
_T = 512
_R = 5
_NW = 32
_SYN_W = _S // _NW
_CHUNK = 2000
_NCHUNK = _SYN_W // _CHUNK
_UNROLL = 5
_VSTEPS = _CHUNK // 16 // _UNROLL
_NS = _NP // _NW
_NS_LAST = _N - (_NW - 1) * _NS

_mesh = plsc.VectorSubcoreMesh(core_axis_name="c", subcore_axis_name="s")
_cp = pltpu.CompilerParams(needs_layout_passes=False)


@functools.partial(
    pl.kernel,
    out_type=jax.ShapeDtypeStruct((_NW * _NP,), jnp.float32),
    mesh=_mesh,
    compiler_params=_cp,
    scratch_types=[
        pltpu.VMEM((_N,), jnp.float32),
        pltpu.VMEM((_T * _R,), jnp.float32),
        pltpu.VMEM((_T,), jnp.float32),
        pltpu.VMEM((_NP,), jnp.float32),
        pltpu.VMEM((_CHUNK,), jnp.int32),
        pltpu.VMEM((_CHUNK,), jnp.int32),
        pltpu.VMEM((_CHUNK,), jnp.int32),
        pltpu.VMEM((_CHUNK,), jnp.int32),
        pltpu.VMEM((_CHUNK,), jnp.int32),
        pltpu.VMEM((_CHUNK,), jnp.int32),
        pltpu.VMEM((_CHUNK,), jnp.float32),
        pltpu.VMEM((_CHUNK,), jnp.float32),
        pltpu.SemaphoreType.DMA,
        pltpu.SemaphoreType.DMA,
        pltpu.SemaphoreType.DMA,
        pltpu.SemaphoreType.DMA,
    ],
)
def _sc_synapse_kernel(pre_hbm, post_hbm, sid_hbm, w_hbm, spikes_hbm,
                       basis_hbm, out_hbm, spikes_v, basis_v, bsum_v,
                       acc_v, pre0_v, pre1_v, post0_v, post1_v,
                       sid0_v, sid1_v, w0_v, w1_v, sem0, sem1, semt, semb):
    cid = lax.axis_index("c")
    sub = lax.axis_index("s")
    wid = cid * 16 + sub
    base = wid * _SYN_W

    pre_bufs = (pre0_v, pre1_v)
    post_bufs = (post0_v, post1_v)
    sid_bufs = (sid0_v, sid1_v)
    w_bufs = (w0_v, w1_v)
    sems = (sem0, sem1)

    h_sp = pltpu.async_copy(spikes_hbm, spikes_v, semt)
    h_ba = pltpu.async_copy(basis_hbm, basis_v, semb)

    def issue(c, slot):
        off = base + c * _CHUNK
        pltpu.async_copy(pre_hbm.at[pl.ds(off, _CHUNK)],
                         pre_bufs[slot], sems[slot])
        pltpu.async_copy(post_hbm.at[pl.ds(off, _CHUNK)],
                         post_bufs[slot], sems[slot])
        pltpu.async_copy(sid_hbm.at[pl.ds(off, _CHUNK)],
                         sid_bufs[slot], sems[slot])
        pltpu.async_copy(w_hbm.at[pl.ds(off, _CHUNK)],
                         w_bufs[slot], sems[slot])

    def drain(slot):
        pltpu.make_async_copy(pre_hbm.at[pl.ds(0, _CHUNK)],
                              pre_bufs[slot], sems[slot]).wait()
        pltpu.make_async_copy(post_hbm.at[pl.ds(0, _CHUNK)],
                              post_bufs[slot], sems[slot]).wait()
        pltpu.make_async_copy(sid_hbm.at[pl.ds(0, _CHUNK)],
                              sid_bufs[slot], sems[slot]).wait()
        pltpu.make_async_copy(w_hbm.at[pl.ds(0, _CHUNK)],
                              w_bufs[slot], sems[slot]).wait()

    issue(0, 0)

    zeros = jnp.zeros((16,), jnp.float32)

    def zero_body(i, c):
        for k in range(4):
            acc_v[pl.ds((i * 4 + k) * 16, 16)] = zeros
        return c

    lax.fori_loop(0, _NP // 16 // 4, zero_body, 0)

    h_ba.wait()
    lane = jnp.arange(16, dtype=jnp.int32)

    def bsum_body(i, c):
        t5 = (lane + i * 16) * _R
        s = plsc.load_gather(basis_v, [t5])
        for r in range(1, _R):
            s = s + plsc.load_gather(basis_v, [t5 + r])
        bsum_v[pl.ds(i * 16, 16)] = s
        return c

    lax.fori_loop(0, _T // 16, bsum_body, 0)
    h_sp.wait()

    def compute(slot):
        pre_v = pre_bufs[slot]
        post_v = post_bufs[slot]
        sid_v = sid_bufs[slot]
        w_v = w_bufs[slot]

        def body(i, cc):
            for k in range(_UNROLL):
                j = i * _UNROLL + k
                p = pre_v[pl.ds(j * 16, 16)]
                q = post_v[pl.ds(j * 16, 16)]
                t = sid_v[pl.ds(j * 16, 16)]
                w = w_v[pl.ds(j * 16, 16)]
                z = plsc.load_gather(spikes_v, [p])
                b = plsc.load_gather(bsum_v, [t])
                vv = z * w * b
                plsc.addupdate_scatter(acc_v, [q], vv, mask=z > 0.0)
            return cc

        lax.fori_loop(0, _VSTEPS, body, 0)

    def pair_body(g, carry):
        c = g * 2
        issue(c + 1, 1)
        drain(0)
        compute(0)
        issue(c + 2, 0)
        drain(1)
        compute(1)
        return carry

    lax.fori_loop(0, (_NCHUNK - 1) // 2, pair_body, 0)
    drain(0)
    compute(0)

    pltpu.sync_copy(acc_v, out_hbm.at[pl.ds(wid * _NP, _NP)])


@functools.partial(
    pl.kernel,
    out_type=jax.ShapeDtypeStruct((_NP,), jnp.float32),
    mesh=_mesh,
    compiler_params=_cp,
    scratch_types=[
        pltpu.VMEM((_NW * _NS,), jnp.float32),
        pltpu.VMEM((_NS,), jnp.float32),
        pltpu.VMEM((_NS,), jnp.float32),
        pltpu.VMEM((_NS,), jnp.float32),
        pltpu.VMEM((_NS,), jnp.float32),
        pltpu.VMEM((_NS,), jnp.float32),
        pltpu.VMEM((_NS,), jnp.float32),
        pltpu.VMEM((_NS,), jnp.float32),
        pltpu.SemaphoreType.DMA,
        pltpu.SemaphoreType.DMA,
    ],
)
def _sc_membrane_kernel(part_hbm, v_hbm, sp_hbm, dec_hbm, cf_hbm, vth_hbm,
                        nrm_hbm, out_hbm, part_v, v_v, sp_v, dec_v, cf_v,
                        vth_v, nrm_v, out_v, semp, semn):
    cid = lax.axis_index("c")
    sub = lax.axis_index("s")
    wid = cid * 16 + sub
    toff = wid * _NS
    is_last = wid == _NW - 1

    hs = [pltpu.async_copy(part_hbm.at[pl.ds(k * _NP + toff, _NS)],
                           part_v.at[pl.ds(k * _NS, _NS)], semp)
          for k in range(_NW)]

    def issue_neuron(sz):
        return (
            pltpu.async_copy(v_hbm.at[pl.ds(toff, sz)],
                             v_v.at[pl.ds(0, sz)], semn),
            pltpu.async_copy(sp_hbm.at[pl.ds(toff, sz)],
                             sp_v.at[pl.ds(0, sz)], semn),
            pltpu.async_copy(dec_hbm.at[pl.ds(toff, sz)],
                             dec_v.at[pl.ds(0, sz)], semn),
            pltpu.async_copy(cf_hbm.at[pl.ds(toff, sz)],
                             cf_v.at[pl.ds(0, sz)], semn),
            pltpu.async_copy(vth_hbm.at[pl.ds(toff, sz)],
                             vth_v.at[pl.ds(0, sz)], semn),
            pltpu.async_copy(nrm_hbm.at[pl.ds(toff, sz)],
                             nrm_v.at[pl.ds(0, sz)], semn),
        )

    @pl.when(is_last)
    def _():
        for h in issue_neuron(_NS_LAST):
            h.wait()

    @pl.when(jnp.logical_not(is_last))
    def _():
        for h in issue_neuron(_NS):
            h.wait()

    for h in hs:
        h.wait()

    nvregs = jnp.where(is_last, _NS_LAST // 16, _NS // 16)

    def body(j, cc):
        sl = pl.ds(j * 16, 16)
        rec = part_v[pl.ds(j * 16, 16)]
        for k in range(1, _NW):
            rec = rec + part_v[pl.ds(k * _NS + j * 16, 16)]
        sp = sp_v[sl]
        v_reset = v_v[sl] * (1.0 - sp)
        new_v = dec_v[sl] * v_reset + cf_v[sl] * rec
        v_scaled = (new_v - vth_v[sl]) / nrm_v[sl]
        out_v[sl] = jnp.where(v_scaled > 0.0,
                              jnp.float32(1.0), jnp.float32(0.0))
        return cc

    lax.fori_loop(0, nvregs, body, 0)

    @pl.when(is_last)
    def _():
        pltpu.sync_copy(out_v.at[pl.ds(0, _NS_LAST)],
                        out_hbm.at[pl.ds(toff, _NS_LAST)])

    @pl.when(jnp.logical_not(is_last))
    def _():
        pltpu.sync_copy(out_v, out_hbm.at[pl.ds(toff, _NS)])


def kernel(spikes, v, weights, syn_ids, indices, basis, decay,
           current_factor, v_th, normalizer):
    pre = indices[:, 1]
    post = indices[:, 0]
    basis_flat = basis.reshape(_T * _R)
    spikes_flat = spikes.reshape(_N)

    partial = _sc_synapse_kernel(pre, post, syn_ids, weights, spikes_flat,
                                 basis_flat)

    z = _sc_membrane_kernel(partial, v.reshape(_N), spikes_flat, decay,
                            current_factor, v_th, normalizer)
    return z[:_N].reshape(1, _N)

# --- scband reference (transcript-rebuilt; emitter-appended) ---
"""Pipeline reference for scband-v1-column-34170759807369 (READ-ONLY COPY).

The authoritative reference and input builder live on the scoring server;
editing this copy changes nothing except your own understanding.
"""

import jax, jax.numpy as jnp
import numpy as np

N_NEURONS = 50000
N_SYN = 1600000
N_SYN_TYPES = 512
N_BASIS = 5
BATCH = 1


@jax.custom_vjp
def spike_function(v_scaled, dampening_factor):
    # z_ = tf.cast(tf.greater(v_scaled, 0.), tf.float32)
    return (v_scaled > 0.0).astype(jnp.float32)


def _spike_fwd(v_scaled, dampening_factor):
    return spike_function(v_scaled, dampening_factor), (v_scaled, dampening_factor)


def _spike_bwd(res, dy):
    v_scaled, d = res
    # pseudo_derivative: dampening * max(1 - |v_scaled|, 0)
    dz_dv = d * jnp.maximum(1.0 - jnp.abs(v_scaled), 0.0)
    return (dy * dz_dv, jnp.zeros_like(d))


spike_function.defvjp(_spike_fwd, _spike_bwd)


def setup_inputs(seed: int = 0) -> dict:
    key = jax.random.key(seed)
    ks = jax.random.split(key, 10)
    # ~5% of neurons spiking, binary spike train
    spikes = (jax.random.uniform(ks[0], (BATCH, N_NEURONS)) < 0.05).astype(jnp.float32)
    # normalized membrane potential state, roughly in [0, 1)
    v = jax.random.normal(ks[1], (BATCH, N_NEURONS), dtype=jnp.float32) * 0.2 + 0.5
    # recurrent synaptic weights (per synapse)
    weights = jax.random.normal(ks[2], (N_SYN,), dtype=jnp.float32) * 0.05
    # synapse type id -> row of synaptic_basis_weights
    syn_ids = jax.random.randint(ks[3], (N_SYN,), 0, N_SYN_TYPES, dtype=jnp.int32)
    # indices[:, 0] = postsynaptic neuron, indices[:, 1] = presynaptic neuron
    indices = jax.random.randint(ks[4], (N_SYN, 2), 0, N_NEURONS, dtype=jnp.int32)
    # synaptic basis weights over 5 receptor (tau) basis channels
    basis = jax.random.uniform(ks[5], (N_SYN_TYPES, N_BASIS), dtype=jnp.float32) * 0.2
    # per-neuron GLIF membrane decay exp(-dt/tau) and current factor
    decay = jnp.exp(-1.0 / (10.0 + 40.0 * jax.random.uniform(ks[6], (N_NEURONS,), dtype=jnp.float32)))
    current_factor = 0.5 + 0.5 * jax.random.uniform(ks[7], (N_NEURONS,), dtype=jnp.float32)
    v_th = jnp.ones((N_NEURONS,), dtype=jnp.float32)
    normalizer = jnp.ones((N_NEURONS,), dtype=jnp.float32)
    return {
        'spikes': spikes, 'v': v, 'weights': weights, 'syn_ids': syn_ids,
        'indices': indices, 'basis': basis, 'decay': decay,
        'current_factor': current_factor, 'v_th': v_th, 'normalizer': normalizer,
    }


def reference(spikes, v, weights, syn_ids, indices, basis, decay, current_factor, v_th, normalizer):
    """One recurrent step of the V1Column GLIF dynamics.

    Faithful jax translation of the ragged sparse-synapse recurrent current
    computation (gather presynaptic spikes -> per-synapse weight x 5-channel
    synaptic-basis expansion -> scatter-add onto postsynaptic receptors) followed
    by the membrane update, hard reset and spike_function with pseudo-derivative.
    """
    post = indices[:, 0]
    pre = indices[:, 1]
    # gather presynaptic spikes per synapse (ragged pre->synapse table gather)
    z_pre = jnp.take(spikes, pre, axis=1)                       # [B, S]
    # per-synapse weight expanded over the 5 synaptic basis channels
    w_basis = weights[:, None] * jnp.take(basis, syn_ids, axis=0)  # [S, R]
    contrib = z_pre[:, :, None] * w_basis[None, :, :]              # [B, S, R]
    # scatter-add onto postsynaptic neuron x receptor channels
    seg = jax.vmap(lambda c: jax.ops.segment_sum(c, post, num_segments=N_NEURONS))(contrib)  # [B, N, R]
    rec_current = jnp.sum(seg, axis=-1)                         # [B, N]
    # hard reset: neurons that spiked last step are clamped to v_reset (= 0 normalized)
    v_reset = v * (1.0 - spikes)
    # membrane update
    new_v = decay[None, :] * v_reset + current_factor[None, :] * rec_current
    v_scaled = (new_v - v_th[None, :]) / normalizer[None, :]
    new_z = spike_function(v_scaled, jnp.float32(0.3))
    return new_z

if __name__ == "__main__":
    import jax
    _d = setup_inputs()
    print(jax.jit(kernel)(*tuple(_d.values())))

</pallas_src>

<mosaic_0001>
#map = affine_map<(d0, d1) -> (0)>
module attributes {stable_mosaic.version = 14 : i64} {
  func.func @_sc_synapse_kernel(%arg0: i32, %arg1: i32, %arg2: memref<1600000xi32, #tpu.memory_space<hbm>>, %arg3: memref<1600000xi32, #tpu.memory_space<hbm>>, %arg4: memref<1600000xi32, #tpu.memory_space<hbm>>, %arg5: memref<1600000xf32, #tpu.memory_space<hbm>>, %arg6: memref<50000xf32, #tpu.memory_space<hbm>>, %arg7: memref<2560xf32, #tpu.memory_space<hbm>>, %arg8: memref<1605632xf32, #tpu.memory_space<hbm>>, %arg9: memref<50000xf32, #tpu.memory_space<vmem>>, %arg10: memref<2560xf32, #tpu.memory_space<vmem>>, %arg11: memref<512xf32, #tpu.memory_space<vmem>>, %arg12: memref<50176xf32, #tpu.memory_space<vmem>>, %arg13: memref<2000xi32, #tpu.memory_space<vmem>>, %arg14: memref<2000xi32, #tpu.memory_space<vmem>>, %arg15: memref<2000xi32, #tpu.memory_space<vmem>>, %arg16: memref<2000xi32, #tpu.memory_space<vmem>>, %arg17: memref<2000xi32, #tpu.memory_space<vmem>>, %arg18: memref<2000xi32, #tpu.memory_space<vmem>>, %arg19: memref<2000xf32, #tpu.memory_space<vmem>>, %arg20: memref<2000xf32, #tpu.memory_space<vmem>>, %arg21: memref<!tpu.dma_semaphore, #tpu.memory_space<semaphore_mem>>, %arg22: memref<!tpu.dma_semaphore, #tpu.memory_space<semaphore_mem>>, %arg23: memref<!tpu.dma_semaphore, #tpu.memory_space<semaphore_mem>>, %arg24: memref<!tpu.dma_semaphore, #tpu.memory_space<semaphore_mem>>) attributes {dimension_semantics = [#tpu.dimension_semantics<core_parallel>, #tpu.dimension_semantics<subcore_parallel>], iteration_bounds = array<i64: 2, 16>, scalar_prefetch = 0 : i64, scratch_operands = 16 : i64, tpu.core_type = #tpu.core_type<sc_vector_subcore>, window_params = [{transform_indices = #map}, {transform_indices = #map}, {transform_indices = #map}, {transform_indices = #map}, {transform_indices = #map}, {transform_indices = #map}, {transform_indices = #map}]} {
    %mul3A = arith.constant 16 : i32
    %mul3A_0 = arith.muli %arg0, %mul3A : i32
    %add3A = arith.addi %mul3A_0, %arg1 : i32
    %mul3A_1 = arith.constant 50000 : i32
    %mul3A_2 = arith.muli %add3A, %mul3A_1 : i32
    tpu.enqueue_dma source(%arg6 : memref<50000xf32, #tpu.memory_space<hbm>>) target(%arg9 : memref<50000xf32, #tpu.memory_space<vmem>>) target_semaphore(%arg23 : memref<!tpu.dma_semaphore, #tpu.memory_space<semaphore_mem>>)
    tpu.enqueue_dma source(%arg7 : memref<2560xf32, #tpu.memory_space<hbm>>) target(%arg10 : memref<2560xf32, #tpu.memory_space<vmem>>) target_semaphore(%arg24 : memref<!tpu.dma_semaphore, #tpu.memory_space<semaphore_mem>>)
    %add3A_3 = arith.constant 0 : i32
    %add3A_4 = arith.addi %mul3A_2, %add3A_3 : i32
    %dma_start3A = tpu.memref_slice %arg2[%add3A_4] : memref<1600000xi32, #tpu.memory_space<hbm>> -> memref<2000xi32, #tpu.memory_space<hbm>>
    %dma_start3A_5 = tpu.memref_slice %arg2[%add3A_4] : memref<1600000xi32, #tpu.memory_space<hbm>> -> memref<2000xi32, #tpu.memory_space<hbm>>
    tpu.enqueue_dma source(%dma_start3A_5 : memref<2000xi32, #tpu.memory_space<hbm>>) target(%arg13 : memref<2000xi32, #tpu.memory_space<vmem>>) target_semaphore(%arg21 : memref<!tpu.dma_semaphore, #tpu.memory_space<semaphore_mem>>)
    %dma_start3A_6 = tpu.memref_slice %arg3[%add3A_4] : memref<1600000xi32, #tpu.memory_space<hbm>> -> memref<2000xi32, #tpu.memory_space<hbm>>
    %dma_start3A_7 = tpu.memref_slice %arg3[%add3A_4] : memref<1600000xi32, #tpu.memory_space<hbm>> -> memref<2000xi32, #tpu.memory_space<hbm>>
    tpu.enqueue_dma source(%dma_start3A_7 : memref<2000xi32, #tpu.memory_space<hbm>>) target(%arg15 : memref<2000xi32, #tpu.memory_space<vmem>>) target_semaphore(%arg21 : memref<!tpu.dma_semaphore, #tpu.memory_space<semaphore_mem>>)
    %dma_start3A_8 = tpu.memref_slice %arg4[%add3A_4] : memref<1600000xi32, #tpu.memory_space<hbm>> -> memref<2000xi32, #tpu.memory_space<hbm>>
    %dma_start3A_9 = tpu.memref_slice %arg4[%add3A_4] : memref<1600000xi32, #tpu.memory_space<hbm>> -> memref<2000xi32, #tpu.memory_space<hbm>>
    tpu.enqueue_dma source(%dma_start3A_9 : memref<2000xi32, #tpu.memory_space<hbm>>) target(%arg17 : memref<2000xi32, #tpu.memory_space<vmem>>) target_semaphore(%arg21 : memref<!tpu.dma_semaphore, #tpu.memory_space<semaphore_mem>>)
    %dma_start3A_10 = tpu.memref_slice %arg5[%add3A_4] : memref<1600000xf32, #tpu.memory_space<hbm>> -> memref<2000xf32, #tpu.memory_space<hbm>>
    %dma_start3A_11 = tpu.memref_slice %arg5[%add3A_4] : memref<1600000xf32, #tpu.memory_space<hbm>> -> memref<2000xf32, #tpu.memory_space<hbm>>
    tpu.enqueue_dma source(%dma_start3A_11 : memref<2000xf32, #tpu.memory_space<hbm>>) target(%arg19 : memref<2000xf32, #tpu.memory_space<vmem>>) target_semaphore(%arg21 : memref<!tpu.dma_semaphore, #tpu.memory_space<semaphore_mem>>)
    %broadcast_in_dim3A = arith.constant 0.000000e+00 : f32
    %broadcast_in_dim3A_12 = vector.broadcast %broadcast_in_dim3A : f32 to vector<16xf32>
    %scan3A = arith.constant 0 : i32
    %scan3A_13 = arith.constant 0 : i32
    %scan3A_14 = arith.constant 784 : i32
    %scan3A_15 = arith.addi %scan3A_13, %scan3A_14 : i32
    %scan3A_16 = arith.constant 1 : i32
    scf.for %scan3A_53 = %scan3A_13 to %scan3A_15 step %scan3A_16  : i32 {
      %mul3A_54 = arith.constant 4 : i32
      %mul3A_55 = arith.muli %scan3A_53, %mul3A_54 : i32
      %add3A_56 = arith.constant 0 : i32
      %add3A_57 = arith.addi %mul3A_55, %add3A_56 : i32
      %mul3A_58 = arith.constant 16 : i32
      %mul3A_59 = arith.muli %add3A_57, %mul3A_58 : i32
      %swap3A = arith.index_cast %mul3A_59 : i32 to index
      %swap3A_60 = tpu.vector_load %arg12[%swap3A] {strides = array<i32>} : memref<50176xf32, #tpu.memory_space<vmem>>, vector<16xf32>,
      tpu.vector_store %arg12[%swap3A], %broadcast_in_dim3A_12 {strides = array<i32>} : memref<50176xf32, #tpu.memory_space<vmem>>, vector<16xf32>,
      %mul3A_61 = arith.constant 4 : i32
      %mul3A_62 = arith.muli %scan3A_53, %mul3A_61 : i32
      %add3A_63 = arith.constant 1 : i32
      %add3A_64 = arith.addi %mul3A_62, %add3A_63 : i32
      %mul3A_65 = arith.constant 16 : i32
      %mul3A_66 = arith.muli %add3A_64, %mul3A_65 : i32
      %swap3A_67 = arith.index_cast %mul3A_66 : i32 to index
      %swap3A_68 = tpu.vector_load %arg12[%swap3A_67] {strides = array<i32>} : memref<50176xf32, #tpu.memory_space<vmem>>, vector<16xf32>,
      tpu.vector_store %arg12[%swap3A_67], %broadcast_in_dim3A_12 {strides = array<i32>} : memref<50176xf32, #tpu.memory_space<vmem>>, vector<16xf32>,
      %mul3A_69 = arith.constant 4 : i32
      %mul3A_70 = arith.muli %scan3A_53, %mul3A_69 : i32
      %add3A_71 = arith.constant 2 : i32
      %add3A_72 = arith.addi %mul3A_70, %add3A_71 : i32
      %mul3A_73 = arith.constant 16 : i32
      %mul3A_74 = arith.muli %add3A_72, %mul3A_73 : i32
      %swap3A_75 = arith.index_cast %mul3A_74 : i32 to index
      %swap3A_76 = tpu.vector_load %arg12[%swap3A_75] {strides = array<i32>} : memref<50176xf32, #tpu.memory_space<vmem>>, vector<16xf32>,
      tpu.vector_store %arg12[%swap3A_75], %broadcast_in_dim3A_12 {strides = array<i32>} : memref<50176xf32, #tpu.memory_space<vmem>>, vector<16xf32>,
      %mul3A_77 = arith.constant 4 : i32
      %mul3A_78 = arith.muli %scan3A_53, %mul3A_77 : i32
      %add3A_79 = arith.constant 3 : i32
      %add3A_80 = arith.addi %mul3A_78, %add3A_79 : i32
      %mul3A_81 = arith.constant 16 : i32
      %mul3A_82 = arith.muli %add3A_80, %mul3A_81 : i32
      %swap3A_83 = arith.index_cast %mul3A_82 : i32 to index
      %swap3A_84 = tpu.vector_load %arg12[%swap3A_83] {strides = array<i32>} : memref<50176xf32, #tpu.memory_space<vmem>>, vector<16xf32>,
      tpu.vector_store %arg12[%swap3A_83], %broadcast_in_dim3A_12 {strides = array<i32>} : memref<50176xf32, #tpu.memory_space<vmem>>, vector<16xf32>,
    }
    %scan3A_17 = arith.constant 784 : i32
    tpu.wait_dma2 semaphore(%arg24 : memref<!tpu.dma_semaphore, #tpu.memory_space<semaphore_mem>>) src(%arg7 : memref<2560xf32, #tpu.memory_space<hbm>>) dst(%arg10 : memref<2560xf32, #tpu.memory_space<vmem>>)
    %iota3A = tpu.iota {dimensions = array<i32: 0>} : vector<16xi32>
    %scan3A_18 = arith.constant 0 : i32
    %scan3A_19 = arith.constant 0 : i32
    %scan3A_20 = arith.constant 32 : i32
    %scan3A_21 = arith.addi %scan3A_19, %scan3A_20 : i32
    %scan3A_22 = arith.constant 1 : i32
    scf.for %scan3A_53 = %scan3A_19 to %scan3A_21 step %scan3A_22  : i32 {
      %mul3A_54 = arith.constant 16 : i32
      %mul3A_55 = arith.muli %scan3A_53, %mul3A_54 : i32
      %add3A_56 = vector.broadcast %mul3A_55 : i32 to vector<16xi32>
      %add3A_57 = arith.addi %iota3A, %add3A_56 : vector<16xi32>
      %mul3A_58 = arith.constant 5 : i32
      %mul3A_59 = vector.broadcast %mul3A_58 : i32 to vector<16xi32>
      %mul3A_60 = arith.muli %add3A_57, %mul3A_59 : vector<16xi32>
      %gather3A = tpu.vector_load_idx %arg10[%mul3A_60] : memref<2560xf32, #tpu.memory_space<vmem>>[vector<16xi32>], vector<16xf32>,
      %add3A_61 = arith.constant 1 : i32
      %add3A_62 = vector.broadcast %add3A_61 : i32 to vector<16xi32>
      %add3A_63 = arith.addi %mul3A_60, %add3A_62 : vector<16xi32>
      %gather3A_64 = tpu.vector_load_idx %arg10[%add3A_63] : memref<2560xf32, #tpu.memory_space<vmem>>[vector<16xi32>], vector<16xf32>,
      %add3A_65 = arith.addf %gather3A, %gather3A_64 : vector<16xf32>
      %add3A_66 = arith.constant 2 : i32
      %add3A_67 = vector.broadcast %add3A_66 : i32 to vector<16xi32>
      %add3A_68 = arith.addi %mul3A_60, %add3A_67 : vector<16xi32>
      %gather3A_69 = tpu.vector_load_idx %arg10[%add3A_68] : memref<2560xf32, #tpu.memory_space<vmem>>[vector<16xi32>], vector<16xf32>,
      %add3A_70 = arith.addf %add3A_65, %gather3A_69 : vector<16xf32>
      %add3A_71 = arith.constant 3 : i32
      %add3A_72 = vector.broadcast %add3A_71 : i32 to vector<16xi32>
      %add3A_73 = arith.addi %mul3A_60, %add3A_72 : vector<16xi32>
      %gather3A_74 = tpu.vector_load_idx %arg10[%add3A_73] : memref<2560xf32, #tpu.memory_space<vmem>>[vector<16xi32>], vector<16xf32>,
      %add3A_75 = arith.addf %add3A_70, %gather3A_74 : vector<16xf32>
      %add3A_76 = arith.constant 4 : i32
      %add3A_77 = vector.broadcast %add3A_76 : i32 to vector<16xi32>
      %add3A_78 = arith.addi %mul3A_60, %add3A_77 : vector<16xi32>
      %gather3A_79 = tpu.vector_load_idx %arg10[%add3A_78] : memref<2560xf32, #tpu.memory_space<vmem>>[vector<16xi32>], vector<16xf32>,
      %add3A_80 = arith.addf %add3A_75, %gather3A_79 : vector<16xf32>
      %mul3A_81 = arith.constant 16 : i32
      %mul3A_82 = arith.muli %scan3A_53, %mul3A_81 : i32
      %swap3A = arith.index_cast %mul3A_82 : i32 to index
      %swap3A_83 = tpu.vector_load %arg11[%swap3A] {strides = array<i32>} : memref<512xf32, #tpu.memory_space<vmem>>, vector<16xf32>,
      tpu.vector_store %arg11[%swap3A], %add3A_80 {strides = array<i32>} : memref<512xf32, #tpu.memory_space<vmem>>, vector<16xf32>,
    }
    %scan3A_23 = arith.constant 32 : i32
    tpu.wait_dma2 semaphore(%arg23 : memref<!tpu.dma_semaphore, #tpu.memory_space<semaphore_mem>>) src(%arg6 : memref<50000xf32, #tpu.memory_space<hbm>>) dst(%arg9 : memref<50000xf32, #tpu.memory_space<vmem>>)
    %scan3A_24 = arith.constant 0 : i32
    %scan3A_25 = arith.constant 0 : i32
    %scan3A_26 = arith.constant 12 : i32
    %scan3A_27 = arith.addi %scan3A_25, %scan3A_26 : i32
    %scan3A_28 = arith.constant 1 : i32
    scf.for %scan3A_53 = %scan3A_25 to %scan3A_27 step %scan3A_28  : i32 {
      %mul3A_54 = arith.constant 2 : i32
      %mul3A_55 = arith.muli %scan3A_53, %mul3A_54 : i32
      %add3A_56 = arith.constant 1 : i32
      %add3A_57 = arith.addi %mul3A_55, %add3A_56 : i32
      %mul3A_58 = arith.constant 2000 : i32
      %mul3A_59 = arith.muli %add3A_57, %mul3A_58 : i32
      %add3A_60 = arith.addi %mul3A_2, %mul3A_59 : i32
      %dma_start3A_61 = tpu.memref_slice %arg2[%add3A_60] : memref<1600000xi32, #tpu.memory_space<hbm>> -> memref<2000xi32, #tpu.memory_space<hbm>>
      %dma_start3A_62 = tpu.memref_slice %arg2[%add3A_60] : memref<1600000xi32, #tpu.memory_space<hbm>> -> memref<2000xi32, #tpu.memory_space<hbm>>
      tpu.enqueue_dma source(%dma_start3A_62 : memref<2000xi32, #tpu.memory_space<hbm>>) target(%arg14 : memref<2000xi32, #tpu.memory_space<vmem>>) target_semaphore(%arg22 : memref<!tpu.dma_semaphore, #tpu.memory_space<semaphore_mem>>)
      %dma_start3A_63 = tpu.memref_slice %arg3[%add3A_60] : memref<1600000xi32, #tpu.memory_space<hbm>> -> memref<2000xi32, #tpu.memory_space<hbm>>
      %dma_start3A_64 = tpu.memref_slice %arg3[%add3A_60] : memref<1600000xi32, #tpu.memory_space<hbm>> -> memref<2000xi32, #tpu.memory_space<hbm>>
      tpu.enqueue_dma source(%dma_start3A_64 : memref<2000xi32, #tpu.memory_space<hbm>>) target(%arg16 : memref<2000xi32, #tpu.memory_space<vmem>>) target_semaphore(%arg22 : memref<!tpu.dma_semaphore, #tpu.memory_space<semaphore_mem>>)
      %dma_start3A_65 = tpu.memref_slice %arg4[%add3A_60] : memref<1600000xi32, #tpu.memory_space<hbm>> -> memref<2000xi32, #tpu.memory_space<hbm>>
      %dma_start3A_66 = tpu.memref_slice %arg4[%add3A_60] : memref<1600000xi32, #tpu.memory_space<hbm>> -> memref<2000xi32, #tpu.memory_space<hbm>>
      tpu.enqueue_dma source(%dma_start3A_66 : memref<2000xi32, #tpu.memory_space<hbm>>) target(%arg18 : memref<2000xi32, #tpu.memory_space<vmem>>) target_semaphore(%arg22 : memref<!tpu.dma_semaphore, #tpu.memory_space<semaphore_mem>>)
      %dma_start3A_67 = tpu.memref_slice %arg5[%add3A_60] : memref<1600000xf32, #tpu.memory_space<hbm>> -> memref<2000xf32, #tpu.memory_space<hbm>>
      %dma_start3A_68 = tpu.memref_slice %arg5[%add3A_60] : memref<1600000xf32, #tpu.memory_space<hbm>> -> memref<2000xf32, #tpu.memory_space<hbm>>
      tpu.enqueue_dma source(%dma_start3A_68 : memref<2000xf32, #tpu.memory_space<hbm>>) target(%arg20 : memref<2000xf32, #tpu.memory_space<vmem>>) target_semaphore(%arg22 : memref<!tpu.dma_semaphore, #tpu.memory_space<semaphore_mem>>)
      %dma_wait3A_69 = arith.constant 0 : i32
      %dma_wait3A_70 = tpu.memref_slice %arg2[%dma_wait3A_69] : memref<1600000xi32, #tpu.memory_space<hbm>> -> memref<2000xi32, #tpu.memory_space<hbm>>
      %dma_wait3A_71 = arith.constant 0 : i32
      %dma_wait3A_72 = tpu.memref_slice %arg2[%dma_wait3A_71] : memref<1600000xi32, #tpu.memory_space<hbm>> -> memref<2000xi32, #tpu.memory_space<hbm>>
      tpu.wait_dma2 semaphore(%arg21 : memref<!tpu.dma_semaphore, #tpu.memory_space<semaphore_mem>>) src(%dma_wait3A_72 : memref<2000xi32, #tpu.memory_space<hbm>>) dst(%arg13 : memref<2000xi32, #tpu.memory_space<vmem>>)
      %dma_wait3A_73 = arith.constant 0 : i32
      %dma_wait3A_74 = tpu.memref_slice %arg3[%dma_wait3A_73] : memref<1600000xi32, #tpu.memory_space<hbm>> -> memref<2000xi32, #tpu.memory_space<hbm>>
      %dma_wait3A_75 = arith.constant 0 : i32
      %dma_wait3A_76 = tpu.memref_slice %arg3[%dma_wait3A_75] : memref<1600000xi32, #tpu.memory_space<hbm>> -> memref<2000xi32, #tpu.memory_space<hbm>>
      tpu.wait_dma2 semaphore(%arg21 : memref<!tpu.dma_semaphore, #tpu.memory_space<semaphore_mem>>) src(%dma_wait3A_76 : memref<2000xi32, #tpu.memory_space<hbm>>) dst(%arg15 : memref<2000xi32, #tpu.memory_space<vmem>>)
      %dma_wait3A_77 = arith.constant 0 : i32
      %dma_wait3A_78 = tpu.memref_slice %arg4[%dma_wait3A_77] : memref<1600000xi32, #tpu.memory_space<hbm>> -> memref<2000xi32, #tpu.memory_space<hbm>>
      %dma_wait3A_79 = arith.constant 0 : i32
      %dma_wait3A_80 = tpu.memref_slice %arg4[%dma_wait3A_79] : memref<1600000xi32, #tpu.memory_space<hbm>> -> memref<2000xi32, #tpu.memory_space<hbm>>
      tpu.wait_dma2 semaphore(%arg21 : memref<!tpu.dma_semaphore, #tpu.memory_space<semaphore_mem>>) src(%dma_wait3A_80 : memref<2000xi32, #tpu.memory_space<hbm>>) dst(%arg17 : memref<2000xi32, #tpu.memory_space<vmem>>)
      %dma_wait3A_81 = arith.constant 0 : i32
      %dma_wait3A_82 = tpu.memref_slice %arg5[%dma_wait3A_81] : memref<1600000xf32, #tpu.memory_space<hbm>> -> memref<2000xf32, #tpu.memory_space<hbm>>
      %dma_wait3A_83 = arith.constant 0 : i32
      %dma_wait3A_84 = tpu.memref_slice %arg5[%dma_wait3A_83] : memref<1600000xf32, #tpu.memory_space<hbm>> -> memref<2000xf32, #tpu.memory_space<hbm>>
      tpu.wait_dma2 semaphore(%arg21 : memref<!tpu.dma_semaphore, #tpu.memory_space<semaphore_mem>>) src(%dma_wait3A_84 : memref<2000xf32, #tpu.memory_space<hbm>>) dst(%arg19 : memref<2000xf32, #tpu.memory_space<vmem>>)
      %scan3A_85 = arith.constant 0 : i32
      %scan3A_86 = arith.constant 0 : i32
      %scan3A_87 = arith.constant 25 : i32
      %scan3A_88 = arith.addi %scan3A_86, %scan3A_87 : i32
      %scan3A_89 = arith.constant 1 : i32
      scf.for %scan3A_126 = %scan3A_86 to %scan3A_88 step %scan3A_89  : i32 {
        %mul3A_127 = arith.constant 5 : i32
        %mul3A_128 = arith.muli %scan3A_126, %mul3A_127 : i32
        %add3A_129 = arith.constant 0 : i32
        %add3A_130 = arith.addi %mul3A_128, %add3A_129 : i32
        %mul3A_131 = arith.constant 16 : i32
        %mul3A_132 = arith.muli %add3A_130, %mul3A_131 : i32
        %get3A = arith.index_cast %mul3A_132 : i32 to index
        %get3A_133 = tpu.vector_load %arg13[%get3A] {strides = array<i32>} : memref<2000xi32, #tpu.memory_space<vmem>>, vector<16xi32>,
        %mul3A_134 = arith.constant 16 : i32
        %mul3A_135 = arith.muli %add3A_130, %mul3A_134 : i32
        %get3A_136 = arith.index_cast %mul3A_135 : i32 to index
        %get3A_137 = tpu.vector_load %arg15[%get3A_136] {strides = array<i32>} : memref<2000xi32, #tpu.memory_space<vmem>>, vector<16xi32>,
        %mul3A_138 = arith.constant 16 : i32
        %mul3A_139 = arith.muli %add3A_130, %mul3A_138 : i32
        %get3A_140 = arith.index_cast %mul3A_139 : i32 to index
        %get3A_141 = tpu.vector_load %arg17[%get3A_140] {strides = array<i32>} : memref<2000xi32, #tpu.memory_space<vmem>>, vector<16xi32>,
        %mul3A_142 = arith.constant 16 : i32
        %mul3A_143 = arith.muli %add3A_130, %mul3A_142 : i32
        %get3A_144 = arith.index_cast %mul3A_143 : i32 to index
        %get3A_145 = tpu.vector_load %arg19[%get3A_144] {strides = array<i32>} : memref<2000xf32, #tpu.memory_space<vmem>>, vector<16xf32>,
        %gather3A = tpu.vector_load_idx %arg9[%get3A_133] : memref<50000xf32, #tpu.memory_space<vmem>>[vector<16xi32>], vector<16xf32>,
        %gather3A_146 = tpu.vector_load_idx %arg11[%get3A_141] : memref<512xf32, #tpu.memory_space<vmem>>[vector<16xi32>], vector<16xf32>,
        %mul3A_147 = arith.mulf %gather3A, %get3A_145 : vector<16xf32>
        %mul3A_148 = arith.mulf %mul3A_147, %gather3A_146 : vector<16xf32>
        %gt3A = arith.constant 0.000000e+00 : f32
        %gt3A_149 = vector.broadcast %gt3A : f32 to vector<16xf32>
        %gt3A_150 = arith.cmpf ogt, %gather3A, %gt3A_149 : vector<16xf32>
        tpu.vector_store_idx %arg12[%get3A_137], %mul3A_148 masked %gt3A_150 {add = true} : memref<50176xf32, #tpu.memory_space<vmem>>[vector<16xi32>], vector<16xf32>, vector<16xi1>
        %mul3A_151 = arith.constant 5 : i32
        %mul3A_152 = arith.muli %scan3A_126, %mul3A_151 : i32
        %add3A_153 = arith.constant 1 : i32
        %add3A_154 = arith.addi %mul3A_152, %add3A_153 : i32
        %mul3A_155 = arith.constant 16 : i32
        %mul3A_156 = arith.muli %add3A_154, %mul3A_155 : i32
        %get3A_157 = arith.index_cast %mul3A_156 : i32 to index
        %get3A_158 = tpu.vector_load %arg13[%get3A_157] {strides = array<i32>} : memref<2000xi32, #tpu.memory_space<vmem>>, vector<16xi32>,
        %mul3A_159 = arith.constant 16 : i32
        %mul3A_160 = arith.muli %add3A_154, %mul3A_159 : i32
        %get3A_161 = arith.index_cast %mul3A_160 : i32 to index
        %get3A_162 = tpu.vector_load %arg15[%get3A_161] {strides = array<i32>} : memref<2000xi32, #tpu.memory_space<vmem>>, vector<16xi32>,
        %mul3A_163 = arith.constant 16 : i32
        %mul3A_164 = arith.muli %add3A_154, %mul3A_163 : i32
        %get3A_165 = arith.index_cast %mul3A_164 : i32 to index
        %get3A_166 = tpu.vector_load %arg17[%get3A_165] {strides = array<i32>} : memref<2000xi32, #tpu.memory_space<vmem>>, vector<16xi32>,
        %mul3A_167 = arith.constant 16 : i32
        %mul3A_168 = arith.muli %add3A_154, %mul3A_167 : i32
        %get3A_169 = arith.index_cast %mul3A_168 : i32 to index
        %get3A_170 = tpu.vector_load %arg19[%get3A_169] {strides = array<i32>} : memref<2000xf32, #tpu.memory_space<vmem>>, vector<16xf32>,
        %gather3A_171 = tpu.vector_load_idx %arg9[%get3A_158] : memref<50000xf32, #tpu.memory_space<vmem>>[vector<16xi32>], vector<16xf32>,
        %gather3A_172 = tpu.vector_load_idx %arg11[%get3A_166] : memref<512xf32, #tpu.memory_space<vmem>>[vector<16xi32>], vector<16xf32>,
        %mul3A_173 = arith.mulf %gather3A_171, %get3A_170 : vector<16xf32>
        %mul3A_174 = arith.mulf %mul3A_173, %gather3A_172 : vector<16xf32>
        %gt3A_175 = arith.constant 0.000000e+00 : f32
        %gt3A_176 = vector.broadcast %gt3A_175 : f32 to vector<16xf32>
        %gt3A_177 = arith.cmpf ogt, %gather3A_171, %gt3A_176 : vector<16xf32>
        tpu.vector_store_idx %arg12[%get3A_162], %mul3A_174 masked %gt3A_177 {add = true} : memref<50176xf32, #tpu.memory_space<vmem>>[vector<16xi32>], vector<16xf32>, vector<16xi1>
        %mul3A_178 = arith.constant 5 : i32
        %mul3A_179 = arith.muli %scan3A_126, %mul3A_178 : i32
        %add3A_180 = arith.constant 2 : i32
        %add3A_181 = arith.addi %mul3A_179, %add3A_180 : i32
        %mul3A_182 = arith.constant 16 : i32
        %mul3A_183 = arith.muli %add3A_181, %mul3A_182 : i32
        %get3A_184 = arith.index_cast %mul3A_183 : i32 to index
        %get3A_185 = tpu.vector_load %arg13[%get3A_184] {strides = array<i32>} : memref<2000xi32, #tpu.memory_space<vmem>>, vector<16xi32>,
        %mul3A_186 = arith.constant 16 : i32
        %mul3A_187 = arith.muli %add3A_181, %mul3A_186 : i32
        %get3A_188 = arith.index_cast %mul3A_187 : i32 to index
        %get3A_189 = tpu.vector_load %arg15[%get3A_188] {strides = array<i32>} : memref<2000xi32, #tpu.memory_space<vmem>>, vector<16xi32>,
        %mul3A_190 = arith.constant 16 : i32
        %mul3A_191 = arith.muli %add3A_181, %mul3A_190 : i32
        %get3A_192 = arith.index_cast %mul3A_191 : i32 to index
        %get3A_193 = tpu.vector_load %arg17[%get3A_192] {strides = array<i32>} : memref<2000xi32, #tpu.memory_space<vmem>>, vector<16xi32>,
        %mul3A_194 = arith.constant 16 : i32
        %mul3A_195 = arith.muli %add3A_181, %mul3A_194 : i32
        %get3A_196 = arith.index_cast %mul3A_195 : i32 to index
        %get3A_197 = tpu.vector_load %arg19[%get3A_196] {strides = array<i32>} : memref<2000xf32, #tpu.memory_space<vmem>>, vector<16xf32>,
        %gather3A_198 = tpu.vector_load_idx %arg9[%get3A_185] : memref<50000xf32, #tpu.memory_space<vmem>>[vector<16xi32>], vector<16xf32>,
        %gather3A_199 = tpu.vector_load_idx %arg11[%get3A_193] : memref<512xf32, #tpu.memory_space<vmem>>[vector<16xi32>], vector<16xf32>,
        %mul3A_200 = arith.mulf %gather3A_198, %get3A_197 : vector<16xf32>
        %mul3A_201 = arith.mulf %mul3A_200, %gather3A_199 : vector<16xf32>
        %gt3A_202 = arith.constant 0.000000e+00 : f32
        %gt3A_203 = vector.broadcast %gt3A_202 : f32 to vector<16xf32>
        %gt3A_204 = arith.cmpf ogt, %gather3A_198, %gt3A_203 : vector<16xf32>
        tpu.vector_store_idx %arg12[%get3A_189], %mul3A_201 masked %gt3A_204 {add = true} : memref<50176xf32, #tpu.memory_space<vmem>>[vector<16xi32>], vector<16xf32>, vector<16xi1>
        %mul3A_205 = arith.constant 5 : i32
        %mul3A_206 = arith.muli %scan3A_126, %mul3A_205 : i32
        %add3A_207 = arith.constant 3 : i32
        %add3A_208 = arith.addi %mul3A_206, %add3A_207 : i32
        %mul3A_209 = arith.constant 16 : i32
        %mul3A_210 = arith.muli %add3A_208, %mul3A_209 : i32
        %get3A_211 = arith.index_cast %mul3A_210 : i32 to index
        %get3A_212 = tpu.vector_load %arg13[%get3A_211] {strides = array<i32>} : memref<2000xi32, #tpu.memory_space<vmem>>, vector<16xi32>,
        %mul3A_213 = arith.constant 16 : i32
        %mul3A_214 = arith.muli %add3A_208, %mul3A_213 : i32
        %get3A_215 = arith.index_cast %mul3A_214 : i32 to index
        %get3A_216 = tpu.vector_load %arg15[%get3A_215] {strides = array<i32>} : memref<2000xi32, #tpu.memory_space<vmem>>, vector<16xi32>,
        %mul3A_217 = arith.constant 16 : i32
        %mul3A_218 = arith.muli %add3A_208, %mul3A_217 : i32
        %get3A_219 = arith.index_cast %mul3A_218 : i32 to index
        %get3A_220 = tpu.vector_load %arg17[%get3A_219] {strides = array<i32>} : memref<2000xi32, #tpu.memory_space<vmem>>, vector<16xi32>,
        %mul3A_221 = arith.constant 16 : i32
        %mul3A_222 = arith.muli %add3A_208, %mul3A_221 : i32
        %get3A_223 = arith.index_cast %mul3A_222 : i32 to index
        %get3A_224 = tpu.vector_load %arg19[%get3A_223] {strides = array<i32>} : memref<2000xf32, #tpu.memory_space<vmem>>, vector<16xf32>,
        %gather3A_225 = tpu.vector_load_idx %arg9[%get3A_212] : memref<50000xf32, #tpu.memory_space<vmem>>[vector<16xi32>], vector<16xf32>,
        %gather3A_226 = tpu.vector_load_idx %arg11[%get3A_220] : memref<512xf32, #tpu.memory_space<vmem>>[vector<16xi32>], vector<16xf32>,
        %mul3A_227 = arith.mulf %gather3A_225, %get3A_224 : vector<16xf32>
        %mul3A_228 = arith.mulf %mul3A_227, %gather3A_226 : vector<16xf32>
        %gt3A_229 = arith.constant 0.000000e+00 : f32
        %gt3A_230 = vector.broadcast %gt3A_229 : f32 to vector<16xf32>
        %gt3A_231 = arith.cmpf ogt, %gather3A_225, %gt3A_230 : vector<16xf32>
        tpu.vector_store_idx %arg12[%get3A_216], %mul3A_228 masked %gt3A_231 {add = true} : memref<50176xf32, #tpu.memory_space<vmem>>[vector<16xi32>], vector<16xf32>, vector<16xi1>
        %mul3A_232 = arith.constant 5 : i32
        %mul3A_233 = arith.muli %scan3A_126, %mul3A_232 : i32
        %add3A_234 = arith.constant 4 : i32
        %add3A_235 = arith.addi %mul3A_233, %add3A_234 : i32
        %mul3A_236 = arith.constant 16 : i32
        %mul3A_237 = arith.muli %add3A_235, %mul3A_236 : i32
        %get3A_238 = arith.index_cast %mul3A_237 : i32 to index
        %get3A_239 = tpu.vector_load %arg13[%get3A_238] {strides = array<i32>} : memref<2000xi32, #tpu.memory_space<vmem>>, vector<16xi32>,
        %mul3A_240 = arith.constant 16 : i32
        %mul3A_241 = arith.muli %add3A_235, %mul3A_240 : i32
        %get3A_242 = arith.index_cast %mul3A_241 : i32 to index
        %get3A_243 = tpu.vector_load %arg15[%get3A_242] {strides = array<i32>} : memref<2000xi32, #tpu.memory_space<vmem>>, vector<16xi32>,
        %mul3A_244 = arith.constant 16 : i32
        %mul3A_245 = arith.muli %add3A_235, %mul3A_244 : i32
        %get3A_246 = arith.index_cast %mul3A_245 : i32 to index
        %get3A_247 = tpu.vector_load %arg17[%get3A_246] {strides = array<i32>} : memref<2000xi32, #tpu.memory_space<vmem>>, vector<16xi32>,
        %mul3A_248 = arith.constant 16 : i32
        %mul3A_249 = arith.muli %add3A_235, %mul3A_248 : i32
        %get3A_250 = arith.index_cast %mul3A_249 : i32 to index
        %get3A_251 = tpu.vector_load %arg19[%get3A_250] {strides = array<i32>} : memref<2000xf32, #tpu.memory_space<vmem>>, vector<16xf32>,
        %gather3A_252 = tpu.vector_load_idx %arg9[%get3A_239] : memref<50000xf32, #tpu.memory_space<vmem>>[vector<16xi32>], vector<16xf32>,
        %gather3A_253 = tpu.vector_load_idx %arg11[%get3A_247] : memref<512xf32, #tpu.memory_space<vmem>>[vector<16xi32>], vector<16xf32>,
        %mul3A_254 = arith.mulf %gather3A_252, %get3A_251 : vector<16xf32>
        %mul3A_255 = arith.mulf %mul3A_254, %gather3A_253 : vector<16xf32>
        %gt3A_256 = arith.constant 0.000000e+00 : f32
        %gt3A_257 = vector.broadcast %gt3A_256 : f32 to vector<16xf32>
        %gt3A_258 = arith.cmpf ogt, %gather3A_252, %gt3A_257 : vector<16xf32>
        tpu.vector_store_idx %arg12[%get3A_243], %mul3A_255 masked %gt3A_258 {add = true} : memref<50176xf32, #tpu.memory_space<vmem>>[vector<16xi32>], vector<16xf32>, vector<16xi1>
      }
      %scan3A_90 = arith.constant 25 : i32
      %add3A_91 = arith.constant 2 : i32
      %add3A_92 = arith.addi %mul3A_55, %add3A_91 : i32
      %mul3A_93 = arith.constant 2000 : i32
      %mul3A_94 = arith.muli %add3A_92, %mul3A_93 : i32
      %add3A_95 = arith.addi %mul3A_2, %mul3A_94 : i32
      %dma_start3A_96 = tpu.memref_slice %arg2[%add3A_95] : memref<1600000xi32, #tpu.memory_space<hbm>> -> memref<2000xi32, #tpu.memory_space<hbm>>
      %dma_start3A_97 = tpu.memref_slice %arg2[%add3A_95] : memref<1600000xi32, #tpu.memory_space<hbm>> -> memref<2000xi32, #tpu.memory_space<hbm>>
      tpu.enqueue_dma source(%dma_start3A_97 : memref<2000xi32, #tpu.memory_space<hbm>>) target(%arg13 : memref<2000xi32, #tpu.memory_space<vmem>>) target_semaphore(%arg21 : memref<!tpu.dma_semaphore, #tpu.memory_space<semaphore_mem>>)
      %dma_start3A_98 = tpu.memref_slice %arg3[%add3A_95] : memref<1600000xi32, #tpu.memory_space<hbm>> -> memref<2000xi32, #tpu.memory_space<hbm>>
      %dma_start3A_99 = tpu.memref_slice %arg3[%add3A_95] : memref<1600000xi32, #tpu.memory_space<hbm>> -> memref<2000xi32, #tpu.memory_space<hbm>>
      tpu.enqueue_dma source(%dma_start3A_99 : memref<2000xi32, #tpu.memory_space<hbm>>) target(%arg15 : memref<2000xi32, #tpu.memory_space<vmem>>) target_semaphore(%arg21 : memref<!tpu.dma_semaphore, #tpu.memory_space<semaphore_mem>>)
      %dma_start3A_100 = tpu.memref_slice %arg4[%add3A_95] : memref<1600000xi32, #tpu.memory_space<hbm>> -> memref<2000xi32, #tpu.memory_space<hbm>>
      %dma_start3A_101 = tpu.memref_slice %arg4[%add3A_95] : memref<1600000xi32, #tpu.memory_space<hbm>> -> memref<2000xi32, #tpu.memory_space<hbm>>
      tpu.enqueue_dma source(%dma_start3A_101 : memref<2000xi32, #tpu.memory_space<hbm>>) target(%arg17 : memref<2000xi32, #tpu.memory_space<vmem>>) target_semaphore(%arg21 : memref<!tpu.dma_semaphore, #tpu.memory_space<semaphore_mem>>)
      %dma_start3A_102 = tpu.memref_slice %arg5[%add3A_95] : memref<1600000xf32, #tpu.memory_space<hbm>> -> memref<2000xf32, #tpu.memory_space<hbm>>
      %dma_start3A_103 = tpu.memref_slice %arg5[%add3A_95] : memref<1600000xf32, #tpu.memory_space<hbm>> -> memref<2000xf32, #tpu.memory_space<hbm>>
      tpu.enqueue_dma source(%dma_start3A_103 : memref<2000xf32, #tpu.memory_space<hbm>>) target(%arg19 : memref<2000xf32, #tpu.memory_space<vmem>>) target_semaphore(%arg21 : memref<!tpu.dma_semaphore, #tpu.memory_space<semaphore_mem>>)
      %dma_wait3A_104 = arith.constant 0 : i32
      %dma_wait3A_105 = tpu.memref_slice %arg2[%dma_wait3A_104] : memref<1600000xi32, #tpu.memory_space<hbm>> -> memref<2000xi32, #tpu.memory_space<hbm>>
      %dma_wait3A_106 = arith.constant 0 : i32
      %dma_wait3A_107 = tpu.memref_slice %arg2[%dma_wait3A_106] : memref<1600000xi32, #tpu.memory_space<hbm>> -> memref<2000xi32, #tpu.memory_space<hbm>>
      tpu.wait_dma2 semaphore(%arg22 : memref<!tpu.dma_semaphore, #tpu.memory_space<semaphore_mem>>) src(%dma_wait3A_107 : memref<2000xi32, #tpu.memory_space<hbm>>) dst(%arg14 : memref<2000xi32, #tpu.memory_space<vmem>>)
      %dma_wait3A_108 = arith.constant 0 : i32
      %dma_wait3A_109 = tpu.memref_slice %arg3[%dma_wait3A_108] : memref<1600000xi32, #tpu.memory_space<hbm>> -> memref<2000xi32, #tpu.memory_space<hbm>>
      %dma_wait3A_110 = arith.constant 0 : i32
      %dma_wait3A_111 = tpu.memref_slice %arg3[%dma_wait3A_110] : memref<1600000xi32, #tpu.memory_space<hbm>> -> memref<2000xi32, #tpu.memory_space<hbm>>
      tpu.wait_dma2 semaphore(%arg22 : memref<!tpu.dma_semaphore, #tpu.memory_space<semaphore_mem>>) src(%dma_wait3A_111 : memref<2000xi32, #tpu.memory_space<hbm>>) dst(%arg16 : memref<2000xi32, #tpu.memory_space<vmem>>)
      %dma_wait3A_112 = arith.constant 0 : i32
      %dma_wait3A_113 = tpu.memref_slice %arg4[%dma_wait3A_112] : memref<1600000xi32, #tpu.memory_space<hbm>> -> memref<2000xi32, #tpu.memory_space<hbm>>
      %dma_wait3A_114 = arith.constant 0 : i32
      %dma_wait3A_115 = tpu.memref_slice %arg4[%dma_wait3A_114] : memref<1600000xi32, #tpu.memory_space<hbm>> -> memref<2000xi32, #tpu.memory_space<hbm>>
      tpu.wait_dma2 semaphore(%arg22 : memref<!tpu.dma_semaphore, #tpu.memory_space<semaphore_mem>>) src(%dma_wait3A_115 : memref<2000xi32, #tpu.memory_space<hbm>>) dst(%arg18 : memref<2000xi32, #tpu.memory_space<vmem>>)
      %dma_wait3A_116 = arith.constant 0 : i32
      %dma_wait3A_117 = tpu.memref_slice %arg5[%dma_wait3A_116] : memref<1600000xf32, #tpu.memory_space<hbm>> -> memref<2000xf32, #tpu.memory_space<hbm>>
      %dma_wait3A_118 = arith.constant 0 : i32
      %dma_wait3A_119 = tpu.memref_slice %arg5[%dma_wait3A_118] : memref<1600000xf32, #tpu.memory_space<hbm>> -> memref<2000xf32, #tpu.memory_space<hbm>>
      tpu.wait_dma2 semaphore(%arg22 : memref<!tpu.dma_semaphore, #tpu.memory_space<semaphore_mem>>) src(%dma_wait3A_119 : memref<2000xf32, #tpu.memory_space<hbm>>) dst(%arg20 : memref<2000xf32, #tpu.memory_space<vmem>>)
      %scan3A_120 = arith.constant 0 : i32
      %scan3A_121 = arith.constant 0 : i32
      %scan3A_122 = arith.constant 25 : i32
      %scan3A_123 = arith.addi %scan3A_121, %scan3A_122 : i32
      %scan3A_124 = arith.constant 1 : i32
      scf.for %scan3A_126 = %scan3A_121 to %scan3A_123 step %scan3A_124  : i32 {
        %mul3A_127 = arith.constant 5 : i32
        %mul3A_128 = arith.muli %scan3A_126, %mul3A_127 : i32
        %add3A_129 = arith.constant 0 : i32
        %add3A_130 = arith.addi %mul3A_128, %add3A_129 : i32
        %mul3A_131 = arith.constant 16 : i32
        %mul3A_132 = arith.muli %add3A_130, %mul3A_131 : i32
        %get3A = arith.index_cast %mul3A_132 : i32 to index
        %get3A_133 = tpu.vector_load %arg14[%get3A] {strides = array<i32>} : memref<2000xi32, #tpu.memory_space<vmem>>, vector<16xi32>,
        %mul3A_134 = arith.constant 16 : i32
        %mul3A_135 = arith.muli %add3A_130, %mul3A_134 : i32
        %get3A_136 = arith.index_cast %mul3A_135 : i32 to index
        %get3A_137 = tpu.vector_load %arg16[%get3A_136] {strides = array<i32>} : memref<2000xi32, #tpu.memory_space<vmem>>, vector<16xi32>,
        %mul3A_138 = arith.constant 16 : i32
        %mul3A_139 = arith.muli %add3A_130, %mul3A_138 : i32
        %get3A_140 = arith.index_cast %mul3A_139 : i32 to index
        %get3A_141 = tpu.vector_load %arg18[%get3A_140] {strides = array<i32>} : memref<2000xi32, #tpu.memory_space<vmem>>, vector<16xi32>,
        %mul3A_142 = arith.constant 16 : i32
        %mul3A_143 = arith.muli %add3A_130, %mul3A_142 : i32
        %get3A_144 = arith.index_cast %mul3A_143 : i32 to index
        %get3A_145 = tpu.vector_load %arg20[%get3A_144] {strides = array<i32>} : memref<2000xf32, #tpu.memory_space<vmem>>, vector<16xf32>,
        %gather3A = tpu.vector_load_idx %arg9[%get3A_133] : memref<50000xf32, #tpu.memory_space<vmem>>[vector<16xi32>], vector<16xf32>,
        %gather3A_146 = tpu.vector_load_idx %arg11[%get3A_141] : memref<512xf32, #tpu.memory_space<vmem>>[vector<16xi32>], vector<16xf32>,
        %mul3A_147 = arith.mulf %gather3A, %get3A_145 : vector<16xf32>
        %mul3A_148 = arith.mulf %mul3A_147, %gather3A_146 : vector<16xf32>
        %gt3A = arith.constant 0.000000e+00 : f32
        %gt3A_149 = vector.broadcast %gt3A : f32 to vector<16xf32>
        %gt3A_150 = arith.cmpf ogt, %gather3A, %gt3A_149 : vector<16xf32>
        tpu.vector_store_idx %arg12[%get3A_137], %mul3A_148 masked %gt3A_150 {add = true} : memref<50176xf32, #tpu.memory_space<vmem>>[vector<16xi32>], vector<16xf32>, vector<16xi1>
        %mul3A_151 = arith.constant 5 : i32
        %mul3A_152 = arith.muli %scan3A_126, %mul3A_151 : i32
        %add3A_153 = arith.constant 1 : i32
        %add3A_154 = arith.addi %mul3A_152, %add3A_153 : i32
        %mul3A_155 = arith.constant 16 : i32
        %mul3A_156 = arith.muli %add3A_154, %mul3A_155 : i32
        %get3A_157 = arith.index_cast %mul3A_156 : i32 to index
        %get3A_158 = tpu.vector_load %arg14[%get3A_157] {strides = array<i32>} : memref<2000xi32, #tpu.memory_space<vmem>>, vector<16xi32>,
        %mul3A_159 = arith.constant 16 : i32
        %mul3A_160 = arith.muli %add3A_154, %mul3A_159 : i32
        %get3A_161 = arith.index_cast %mul3A_160 : i32 to index
        %get3A_162 = tpu.vector_load %arg16[%get3A_161] {strides = array<i32>} : memref<2000xi32, #tpu.memory_space<vmem>>, vector<16xi32>,
        %mul3A_163 = arith.constant 16 : i32
        %mul3A_164 = arith.muli %add3A_154, %mul3A_163 : i32
        %get3A_165 = arith.index_cast %mul3A_164 : i32 to index
        %get3A_166 = tpu.vector_load %arg18[%get3A_165] {strides = array<i32>} : memref<2000xi32, #tpu.memory_space<vmem>>, vector<16xi32>,
        %mul3A_167 = arith.constant 16 : i32
        %mul3A_168 = arith.muli %add3A_154, %mul3A_167 : i32
        %get3A_169 = arith.index_cast %mul3A_168 : i32 to index
        %get3A_170 = tpu.vector_load %arg20[%get3A_169] {strides = array<i32>} : memref<2000xf32, #tpu.memory_space<vmem>>, vector<16xf32>,
        %gather3A_171 = tpu.vector_load_idx %arg9[%get3A_158] : memref<50000xf32, #tpu.memory_space<vmem>>[vector<16xi32>], vector<16xf32>,
        %gather3A_172 = tpu.vector_load_idx %arg11[%get3A_166] : memref<512xf32, #tpu.memory_space<vmem>>[vector<16xi32>], vector<16xf32>,
        %mul3A_173 = arith.mulf %gather3A_171, %get3A_170 : vector<16xf32>
        %mul3A_174 = arith.mulf %mul3A_173, %gather3A_172 : vector<16xf32>
        %gt3A_175 = arith.constant 0.000000e+00 : f32
        %gt3A_176 = vector.broadcast %gt3A_175 : f32 to vector<16xf32>
        %gt3A_177 = arith.cmpf ogt, %gather3A_171, %gt3A_176 : vector<16xf32>
        tpu.vector_store_idx %arg12[%get3A_162], %mul3A_174 masked %gt3A_177 {add = true} : memref<50176xf32, #tpu.memory_space<vmem>>[vector<16xi32>], vector<16xf32>, vector<16xi1>
        %mul3A_178 = arith.constant 5 : i32
        %mul3A_179 = arith.muli %scan3A_126, %mul3A_178 : i32
        %add3A_180 = arith.constant 2 : i32
        %add3A_181 = arith.addi %mul3A_179, %add3A_180 : i32
        %mul3A_182 = arith.constant 16 : i32
        %mul3A_183 = arith.muli %add3A_181, %mul3A_182 : i32
        %get3A_184 = arith.index_cast %mul3A_183 : i32 to index
        %get3A_185 = tpu.vector_load %arg14[%get3A_184] {strides = array<i32>} : memref<2000xi32, #tpu.memory_space<vmem>>, vector<16xi32>,
        %mul3A_186 = arith.constant 16 : i32
        %mul3A_187 = arith.muli %add3A_181, %mul3A_186 : i32
        %get3A_188 = arith.index_cast %mul3A_187 : i32 to index
        %get3A_189 = tpu.vector_load %arg16[%get3A_188] {strides = array<i32>} : memref<2000xi32, #tpu.memory_space<vmem>>, vector<16xi32>,
        %mul3A_190 = arith.constant 16 : i32
        %mul3A_191 = arith.muli %add3A_181, %mul3A_190 : i32
        %get3A_192 = arith.index_cast %mul3A_191 : i32 to index
        %get3A_193 = tpu.vector_load %arg18[%get3A_192] {strides = array<i32>} : memref<2000xi32, #tpu.memory_space<vmem>>, vector<16xi32>,
        %mul3A_194 = arith.constant 16 : i32
        %mul3A_195 = arith.muli %add3A_181, %mul3A_194 : i32
        %get3A_196 = arith.index_cast %mul3A_195 : i32 to index
        %get3A_197 = tpu.vector_load %arg20[%get3A_196] {strides = array<i32>} : memref<2000xf32, #tpu.memory_space<vmem>>, vector<16xf32>,
        %gather3A_198 = tpu.vector_load_idx %arg9[%get3A_185] : memref<50000xf32, #tpu.memory_space<vmem>>[vector<16xi32>], vector<16xf32>,
        %gather3A_199 = tpu.vector_load_idx %arg11[%get3A_193] : memref<512xf32, #tpu.memory_space<vmem>>[vector<16xi32>], vector<16xf32>,
        %mul3A_200 = arith.mulf %gather3A_198, %get3A_197 : vector<16xf32>
        %mul3A_201 = arith.mulf %mul3A_200, %gather3A_199 : vector<16xf32>
        %gt3A_202 = arith.constant 0.000000e+00 : f32
        %gt3A_203 = vector.broadcast %gt3A_202 : f32 to vector<16xf32>
        %gt3A_204 = arith.cmpf ogt, %gather3A_198, %gt3A_203 : vector<16xf32>
        tpu.vector_store_idx %arg12[%get3A_189], %mul3A_201 masked %gt3A_204 {add = true} : memref<50176xf32, #tpu.memory_space<vmem>>[vector<16xi32>], vector<16xf32>, vector<16xi1>
        %mul3A_205 = arith.constant 5 : i32
        %mul3A_206 = arith.muli %scan3A_126, %mul3A_205 : i32
        %add3A_207 = arith.constant 3 : i32
        %add3A_208 = arith.addi %mul3A_206, %add3A_207 : i32
        %mul3A_209 = arith.constant 16 : i32
        %mul3A_210 = arith.muli %add3A_208, %mul3A_209 : i32
        %get3A_211 = arith.index_cast %mul3A_210 : i32 to index
        %get3A_212 = tpu.vector_load %arg14[%get3A_211] {strides = array<i32>} : memref<2000xi32, #tpu.memory_space<vmem>>, vector<16xi32>,
        %mul3A_213 = arith.constant 16 : i32
        %mul3A_214 = arith.muli %add3A_208, %mul3A_213 : i32
        %get3A_215 = arith.index_cast %mul3A_214 : i32 to index
        %get3A_216 = tpu.vector_load %arg16[%get3A_215] {strides = array<i32>} : memref<2000xi32, #tpu.memory_space<vmem>>, vector<16xi32>,
        %mul3A_217 = arith.constant 16 : i32
        %mul3A_218 = arith.muli %add3A_208, %mul3A_217 : i32
        %get3A_219 = arith.index_cast %mul3A_218 : i32 to index
        %get3A_220 = tpu.vector_load %arg18[%get3A_219] {strides = array<i32>} : memref<2000xi32, #tpu.memory_space<vmem>>, vector<16xi32>,
        %mul3A_221 = arith.constant 16 : i32
        %mul3A_222 = arith.muli %add3A_208, %mul3A_221 : i32
        %get3A_223 = arith.index_cast %mul3A_222 : i32 to index
        %get3A_224 = tpu.vector_load %arg20[%get3A_223] {strides = array<i32>} : memref<2000xf32, #tpu.memory_space<vmem>>, vector<16xf32>,
        %gather3A_225 = tpu.vector_load_idx %arg9[%get3A_212] : memref<50000xf32, #tpu.memory_space<vmem>>[vector<16xi32>], vector<16xf32>,
        %gather3A_226 = tpu.vector_load_idx %arg11[%get3A_220] : memref<512xf32, #tpu.memory_space<vmem>>[vector<16xi32>], vector<16xf32>,
        %mul3A_227 = arith.mulf %gather3A_225, %get3A_224 : vector<16xf32>
        %mul3A_228 = arith.mulf %mul3A_227, %gather3A_226 : vector<16xf32>
        %gt3A_229 = arith.constant 0.000000e+00 : f32
        %gt3A_230 = vector.broadcast %gt3A_229 : f32 to vector<16xf32>
        %gt3A_231 = arith.cmpf ogt, %gather3A_225, %gt3A_230 : vector<16xf32>
        tpu.vector_store_idx %arg12[%get3A_216], %mul3A_228 masked %gt3A_231 {add = true} : memref<50176xf32, #tpu.memory_space<vmem>>[vector<16xi32>], vector<16xf32>, vector<16xi1>
        %mul3A_232 = arith.constant 5 : i32
        %mul3A_233 = arith.muli %scan3A_126, %mul3A_232 : i32
        %add3A_234 = arith.constant 4 : i32
        %add3A_235 = arith.addi %mul3A_233, %add3A_234 : i32
        %mul3A_236 = arith.constant 16 : i32
        %mul3A_237 = arith.muli %add3A_235, %mul3A_236 : i32
        %get3A_238 = arith.index_cast %mul3A_237 : i32 to index
        %get3A_239 = tpu.vector_load %arg14[%get3A_238] {strides = array<i32>} : memref<2000xi32, #tpu.memory_space<vmem>>, vector<16xi32>,
        %mul3A_240 = arith.constant 16 : i32
        %mul3A_241 = arith.muli %add3A_235, %mul3A_240 : i32
        %get3A_242 = arith.index_cast %mul3A_241 : i32 to index
        %get3A_243 = tpu.vector_load %arg16[%get3A_242] {strides = array<i32>} : memref<2000xi32, #tpu.memory_space<vmem>>, vector<16xi32>,
        %mul3A_244 = arith.constant 16 : i32
        %mul3A_245 = arith.muli %add3A_235, %mul3A_244 : i32
        %get3A_246 = arith.index_cast %mul3A_245 : i32 to index
        %get3A_247 = tpu.vector_load %arg18[%get3A_246] {strides = array<i32>} : memref<2000xi32, #tpu.memory_space<vmem>>, vector<16xi32>,
        %mul3A_248 = arith.constant 16 : i32
        %mul3A_249 = arith.muli %add3A_235, %mul3A_248 : i32
        %get3A_250 = arith.index_cast %mul3A_249 : i32 to index
        %get3A_251 = tpu.vector_load %arg20[%get3A_250] {strides = array<i32>} : memref<2000xf32, #tpu.memory_space<vmem>>, vector<16xf32>,
        %gather3A_252 = tpu.vector_load_idx %arg9[%get3A_239] : memref<50000xf32, #tpu.memory_space<vmem>>[vector<16xi32>], vector<16xf32>,
        %gather3A_253 = tpu.vector_load_idx %arg11[%get3A_247] : memref<512xf32, #tpu.memory_space<vmem>>[vector<16xi32>], vector<16xf32>,
        %mul3A_254 = arith.mulf %gather3A_252, %get3A_251 : vector<16xf32>
        %mul3A_255 = arith.mulf %mul3A_254, %gather3A_253 : vector<16xf32>
        %gt3A_256 = arith.constant 0.000000e+00 : f32
        %gt3A_257 = vector.broadcast %gt3A_256 : f32 to vector<16xf32>
        %gt3A_258 = arith.cmpf ogt, %gather3A_252, %gt3A_257 : vector<16xf32>
        tpu.vector_store_idx %arg12[%get3A_243], %mul3A_255 masked %gt3A_258 {add = true} : memref<50176xf32, #tpu.memory_space<vmem>>[vector<16xi32>], vector<16xf32>, vector<16xi1>
      }
      %scan3A_125 = arith.constant 25 : i32
    }
    %scan3A_29 = arith.constant 12 : i32
    %dma_wait3A = arith.constant 0 : i32
    %dma_wait3A_30 = tpu.memref_slice %arg2[%dma_wait3A] : memref<1600000xi32, #tpu.memory_space<hbm>> -> memref<2000xi32, #tpu.memory_space<hbm>>
    %dma_wait3A_31 = arith.constant 0 : i32
    %dma_wait3A_32 = tpu.memref_slice %arg2[%dma_wait3A_31] : memref<1600000xi32, #tpu.memory_space<hbm>> -> memref<2000xi32, #tpu.memory_space<hbm>>
    tpu.wait_dma2 semaphore(%arg21 : memref<!tpu.dma_semaphore, #tpu.memory_space<semaphore_mem>>) src(%dma_wait3A_32 : memref<2000xi32, #tpu.memory_space<hbm>>) dst(%arg13 : memref<2000xi32, #tpu.memory_space<vmem>>)
    %dma_wait3A_33 = arith.constant 0 : i32
    %dma_wait3A_34 = tpu.memref_slice %arg3[%dma_wait3A_33] : memref<1600000xi32, #tpu.memory_space<hbm>> -> memref<2000xi32, #tpu.memory_space<hbm>>
    %dma_wait3A_35 = arith.constant 0 : i32
    %dma_wait3A_36 = tpu.memref_slice %arg3[%dma_wait3A_35] : memref<1600000xi32, #tpu.memory_space<hbm>> -> memref<2000xi32, #tpu.memory_space<hbm>>
    tpu.wait_dma2 semaphore(%arg21 : memref<!tpu.dma_semaphore, #tpu.memory_space<semaphore_mem>>) src(%dma_wait3A_36 : memref<2000xi32, #tpu.memory_space<hbm>>) dst(%arg15 : memref<2000xi32, #tpu.memory_space<vmem>>)
    %dma_wait3A_37 = arith.constant 0 : i32
    %dma_wait3A_38 = tpu.memref_slice %arg4[%dma_wait3A_37] : memref<1600000xi32, #tpu.memory_space<hbm>> -> memref<2000xi32, #tpu.memory_space<hbm>>
    %dma_wait3A_39 = arith.constant 0 : i32
    %dma_wait3A_40 = tpu.memref_slice %arg4[%dma_wait3A_39] : memref<1600000xi32, #tpu.memory_space<hbm>> -> memref<2000xi32, #tpu.memory_space<hbm>>
    tpu.wait_dma2 semaphore(%arg21 : memref<!tpu.dma_semaphore, #tpu.memory_space<semaphore_mem>>) src(%dma_wait3A_40 : memref<2000xi32, #tpu.memory_space<hbm>>) dst(%arg17 : memref<2000xi32, #tpu.memory_space<vmem>>)
    %dma_wait3A_41 = arith.constant 0 : i32
    %dma_wait3A_42 = tpu.memref_slice %arg5[%dma_wait3A_41] : memref<1600000xf32, #tpu.memory_space<hbm>> -> memref<2000xf32, #tpu.memory_space<hbm>>
    %dma_wait3A_43 = arith.constant 0 : i32
    %dma_wait3A_44 = tpu.memref_slice %arg5[%dma_wait3A_43] : memref<1600000xf32, #tpu.memory_space<hbm>> -> memref<2000xf32, #tpu.memory_space<hbm>>
    tpu.wait_dma2 semaphore(%arg21 : memref<!tpu.dma_semaphore, #tpu.memory_space<semaphore_mem>>) src(%dma_wait3A_44 : memref<2000xf32, #tpu.memory_space<hbm>>) dst(%arg19 : memref<2000xf32, #tpu.memory_space<vmem>>)
    %scan3A_45 = arith.constant 0 : i32
    %scan3A_46 = arith.constant 0 : i32
    %scan3A_47 = arith.constant 25 : i32
    %scan3A_48 = arith.addi %scan3A_46, %scan3A_47 : i32
    %scan3A_49 = arith.constant 1 : i32
    scf.for %scan3A_53 = %scan3A_46 to %scan3A_48 step %scan3A_49  : i32 {
      %mul3A_54 = arith.constant 5 : i32
      %mul3A_55 = arith.muli %scan3A_53, %mul3A_54 : i32
      %add3A_56 = arith.constant 0 : i32
      %add3A_57 = arith.addi %mul3A_55, %add3A_56 : i32
      %mul3A_58 = arith.constant 16 : i32
      %mul3A_59 = arith.muli %add3A_57, %mul3A_58 : i32
      %get3A = arith.index_cast %mul3A_59 : i32 to index
      %get3A_60 = tpu.vector_load %arg13[%get3A] {strides = array<i32>} : memref<2000xi32, #tpu.memory_space<vmem>>, vector<16xi32>,
      %mul3A_61 = arith.constant 16 : i32
      %mul3A_62 = arith.muli %add3A_57, %mul3A_61 : i32
      %get3A_63 = arith.index_cast %mul3A_62 : i32 to index
      %get3A_64 = tpu.vector_load %arg15[%get3A_63] {strides = array<i32>} : memref<2000xi32, #tpu.memory_space<vmem>>, vector<16xi32>,
      %mul3A_65 = arith.constant 16 : i32
      %mul3A_66 = arith.muli %add3A_57, %mul3A_65 : i32
      %get3A_67 = arith.index_cast %mul3A_66 : i32 to index
      %get3A_68 = tpu.vector_load %arg17[%get3A_67] {strides = array<i32>} : memref<2000xi32, #tpu.memory_space<vmem>>, vector<16xi32>,
      %mul3A_69 = arith.constant 16 : i32
      %mul3A_70 = arith.muli %add3A_57, %mul3A_69 : i32
      %get3A_71 = arith.index_cast %mul3A_70 : i32 to index
      %get3A_72 = tpu.vector_load %arg19[%get3A_71] {strides = array<i32>} : memref<2000xf32, #tpu.memory_space<vmem>>, vector<16xf32>,
      %gather3A = tpu.vector_load_idx %arg9[%get3A_60] : memref<50000xf32, #tpu.memory_space<vmem>>[vector<16xi32>], vector<16xf32>,
      %gather3A_73 = tpu.vector_load_idx %arg11[%get3A_68] : memref<512xf32, #tpu.memory_space<vmem>>[vector<16xi32>], vector<16xf32>,
      %mul3A_74 = arith.mulf %gather3A, %get3A_72 : vector<16xf32>
      %mul3A_75 = arith.mulf %mul3A_74, %gather3A_73 : vector<16xf32>
      %gt3A = arith.constant 0.000000e+00 : f32
      %gt3A_76 = vector.broadcast %gt3A : f32 to vector<16xf32>
      %gt3A_77 = arith.cmpf ogt, %gather3A, %gt3A_76 : vector<16xf32>
      tpu.vector_store_idx %arg12[%get3A_64], %mul3A_75 masked %gt3A_77 {add = true} : memref<50176xf32, #tpu.memory_space<vmem>>[vector<16xi32>], vector<16xf32>, vector<16xi1>
      %mul3A_78 = arith.constant 5 : i32
      %mul3A_79 = arith.muli %scan3A_53, %mul3A_78 : i32
      %add3A_80 = arith.constant 1 : i32
      %add3A_81 = arith.addi %mul3A_79, %add3A_80 : i32
      %mul3A_82 = arith.constant 16 : i32
      %mul3A_83 = arith.muli %add3A_81, %mul3A_82 : i32
      %get3A_84 = arith.index_cast %mul3A_83 : i32 to index
      %get3A_85 = tpu.vector_load %arg13[%get3A_84] {strides = array<i32>} : memref<2000xi32, #tpu.memory_space<vmem>>, vector<16xi32>,
      %mul3A_86 = arith.constant 16 : i32
      %mul3A_87 = arith.muli %add3A_81, %mul3A_86 : i32
      %get3A_88 = arith.index_cast %mul3A_87 : i32 to index
      %get3A_89 = tpu.vector_load %arg15[%get3A_88] {strides = array<i32>} : memref<2000xi32, #tpu.memory_space<vmem>>, vector<16xi32>,
      %mul3A_90 = arith.constant 16 : i32
      %mul3A_91 = arith.muli %add3A_81, %mul3A_90 : i32
      %get3A_92 = arith.index_cast %mul3A_91 : i32 to index
      %get3A_93 = tpu.vector_load %arg17[%get3A_92] {strides = array<i32>} : memref<2000xi32, #tpu.memory_space<vmem>>, vector<16xi32>,
      %mul3A_94 = arith.constant 16 : i32
      %mul3A_95 = arith.muli %add3A_81, %mul3A_94 : i32
      %get3A_96 = arith.index_cast %mul3A_95 : i32 to index
      %get3A_97 = tpu.vector_load %arg19[%get3A_96] {strides = array<i32>} : memref<2000xf32, #tpu.memory_space<vmem>>, vector<16xf32>,
      %gather3A_98 = tpu.vector_load_idx %arg9[%get3A_85] : memref<50000xf32, #tpu.memory_space<vmem>>[vector<16xi32>], vector<16xf32>,
      %gather3A_99 = tpu.vector_load_idx %arg11[%get3A_93] : memref<512xf32, #tpu.memory_space<vmem>>[vector<16xi32>], vector<16xf32>,
      %mul3A_100 = arith.mulf %gather3A_98, %get3A_97 : vector<16xf32>
      %mul3A_101 = arith.mulf %mul3A_100, %gather3A_99 : vector<16xf32>
      %gt3A_102 = arith.constant 0.000000e+00 : f32
      %gt3A_103 = vector.broadcast %gt3A_102 : f32 to vector<16xf32>
      %gt3A_104 = arith.cmpf ogt, %gather3A_98, %gt3A_103 : vector<16xf32>
      tpu.vector_store_idx %arg12[%get3A_89], %mul3A_101 masked %gt3A_104 {add = true} : memref<50176xf32, #tpu.memory_space<vmem>>[vector<16xi32>], vector<16xf32>, vector<16xi1>
      %mul3A_105 = arith.constant 5 : i32
      %mul3A_106 = arith.muli %scan3A_53, %mul3A_105 : i32
      %add3A_107 = arith.constant 2 : i32
      %add3A_108 = arith.addi %mul3A_106, %add3A_107 : i32
      %mul3A_109 = arith.constant 16 : i32
      %mul3A_110 = arith.muli %add3A_108, %mul3A_109 : i32
      %get3A_111 = arith.index_cast %mul3A_110 : i32 to index
      %get3A_112 = tpu.vector_load %arg13[%get3A_111] {strides = array<i32>} : memref<2000xi32, #tpu.memory_space<vmem>>, vector<16xi32>,
      %mul3A_113 = arith.constant 16 : i32
      %mul3A_114 = arith.muli %add3A_108, %mul3A_113 : i32
      %get3A_115 = arith.index_cast %mul3A_114 : i32 to index
      %get3A_116 = tpu.vector_load %arg15[%get3A_115] {strides = array<i32>} : memref<2000xi32, #tpu.memory_space<vmem>>, vector<16xi32>,
      %mul3A_117 = arith.constant 16 : i32
      %mul3A_118 = arith.muli %add3A_108, %mul3A_117 : i32
      %get3A_119 = arith.index_cast %mul3A_118 : i32 to index
      %get3A_120 = tpu.vector_load %arg17[%get3A_119] {strides = array<i32>} : memref<2000xi32, #tpu.memory_space<vmem>>, vector<16xi32>,
      %mul3A_121 = arith.constant 16 : i32
      %mul3A_122 = arith.muli %add3A_108, %mul3A_121 : i32
      %get3A_123 = arith.index_cast %mul3A_122 : i32 to index
      %get3A_124 = tpu.vector_load %arg19[%get3A_123] {strides = array<i32>} : memref<2000xf32, #tpu.memory_space<vmem>>, vector<16xf32>,
      %gather3A_125 = tpu.vector_load_idx %arg9[%get3A_112] : memref<50000xf32, #tpu.memory_space<vmem>>[vector<16xi32>], vector<16xf32>,
      %gather3A_126 = tpu.vector_load_idx %arg11[%get3A_120] : memref<512xf32, #tpu.memory_space<vmem>>[vector<16xi32>], vector<16xf32>,
      %mul3A_127 = arith.mulf %gather3A_125, %get3A_124 : vector<16xf32>
      %mul3A_128 = arith.mulf %mul3A_127, %gather3A_126 : vector<16xf32>
      %gt3A_129 = arith.constant 0.000000e+00 : f32
      %gt3A_130 = vector.broadcast %gt3A_129 : f32 to vector<16xf32>
      %gt3A_131 = arith.cmpf ogt, %gather3A_125, %gt3A_130 : vector<16xf32>
      tpu.vector_store_idx %arg12[%get3A_116], %mul3A_128 masked %gt3A_131 {add = true} : memref<50176xf32, #tpu.memory_space<vmem>>[vector<16xi32>], vector<16xf32>, vector<16xi1>
      %mul3A_132 = arith.constant 5 : i32
      %mul3A_133 = arith.muli %scan3A_53, %mul3A_132 : i32
      %add3A_134 = arith.constant 3 : i32
      %add3A_135 = arith.addi %mul3A_133, %add3A_134 : i32
      %mul3A_136 = arith.constant 16 : i32
      %mul3A_137 = arith.muli %add3A_135, %mul3A_136 : i32
      %get3A_138 = arith.index_cast %mul3A_137 : i32 to index
      %get3A_139 = tpu.vector_load %arg13[%get3A_138] {strides = array<i32>} : memref<2000xi32, #tpu.memory_space<vmem>>, vector<16xi32>,
      %mul3A_140 = arith.constant 16 : i32
      %mul3A_141 = arith.muli %add3A_135, %mul3A_140 : i32
      %get3A_142 = arith.index_cast %mul3A_141 : i32 to index
      %get3A_143 = tpu.vector_load %arg15[%get3A_142] {strides = array<i32>} : memref<2000xi32, #tpu.memory_space<vmem>>, vector<16xi32>,
      %mul3A_144 = arith.constant 16 : i32
      %mul3A_145 = arith.muli %add3A_135, %mul3A_144 : i32
      %get3A_146 = arith.index_cast %mul3A_145 : i32 to index
      %get3A_147 = tpu.vector_load %arg17[%get3A_146] {strides = array<i32>} : memref<2000xi32, #tpu.memory_space<vmem>>, vector<16xi32>,
      %mul3A_148 = arith.constant 16 : i32
      %mul3A_149 = arith.muli %add3A_135, %mul3A_148 : i32
      %get3A_150 = arith.index_cast %mul3A_149 : i32 to index
      %get3A_151 = tpu.vector_load %arg19[%get3A_150] {strides = array<i32>} : memref<2000xf32, #tpu.memory_space<vmem>>, vector<16xf32>,
      %gather3A_152 = tpu.vector_load_idx %arg9[%get3A_139] : memref<50000xf32, #tpu.memory_space<vmem>>[vector<16xi32>], vector<16xf32>,
      %gather3A_153 = tpu.vector_load_idx %arg11[%get3A_147] : memref<512xf32, #tpu.memory_space<vmem>>[vector<16xi32>], vector<16xf32>,
      %mul3A_154 = arith.mulf %gather3A_152, %get3A_151 : vector<16xf32>
      %mul3A_155 = arith.mulf %mul3A_154, %gather3A_153 : vector<16xf32>
      %gt3A_156 = arith.constant 0.000000e+00 : f32
      %gt3A_157 = vector.broadcast %gt3A_156 : f32 to vector<16xf32>
      %gt3A_158 = arith.cmpf ogt, %gather3A_152, %gt3A_157 : vector<16xf32>
      tpu.vector_store_idx %arg12[%get3A_143], %mul3A_155 masked %gt3A_158 {add = true} : memref<50176xf32, #tpu.memory_space<vmem>>[vector<16xi32>], vector<16xf32>, vector<16xi1>
      %mul3A_159 = arith.constant 5 : i32
      %mul3A_160 = arith.muli %scan3A_53, %mul3A_159 : i32
      %add3A_161 = arith.constant 4 : i32
      %add3A_162 = arith.addi %mul3A_160, %add3A_161 : i32
      %mul3A_163 = arith.constant 16 : i32
      %mul3A_164 = arith.muli %add3A_162, %mul3A_163 : i32
      %get3A_165 = arith.index_cast %mul3A_164 : i32 to index
      %get3A_166 = tpu.vector_load %arg13[%get3A_165] {strides = array<i32>} : memref<2000xi32, #tpu.memory_space<vmem>>, vector<16xi32>,
      %mul3A_167 = arith.constant 16 : i32
      %mul3A_168 = arith.muli %add3A_162, %mul3A_167 : i32
      %get3A_169 = arith.index_cast %mul3A_168 : i32 to index
      %get3A_170 = tpu.vector_load %arg15[%get3A_169] {strides = array<i32>} : memref<2000xi32, #tpu.memory_space<vmem>>, vector<16xi32>,
      %mul3A_171 = arith.constant 16 : i32
      %mul3A_172 = arith.muli %add3A_162, %mul3A_171 : i32
      %get3A_173 = arith.index_cast %mul3A_172 : i32 to index
      %get3A_174 = tpu.vector_load %arg17[%get3A_173] {strides = array<i32>} : memref<2000xi32, #tpu.memory_space<vmem>>, vector<16xi32>,
      %mul3A_175 = arith.constant 16 : i32
      %mul3A_176 = arith.muli %add3A_162, %mul3A_175 : i32
      %get3A_177 = arith.index_cast %mul3A_176 : i32 to index
      %get3A_178 = tpu.vector_load %arg19[%get3A_177] {strides = array<i32>} : memref<2000xf32, #tpu.memory_space<vmem>>, vector<16xf32>,
      %gather3A_179 = tpu.vector_load_idx %arg9[%get3A_166] : memref<50000xf32, #tpu.memory_space<vmem>>[vector<16xi32>], vector<16xf32>,
      %gather3A_180 = tpu.vector_load_idx %arg11[%get3A_174] : memref<512xf32, #tpu.memory_space<vmem>>[vector<16xi32>], vector<16xf32>,
      %mul3A_181 = arith.mulf %gather3A_179, %get3A_178 : vector<16xf32>
      %mul3A_182 = arith.mulf %mul3A_181, %gather3A_180 : vector<16xf32>
      %gt3A_183 = arith.constant 0.000000e+00 : f32
      %gt3A_184 = vector.broadcast %gt3A_183 : f32 to vector<16xf32>
      %gt3A_185 = arith.cmpf ogt, %gather3A_179, %gt3A_184 : vector<16xf32>
      tpu.vector_store_idx %arg12[%get3A_170], %mul3A_182 masked %gt3A_185 {add = true} : memref<50176xf32, #tpu.memory_space<vmem>>[vector<16xi32>], vector<16xf32>, vector<16xi1>
    }
    %scan3A_50 = arith.constant 25 : i32
    %mul3A_51 = arith.constant 50176 : i32
    %mul3A_52 = arith.muli %add3A, %mul3A_51 : i32
    "tpu.region"() ({
      %run_scoped3A = tpu.sem_alloc : memref<!tpu.dma_semaphore, #tpu.memory_space<semaphore_mem>>
      %dma_start3A_53 = tpu.memref_slice %arg8[%mul3A_52] : memref<1605632xf32, #tpu.memory_space<hbm>> -> memref<50176xf32, #tpu.memory_space<hbm>>
      %dma_start3A_54 = tpu.memref_slice %arg8[%mul3A_52] : memref<1605632xf32, #tpu.memory_space<hbm>> -> memref<50176xf32, #tpu.memory_space<hbm>>
      tpu.enqueue_dma source(%arg12 : memref<50176xf32, #tpu.memory_space<vmem>>) target(%dma_start3A_54 : memref<50176xf32, #tpu.memory_space<hbm>>) target_semaphore(%run_scoped3A : memref<!tpu.dma_semaphore, #tpu.memory_space<semaphore_mem>>)
      %dma_wait3A_55 = tpu.memref_slice %arg8[%mul3A_52] : memref<1605632xf32, #tpu.memory_space<hbm>> -> memref<50176xf32, #tpu.memory_space<hbm>>
      %dma_wait3A_56 = tpu.memref_slice %arg8[%mul3A_52] : memref<1605632xf32, #tpu.memory_space<hbm>> -> memref<50176xf32, #tpu.memory_space<hbm>>
      tpu.wait_dma2 semaphore(%run_scoped3A : memref<!tpu.dma_semaphore, #tpu.memory_space<semaphore_mem>>) src(%arg12 : memref<50176xf32, #tpu.memory_space<vmem>>) dst(%dma_wait3A_56 : memref<50176xf32, #tpu.memory_space<hbm>>)
      tpu.yield
    }) : () -> ()
    return
  }
}

#map = affine_map<(d0, d1) -> (0)>
module attributes {stable_mosaic.version = 14 : i64} {
  func.func @_sc_membrane_kernel(%arg0: i32, %arg1: i32, %arg2: memref<1605632xf32, #tpu.memory_space<hbm>>, %arg3: memref<50000xf32, #tpu.memory_space<hbm>>, %arg4: memref<50000xf32, #tpu.memory_space<hbm>>, %arg5: memref<50000xf32, #tpu.memory_space<hbm>>, %arg6: memref<50000xf32, #tpu.memory_space<hbm>>, %arg7: memref<50000xf32, #tpu.memory_space<hbm>>, %arg8: memref<50000xf32, #tpu.memory_space<hbm>>, %arg9: memref<50176xf32, #tpu.memory_space<hbm>>, %arg10: memref<50176xf32, #tpu.memory_space<vmem>>, %arg11: memref<1568xf32, #tpu.memory_space<vmem>>, %arg12: memref<1568xf32, #tpu.memory_space<vmem>>, %arg13: memref<1568xf32, #tpu.memory_space<vmem>>, %arg14: memref<1568xf32, #tpu.memory_space<vmem>>, %arg15: memref<1568xf32, #tpu.memory_space<vmem>>, %arg16: memref<1568xf32, #tpu.memory_space<vmem>>, %arg17: memref<1568xf32, #tpu.memory_space<vmem>>, %arg18: memref<!tpu.dma_semaphore, #tpu.memory_space<semaphore_mem>>, %arg19: memref<!tpu.dma_semaphore, #tpu.memory_space<semaphore_mem>>) attributes {dimension_semantics = [#tpu.dimension_semantics<core_parallel>, #tpu.dimension_semantics<subcore_parallel>], iteration_bounds = array<i64: 2, 16>, scalar_prefetch = 0 : i64, scratch_operands = 10 : i64, tpu.core_type = #tpu.core_type<sc_vector_subcore>, window_params = [{transform_indices = #map}, {transform_indices = #map}, {transform_indices = #map}, {transform_indices = #map}, {transform_indices = #map}, {transform_indices = #map}, {transform_indices = #map}, {transform_indices = #map}]} {
    %mul3A = arith.constant 16 : i32
    %mul3A_0 = arith.muli %arg0, %mul3A : i32
    %add3A = arith.addi %mul3A_0, %arg1 : i32
    %mul3A_1 = arith.constant 1568 : i32
    %mul3A_2 = arith.muli %add3A, %mul3A_1 : i32
    %eq3A = arith.constant 31 : i32
    %eq3A_3 = arith.cmpi eq, %add3A, %eq3A : i32
    %add3A_4 = arith.constant 0 : i32
    %add3A_5 = arith.addi %add3A_4, %mul3A_2 : i32
    %dma_start3A = arith.constant 0 : i32
    %dma_start3A_6 = tpu.memref_slice %arg10[%dma_start3A] : memref<50176xf32, #tpu.memory_space<vmem>> -> memref<1568xf32, #tpu.memory_space<vmem>>
    %dma_start3A_7 = tpu.memref_slice %arg2[%add3A_5] : memref<1605632xf32, #tpu.memory_space<hbm>> -> memref<1568xf32, #tpu.memory_space<hbm>>
    %dma_start3A_8 = arith.constant 0 : i32
    %dma_start3A_9 = tpu.memref_slice %arg10[%dma_start3A_8] : memref<50176xf32, #tpu.memory_space<vmem>> -> memref<1568xf32, #tpu.memory_space<vmem>>
    %dma_start3A_10 = tpu.memref_slice %arg2[%add3A_5] : memref<1605632xf32, #tpu.memory_space<hbm>> -> memref<1568xf32, #tpu.memory_space<hbm>>
    tpu.enqueue_dma source(%dma_start3A_10 : memref<1568xf32, #tpu.memory_space<hbm>>) target(%dma_start3A_9 : memref<1568xf32, #tpu.memory_space<vmem>>) target_semaphore(%arg18 : memref<!tpu.dma_semaphore, #tpu.memory_space<semaphore_mem>>)
    %add3A_11 = arith.constant 50176 : i32
    %add3A_12 = arith.addi %add3A_11, %mul3A_2 : i32
    %dma_start3A_13 = arith.constant 1568 : i32
    %dma_start3A_14 = tpu.memref_slice %arg10[%dma_start3A_13] : memref<50176xf32, #tpu.memory_space<vmem>> -> memref<1568xf32, #tpu.memory_space<vmem>>
    %dma_start3A_15 = tpu.memref_slice %arg2[%add3A_12] : memref<1605632xf32, #tpu.memory_space<hbm>> -> memref<1568xf32, #tpu.memory_space<hbm>>
    %dma_start3A_16 = arith.constant 1568 : i32
    %dma_start3A_17 = tpu.memref_slice %arg10[%dma_start3A_16] : memref<50176xf32, #tpu.memory_space<vmem>> -> memref<1568xf32, #tpu.memory_space<vmem>>
    %dma_start3A_18 = tpu.memref_slice %arg2[%add3A_12] : memref<1605632xf32, #tpu.memory_space<hbm>> -> memref<1568xf32, #tpu.memory_space<hbm>>
    tpu.enqueue_dma source(%dma_start3A_18 : memref<1568xf32, #tpu.memory_space<hbm>>) target(%dma_start3A_17 : memref<1568xf32, #tpu.memory_space<vmem>>) target_semaphore(%arg18 : memref<!tpu.dma_semaphore, #tpu.memory_space<semaphore_mem>>)
    %add3A_19 = arith.constant 100352 : i32
    %add3A_20 = arith.addi %add3A_19, %mul3A_2 : i32
    %dma_start3A_21 = arith.constant 3136 : i32
    %dma_start3A_22 = tpu.memref_slice %arg10[%dma_start3A_21] : memref<50176xf32, #tpu.memory_space<vmem>> -> memref<1568xf32, #tpu.memory_space<vmem>>
    %dma_start3A_23 = tpu.memref_slice %arg2[%add3A_20] : memref<1605632xf32, #tpu.memory_space<hbm>> -> memref<1568xf32, #tpu.memory_space<hbm>>
    %dma_start3A_24 = arith.constant 3136 : i32
    %dma_start3A_25 = tpu.memref_slice %arg10[%dma_start3A_24] : memref<50176xf32, #tpu.memory_space<vmem>> -> memref<1568xf32, #tpu.memory_space<vmem>>
    %dma_start3A_26 = tpu.memref_slice %arg2[%add3A_20] : memref<1605632xf32, #tpu.memory_space<hbm>> -> memref<1568xf32, #tpu.memory_space<hbm>>
    tpu.enqueue_dma source(%dma_start3A_26 : memref<1568xf32, #tpu.memory_space<hbm>>) target(%dma_start3A_25 : memref<1568xf32, #tpu.memory_space<vmem>>) target_semaphore(%arg18 : memref<!tpu.dma_semaphore, #tpu.memory_space<semaphore_mem>>)
    %add3A_27 = arith.constant 150528 : i32
    %add3A_28 = arith.addi %add3A_27, %mul3A_2 : i32
    %dma_start3A_29 = arith.constant 4704 : i32
    %dma_start3A_30 = tpu.memref_slice %arg10[%dma_start3A_29] : memref<50176xf32, #tpu.memory_space<vmem>> -> memref<1568xf32, #tpu.memory_space<vmem>>
    %dma_start3A_31 = tpu.memref_slice %arg2[%add3A_28] : memref<1605632xf32, #tpu.memory_space<hbm>> -> memref<1568xf32, #tpu.memory_space<hbm>>
    %dma_start3A_32 = arith.constant 4704 : i32
    %dma_start3A_33 = tpu.memref_slice %arg10[%dma_start3A_32] : memref<50176xf32, #tpu.memory_space<vmem>> -> memref<1568xf32, #tpu.memory_space<vmem>>
    %dma_start3A_34 = tpu.memref_slice %arg2[%add3A_28] : memref<1605632xf32, #tpu.memory_space<hbm>> -> memref<1568xf32, #tpu.memory_space<hbm>>
    tpu.enqueue_dma source(%dma_start3A_34 : memref<1568xf32, #tpu.memory_space<hbm>>) target(%dma_start3A_33 : memref<1568xf32, #tpu.memory_space<vmem>>) target_semaphore(%arg18 : memref<!tpu.dma_semaphore, #tpu.memory_space<semaphore_mem>>)
    %add3A_35 = arith.constant 200704 : i32
    %add3A_36 = arith.addi %add3A_35, %mul3A_2 : i32
    %dma_start3A_37 = arith.constant 6272 : i32
    %dma_start3A_38 = tpu.memref_slice %arg10[%dma_start3A_37] : memref<50176xf32, #tpu.memory_space<vmem>> -> memref<1568xf32, #tpu.memory_space<vmem>>
    %dma_start3A_39 = tpu.memref_slice %arg2[%add3A_36] : memref<1605632xf32, #tpu.memory_space<hbm>> -> memref<1568xf32, #tpu.memory_space<hbm>>
    %dma_start3A_40 = arith.constant 6272 : i32
    %dma_start3A_41 = tpu.memref_slice %arg10[%dma_start3A_40] : memref<50176xf32, #tpu.memory_space<vmem>> -> memref<1568xf32, #tpu.memory_space<vmem>>
    %dma_start3A_42 = tpu.memref_slice %arg2[%add3A_36] : memref<1605632xf32, #tpu.memory_space<hbm>> -> memref<1568xf32, #tpu.memory_space<hbm>>
    tpu.enqueue_dma source(%dma_start3A_42 : memref<1568xf32, #tpu.memory_space<hbm>>) target(%dma_start3A_41 : memref<1568xf32, #tpu.memory_space<vmem>>) target_semaphore(%arg18 : memref<!tpu.dma_semaphore, #tpu.memory_space<semaphore_mem>>)
    %add3A_43 = arith.constant 250880 : i32
    %add3A_44 = arith.addi %add3A_43, %mul3A_2 : i32
    %dma_start3A_45 = arith.constant 7840 : i32
    %dma_start3A_46 = tpu.memref_slice %arg10[%dma_start3A_45] : memref<50176xf32, #tpu.memory_space<vmem>> -> memref<1568xf32, #tpu.memory_space<vmem>>
    %dma_start3A_47 = tpu.memref_slice %arg2[%add3A_44] : memref<1605632xf32, #tpu.memory_space<hbm>> -> memref<1568xf32, #tpu.memory_space<hbm>>
    %dma_start3A_48 = arith.constant 7840 : i32
    %dma_start3A_49 = tpu.memref_slice %arg10[%dma_start3A_48] : memref<50176xf32, #tpu.memory_space<vmem>> -> memref<1568xf32, #tpu.memory_space<vmem>>
    %dma_start3A_50 = tpu.memref_slice %arg2[%add3A_44] : memref<1605632xf32, #tpu.memory_space<hbm>> -> memref<1568xf32, #tpu.memory_space<hbm>>
    tpu.enqueue_dma source(%dma_start3A_50 : memref<1568xf32, #tpu.memory_space<hbm>>) target(%dma_start3A_49 : memref<1568xf32, #tpu.memory_space<vmem>>) target_semaphore(%arg18 : memref<!tpu.dma_semaphore, #tpu.memory_space<semaphore_mem>>)
    %add3A_51 = arith.constant 301056 : i32
    %add3A_52 = arith.addi %add3A_51, %mul3A_2 : i32
    %dma_start3A_53 = arith.constant 9408 : i32
    %dma_start3A_54 = tpu.memref_slice %arg10[%dma_start3A_53] : memref<50176xf32, #tpu.memory_space<vmem>> -> memref<1568xf32, #tpu.memory_space<vmem>>
    %dma_start3A_55 = tpu.memref_slice %arg2[%add3A_52] : memref<1605632xf32, #tpu.memory_space<hbm>> -> memref<1568xf32, #tpu.memory_space<hbm>>
    %dma_start3A_56 = arith.constant 9408 : i32
    %dma_start3A_57 = tpu.memref_slice %arg10[%dma_start3A_56] : memref<50176xf32, #tpu.memory_space<vmem>> -> memref<1568xf32, #tpu.memory_space<vmem>>
    %dma_start3A_58 = tpu.memref_slice %arg2[%add3A_52] : memref<1605632xf32, #tpu.memory_space<hbm>> -> memref<1568xf32, #tpu.memory_space<hbm>>
    tpu.enqueue_dma source(%dma_start3A_58 : memref<1568xf32, #tpu.memory_space<hbm>>) target(%dma_start3A_57 : memref<1568xf32, #tpu.memory_space<vmem>>) target_semaphore(%arg18 : memref<!tpu.dma_semaphore, #tpu.memory_space<semaphore_mem>>)
    %add3A_59 = arith.constant 351232 : i32
    %add3A_60 = arith.addi %add3A_59, %mul3A_2 : i32
    %dma_start3A_61 = arith.constant 10976 : i32
    %dma_start3A_62 = tpu.memref_slice %arg10[%dma_start3A_61] : memref<50176xf32, #tpu.memory_space<vmem>> -> memref<1568xf32, #tpu.memory_space<vmem>>
    %dma_start3A_63 = tpu.memref_slice %arg2[%add3A_60] : memref<1605632xf32, #tpu.memory_space<hbm>> -> memref<1568xf32, #tpu.memory_space<hbm>>
    %dma_start3A_64 = arith.constant 10976 : i32
    %dma_start3A_65 = tpu.memref_slice %arg10[%dma_start3A_64] : memref<50176xf32, #tpu.memory_space<vmem>> -> memref<1568xf32, #tpu.memory_space<vmem>>
    %dma_start3A_66 = tpu.memref_slice %arg2[%add3A_60] : memref<1605632xf32, #tpu.memory_space<hbm>> -> memref<1568xf32, #tpu.memory_space<hbm>>
    tpu.enqueue_dma source(%dma_start3A_66 : memref<1568xf32, #tpu.memory_space<hbm>>) target(%dma_start3A_65 : memref<1568xf32, #tpu.memory_space<vmem>>) target_semaphore(%arg18 : memref<!tpu.dma_semaphore, #tpu.memory_space<semaphore_mem>>)
    %add3A_67 = arith.constant 401408 : i32
    %add3A_68 = arith.addi %add3A_67, %mul3A_2 : i32
    %dma_start3A_69 = arith.constant 12544 : i32
    %dma_start3A_70 = tpu.memref_slice %arg10[%dma_start3A_69] : memref<50176xf32, #tpu.memory_space<vmem>> -> memref<1568xf32, #tpu.memory_space<vmem>>
    %dma_start3A_71 = tpu.memref_slice %arg2[%add3A_68] : memref<1605632xf32, #tpu.memory_space<hbm>> -> memref<1568xf32, #tpu.memory_space<hbm>>
    %dma_start3A_72 = arith.constant 12544 : i32
    %dma_start3A_73 = tpu.memref_slice %arg10[%dma_start3A_72] : memref<50176xf32, #tpu.memory_space<vmem>> -> memref<1568xf32, #tpu.memory_space<vmem>>
    %dma_start3A_74 = tpu.memref_slice %arg2[%add3A_68] : memref<1605632xf32, #tpu.memory_space<hbm>> -> memref<1568xf32, #tpu.memory_space<hbm>>
    tpu.enqueue_dma source(%dma_start3A_74 : memref<1568xf32, #tpu.memory_space<hbm>>) target(%dma_start3A_73 : memref<1568xf32, #tpu.memory_space<vmem>>) target_semaphore(%arg18 : memref<!tpu.dma_semaphore, #tpu.memory_space<semaphore_mem>>)
    %add3A_75 = arith.constant 451584 : i32
    %add3A_76 = arith.addi %add3A_75, %mul3A_2 : i32
    %dma_start3A_77 = arith.constant 14112 : i32
    %dma_start3A_78 = tpu.memref_slice %arg10[%dma_start3A_77] : memref<50176xf32, #tpu.memory_space<vmem>> -> memref<1568xf32, #tpu.memory_space<vmem>>
    %dma_start3A_79 = tpu.memref_slice %arg2[%add3A_76] : memref<1605632xf32, #tpu.memory_space<hbm>> -> memref<1568xf32, #tpu.memory_space<hbm>>
    %dma_start3A_80 = arith.constant 14112 : i32
    %dma_start3A_81 = tpu.memref_slice %arg10[%dma_start3A_80] : memref<50176xf32, #tpu.memory_space<vmem>> -> memref<1568xf32, #tpu.memory_space<vmem>>
    %dma_start3A_82 = tpu.memref_slice %arg2[%add3A_76] : memref<1605632xf32, #tpu.memory_space<hbm>> -> memref<1568xf32, #tpu.memory_space<hbm>>
    tpu.enqueue_dma source(%dma_start3A_82 : memref<1568xf32, #tpu.memory_space<hbm>>) target(%dma_start3A_81 : memref<1568xf32, #tpu.memory_space<vmem>>) target_semaphore(%arg18 : memref<!tpu.dma_semaphore, #tpu.memory_space<semaphore_mem>>)
    %add3A_83 = arith.constant 501760 : i32
    %add3A_84 = arith.addi %add3A_83, %mul3A_2 : i32
    %dma_start3A_85 = arith.constant 15680 : i32
    %dma_start3A_86 = tpu.memref_slice %arg10[%dma_start3A_85] : memref<50176xf32, #tpu.memory_space<vmem>> -> memref<1568xf32, #tpu.memory_space<vmem>>
    %dma_start3A_87 = tpu.memref_slice %arg2[%add3A_84] : memref<1605632xf32, #tpu.memory_space<hbm>> -> memref<1568xf32, #tpu.memory_space<hbm>>
    %dma_start3A_88 = arith.constant 15680 : i32
    %dma_start3A_89 = tpu.memref_slice %arg10[%dma_start3A_88] : memref<50176xf32, #tpu.memory_space<vmem>> -> memref<1568xf32, #tpu.memory_space<vmem>>
    %dma_start3A_90 = tpu.memref_slice %arg2[%add3A_84] : memref<1605632xf32, #tpu.memory_space<hbm>> -> memref<1568xf32, #tpu.memory_space<hbm>>
    tpu.enqueue_dma source(%dma_start3A_90 : memref<1568xf32, #tpu.memory_space<hbm>>) target(%dma_start3A_89 : memref<1568xf32, #tpu.memory_space<vmem>>) target_semaphore(%arg18 : memref<!tpu.dma_semaphore, #tpu.memory_space<semaphore_mem>>)
    %add3A_91 = arith.constant 551936 : i32
    %add3A_92 = arith.addi %add3A_91, %mul3A_2 : i32
    %dma_start3A_93 = arith.constant 17248 : i32
    %dma_start3A_94 = tpu.memref_slice %arg10[%dma_start3A_93] : memref<50176xf32, #tpu.memory_space<vmem>> -> memref<1568xf32, #tpu.memory_space<vmem>>
    %dma_start3A_95 = tpu.memref_slice %arg2[%add3A_92] : memref<1605632xf32, #tpu.memory_space<hbm>> -> memref<1568xf32, #tpu.memory_space<hbm>>
    %dma_start3A_96 = arith.constant 17248 : i32
    %dma_start3A_97 = tpu.memref_slice %arg10[%dma_start3A_96] : memref<50176xf32, #tpu.memory_space<vmem>> -> memref<1568xf32, #tpu.memory_space<vmem>>
    %dma_start3A_98 = tpu.memref_slice %arg2[%add3A_92] : memref<1605632xf32, #tpu.memory_space<hbm>> -> memref<1568xf32, #tpu.memory_space<hbm>>
    tpu.enqueue_dma source(%dma_start3A_98 : memref<1568xf32, #tpu.memory_space<hbm>>) target(%dma_start3A_97 : memref<1568xf32, #tpu.memory_space<vmem>>) target_semaphore(%arg18 : memref<!tpu.dma_semaphore, #tpu.memory_space<semaphore_mem>>)
    %add3A_99 = arith.constant 602112 : i32
    %add3A_100 = arith.addi %add3A_99, %mul3A_2 : i32
    %dma_start3A_101 = arith.constant 18816 : i32
    %dma_start3A_102 = tpu.memref_slice %arg10[%dma_start3A_101] : memref<50176xf32, #tpu.memory_space<vmem>> -> memref<1568xf32, #tpu.memory_space<vmem>>
    %dma_start3A_103 = tpu.memref_slice %arg2[%add3A_100] : memref<1605632xf32, #tpu.memory_space<hbm>> -> memref<1568xf32, #tpu.memory_space<hbm>>
    %dma_start3A_104 = arith.constant 18816 : i32
    %dma_start3A_105 = tpu.memref_slice %arg10[%dma_start3A_104] : memref<50176xf32, #tpu.memory_space<vmem>> -> memref<1568xf32, #tpu.memory_space<vmem>>
    %dma_start3A_106 = tpu.memref_slice %arg2[%add3A_100] : memref<1605632xf32, #tpu.memory_space<hbm>> -> memref<1568xf32, #tpu.memory_space<hbm>>
    tpu.enqueue_dma source(%dma_start3A_106 : memref<1568xf32, #tpu.memory_space<hbm>>) target(%dma_start3A_105 : memref<1568xf32, #tpu.memory_space<vmem>>) target_semaphore(%arg18 : memref<!tpu.dma_semaphore, #tpu.memory_space<semaphore_mem>>)
    %add3A_107 = arith.constant 652288 : i32
    %add3A_108 = arith.addi %add3A_107, %mul3A_2 : i32
    %dma_start3A_109 = arith.constant 20384 : i32
    %dma_start3A_110 = tpu.memref_slice %arg10[%dma_start3A_109] : memref<50176xf32, #tpu.memory_space<vmem>> -> memref<1568xf32, #tpu.memory_space<vmem>>
    %dma_start3A_111 = tpu.memref_slice %arg2[%add3A_108] : memref<1605632xf32, #tpu.memory_space<hbm>> -> memref<1568xf32, #tpu.memory_space<hbm>>
    %dma_start3A_112 = arith.constant 20384 : i32
    %dma_start3A_113 = tpu.memref_slice %arg10[%dma_start3A_112] : memref<50176xf32, #tpu.memory_space<vmem>> -> memref<1568xf32, #tpu.memory_space<vmem>>
    %dma_start3A_114 = tpu.memref_slice %arg2[%add3A_108] : memref<1605632xf32, #tpu.memory_space<hbm>> -> memref<1568xf32, #tpu.memory_space<hbm>>
    tpu.enqueue_dma source(%dma_start3A_114 : memref<1568xf32, #tpu.memory_space<hbm>>) target(%dma_start3A_113 : memref<1568xf32, #tpu.memory_space<vmem>>) target_semaphore(%arg18 : memref<!tpu.dma_semaphore, #tpu.memory_space<semaphore_mem>>)
    %add3A_115 = arith.constant 702464 : i32
    %add3A_116 = arith.addi %add3A_115, %mul3A_2 : i32
    %dma_start3A_117 = arith.constant 21952 : i32
    %dma_start3A_118 = tpu.memref_slice %arg10[%dma_start3A_117] : memref<50176xf32, #tpu.memory_space<vmem>> -> memref<1568xf32, #tpu.memory_space<vmem>>
    %dma_start3A_119 = tpu.memref_slice %arg2[%add3A_116] : memref<1605632xf32, #tpu.memory_space<hbm>> -> memref<1568xf32, #tpu.memory_space<hbm>>
    %dma_start3A_120 = arith.constant 21952 : i32
    %dma_start3A_121 = tpu.memref_slice %arg10[%dma_start3A_120] : memref<50176xf32, #tpu.memory_space<vmem>> -> memref<1568xf32, #tpu.memory_space<vmem>>
    %dma_start3A_122 = tpu.memref_slice %arg2[%add3A_116] : memref<1605632xf32, #tpu.memory_space<hbm>> -> memref<1568xf32, #tpu.memory_space<hbm>>
    tpu.enqueue_dma source(%dma_start3A_122 : memref<1568xf32, #tpu.memory_space<hbm>>) target(%dma_start3A_121 : memref<1568xf32, #tpu.memory_space<vmem>>) target_semaphore(%arg18 : memref<!tpu.dma_semaphore, #tpu.memory_space<semaphore_mem>>)
    %add3A_123 = arith.constant 752640 : i32
    %add3A_124 = arith.addi %add3A_123, %mul3A_2 : i32
    %dma_start3A_125 = arith.constant 23520 : i32
    %dma_start3A_126 = tpu.memref_slice %arg10[%dma_start3A_125] : memref<50176xf32, #tpu.memory_space<vmem>> -> memref<1568xf32, #tpu.memory_space<vmem>>
    %dma_start3A_127 = tpu.memref_slice %arg2[%add3A_124] : memref<1605632xf32, #tpu.memory_space<hbm>> -> memref<1568xf32, #tpu.memory_space<hbm>>
    %dma_start3A_128 = arith.constant 23520 : i32
    %dma_start3A_129 = tpu.memref_slice %arg10[%dma_start3A_128] : memref<50176xf32, #tpu.memory_space<vmem>> -> memref<1568xf32, #tpu.memory_space<vmem>>
    %dma_start3A_130 = tpu.memref_slice %arg2[%add3A_124] : memref<1605632xf32, #tpu.memory_space<hbm>> -> memref<1568xf32, #tpu.memory_space<hbm>>
    tpu.enqueue_dma source(%dma_start3A_130 : memref<1568xf32, #tpu.memory_space<hbm>>) target(%dma_start3A_129 : memref<1568xf32, #tpu.memory_space<vmem>>) target_semaphore(%arg18 : memref<!tpu.dma_semaphore, #tpu.memory_space<semaphore_mem>>)
    %add3A_131 = arith.constant 802816 : i32
    %add3A_132 = arith.addi %add3A_131, %mul3A_2 : i32
    %dma_start3A_133 = arith.constant 25088 : i32
    %dma_start3A_134 = tpu.memref_slice %arg10[%dma_start3A_133] : memref<50176xf32, #tpu.memory_space<vmem>> -> memref<1568xf32, #tpu.memory_space<vmem>>
    %dma_start3A_135 = tpu.memref_slice %arg2[%add3A_132] : memref<1605632xf32, #tpu.memory_space<hbm>> -> memref<1568xf32, #tpu.memory_space<hbm>>
    %dma_start3A_136 = arith.constant 25088 : i32
    %dma_start3A_137 = tpu.memref_slice %arg10[%dma_start3A_136] : memref<50176xf32, #tpu.memory_space<vmem>> -> memref<1568xf32, #tpu.memory_space<vmem>>
    %dma_start3A_138 = tpu.memref_slice %arg2[%add3A_132] : memref<1605632xf32, #tpu.memory_space<hbm>> -> memref<1568xf32, #tpu.memory_space<hbm>>
    tpu.enqueue_dma source(%dma_start3A_138 : memref<1568xf32, #tpu.memory_space<hbm>>) target(%dma_start3A_137 : memref<1568xf32, #tpu.memory_space<vmem>>) target_semaphore(%arg18 : memref<!tpu.dma_semaphore, #tpu.memory_space<semaphore_mem>>)
    %add3A_139 = arith.constant 852992 : i32
    %add3A_140 = arith.addi %add3A_139, %mul3A_2 : i32
    %dma_start3A_141 = arith.constant 26656 : i32
    %dma_start3A_142 = tpu.memref_slice %arg10[%dma_start3A_141] : memref<50176xf32, #tpu.memory_space<vmem>> -> memref<1568xf32, #tpu.memory_space<vmem>>
    %dma_start3A_143 = tpu.memref_slice %arg2[%add3A_140] : memref<1605632xf32, #tpu.memory_space<hbm>> -> memref<1568xf32, #tpu.memory_space<hbm>>
    %dma_start3A_144 = arith.constant 26656 : i32
    %dma_start3A_145 = tpu.memref_slice %arg10[%dma_start3A_144] : memref<50176xf32, #tpu.memory_space<vmem>> -> memref<1568xf32, #tpu.memory_space<vmem>>
    %dma_start3A_146 = tpu.memref_slice %arg2[%add3A_140] : memref<1605632xf32, #tpu.memory_space<hbm>> -> memref<1568xf32, #tpu.memory_space<hbm>>
    tpu.enqueue_dma source(%dma_start3A_146 : memref<1568xf32, #tpu.memory_space<hbm>>) target(%dma_start3A_145 : memref<1568xf32, #tpu.memory_space<vmem>>) target_semaphore(%arg18 : memref<!tpu.dma_semaphore, #tpu.memory_space<semaphore_mem>>)
    %add3A_147 = arith.constant 903168 : i32
    %add3A_148 = arith.addi %add3A_147, %mul3A_2 : i32
    %dma_start3A_149 = arith.constant 28224 : i32
    %dma_start3A_150 = tpu.memref_slice %arg10[%dma_start3A_149] : memref<50176xf32, #tpu.memory_space<vmem>> -> memref<1568xf32, #tpu.memory_space<vmem>>
    %dma_start3A_151 = tpu.memref_slice %arg2[%add3A_148] : memref<1605632xf32, #tpu.memory_space<hbm>> -> memref<1568xf32, #tpu.memory_space<hbm>>
    %dma_start3A_152 = arith.constant 28224 : i32
    %dma_start3A_153 = tpu.memref_slice %arg10[%dma_start3A_152] : memref<50176xf32, #tpu.memory_space<vmem>> -> memref<1568xf32, #tpu.memory_space<vmem>>
    %dma_start3A_154 = tpu.memref_slice %arg2[%add3A_148] : memref<1605632xf32, #tpu.memory_space<hbm>> -> memref<1568xf32, #tpu.memory_space<hbm>>
    tpu.enqueue_dma source(%dma_start3A_154 : memref<1568xf32, #tpu.memory_space<hbm>>) target(%dma_start3A_153 : memref<1568xf32, #tpu.memory_space<vmem>>) target_semaphore(%arg18 : memref<!tpu.dma_semaphore, #tpu.memory_space<semaphore_mem>>)
    %add3A_155 = arith.constant 953344 : i32
    %add3A_156 = arith.addi %add3A_155, %mul3A_2 : i32
    %dma_start3A_157 = arith.constant 29792 : i32
    %dma_start3A_158 = tpu.memref_slice %arg10[%dma_start3A_157] : memref<50176xf32, #tpu.memory_space<vmem>> -> memref<1568xf32, #tpu.memory_space<vmem>>
    %dma_start3A_159 = tpu.memref_slice %arg2[%add3A_156] : memref<1605632xf32, #tpu.memory_space<hbm>> -> memref<1568xf32, #tpu.memory_space<hbm>>
    %dma_start3A_160 = arith.constant 29792 : i32
    %dma_start3A_161 = tpu.memref_slice %arg10[%dma_start3A_160] : memref<50176xf32, #tpu.memory_space<vmem>> -> memref<1568xf32, #tpu.memory_space<vmem>>
    %dma_start3A_162 = tpu.memref_slice %arg2[%add3A_156] : memref<1605632xf32, #tpu.memory_space<hbm>> -> memref<1568xf32, #tpu.memory_space<hbm>>
    tpu.enqueue_dma source(%dma_start3A_162 : memref<1568xf32, #tpu.memory_space<hbm>>) target(%dma_start3A_161 : memref<1568xf32, #tpu.memory_space<vmem>>) target_semaphore(%arg18 : memref<!tpu.dma_semaphore, #tpu.memory_space<semaphore_mem>>)
    %add3A_163 = arith.constant 1003520 : i32
    %add3A_164 = arith.addi %add3A_163, %mul3A_2 : i32
    %dma_start3A_165 = arith.constant 31360 : i32
    %dma_start3A_166 = tpu.memref_slice %arg10[%dma_start3A_165] : memref<50176xf32, #tpu.memory_space<vmem>> -> memref<1568xf32, #tpu.memory_space<vmem>>
    %dma_start3A_167 = tpu.memref_slice %arg2[%add3A_164] : memref<1605632xf32, #tpu.memory_space<hbm>> -> memref<1568xf32, #tpu.memory_space<hbm>>
    %dma_start3A_168 = arith.constant 31360 : i32
    %dma_start3A_169 = tpu.memref_slice %arg10[%dma_start3A_168] : memref<50176xf32, #tpu.memory_space<vmem>> -> memref<1568xf32, #tpu.memory_space<vmem>>
    %dma_start3A_170 = tpu.memref_slice %arg2[%add3A_164] : memref<1605632xf32, #tpu.memory_space<hbm>> -> memref<1568xf32, #tpu.memory_space<hbm>>
    tpu.enqueue_dma source(%dma_start3A_170 : memref<1568xf32, #tpu.memory_space<hbm>>) target(%dma_start3A_169 : memref<1568xf32, #tpu.memory_space<vmem>>) target_semaphore(%arg18 : memref<!tpu.dma_semaphore, #tpu.memory_space<semaphore_mem>>)
    %add3A_171 = arith.constant 1053696 : i32
    %add3A_172 = arith.addi %add3A_171, %mul3A_2 : i32
    %dma_start3A_173 = arith.constant 32928 : i32
    %dma_start3A_174 = tpu.memref_slice %arg10[%dma_start3A_173] : memref<50176xf32, #tpu.memory_space<vmem>> -> memref<1568xf32, #tpu.memory_space<vmem>>
    %dma_start3A_175 = tpu.memref_slice %arg2[%add3A_172] : memref<1605632xf32, #tpu.memory_space<hbm>> -> memref<1568xf32, #tpu.memory_space<hbm>>
    %dma_start3A_176 = arith.constant 32928 : i32
    %dma_start3A_177 = tpu.memref_slice %arg10[%dma_start3A_176] : memref<50176xf32, #tpu.memory_space<vmem>> -> memref<1568xf32, #tpu.memory_space<vmem>>
    %dma_start3A_178 = tpu.memref_slice %arg2[%add3A_172] : memref<1605632xf32, #tpu.memory_space<hbm>> -> memref<1568xf32, #tpu.memory_space<hbm>>
    tpu.enqueue_dma source(%dma_start3A_178 : memref<1568xf32, #tpu.memory_space<hbm>>) target(%dma_start3A_177 : memref<1568xf32, #tpu.memory_space<vmem>>) target_semaphore(%arg18 : memref<!tpu.dma_semaphore, #tpu.memory_space<semaphore_mem>>)
    %add3A_179 = arith.constant 1103872 : i32
    %add3A_180 = arith.addi %add3A_179, %mul3A_2 : i32
    %dma_start3A_181 = arith.constant 34496 : i32
    %dma_start3A_182 = tpu.memref_slice %arg10[%dma_start3A_181] : memref<50176xf32, #tpu.memory_space<vmem>> -> memref<1568xf32, #tpu.memory_space<vmem>>
    %dma_start3A_183 = tpu.memref_slice %arg2[%add3A_180] : memref<1605632xf32, #tpu.memory_space<hbm>> -> memref<1568xf32, #tpu.memory_space<hbm>>
    %dma_start3A_184 = arith.constant 34496 : i32
    %dma_start3A_185 = tpu.memref_slice %arg10[%dma_start3A_184] : memref<50176xf32, #tpu.memory_space<vmem>> -> memref<1568xf32, #tpu.memory_space<vmem>>
    %dma_start3A_186 = tpu.memref_slice %arg2[%add3A_180] : memref<1605632xf32, #tpu.memory_space<hbm>> -> memref<1568xf32, #tpu.memory_space<hbm>>
    tpu.enqueue_dma source(%dma_start3A_186 : memref<1568xf32, #tpu.memory_space<hbm>>) target(%dma_start3A_185 : memref<1568xf32, #tpu.memory_space<vmem>>) target_semaphore(%arg18 : memref<!tpu.dma_semaphore, #tpu.memory_space<semaphore_mem>>)
    %add3A_187 = arith.constant 1154048 : i32
    %add3A_188 = arith.addi %add3A_187, %mul3A_2 : i32
    %dma_start3A_189 = arith.constant 36064 : i32
    %dma_start3A_190 = tpu.memref_slice %arg10[%dma_start3A_189] : memref<50176xf32, #tpu.memory_space<vmem>> -> memref<1568xf32, #tpu.memory_space<vmem>>
    %dma_start3A_191 = tpu.memref_slice %arg2[%add3A_188] : memref<1605632xf32, #tpu.memory_space<hbm>> -> memref<1568xf32, #tpu.memory_space<hbm>>
    %dma_start3A_192 = arith.constant 36064 : i32
    %dma_start3A_193 = tpu.memref_slice %arg10[%dma_start3A_192] : memref<50176xf32, #tpu.memory_space<vmem>> -> memref<1568xf32, #tpu.memory_space<vmem>>
    %dma_start3A_194 = tpu.memref_slice %arg2[%add3A_188] : memref<1605632xf32, #tpu.memory_space<hbm>> -> memref<1568xf32, #tpu.memory_space<hbm>>
    tpu.enqueue_dma source(%dma_start3A_194 : memref<1568xf32, #tpu.memory_space<hbm>>) target(%dma_start3A_193 : memref<1568xf32, #tpu.memory_space<vmem>>) target_semaphore(%arg18 : memref<!tpu.dma_semaphore, #tpu.memory_space<semaphore_mem>>)
    %add3A_195 = arith.constant 1204224 : i32
    %add3A_196 = arith.addi %add3A_195, %mul3A_2 : i32
    %dma_start3A_197 = arith.constant 37632 : i32
    %dma_start3A_198 = tpu.memref_slice %arg10[%dma_start3A_197] : memref<50176xf32, #tpu.memory_space<vmem>> -> memref<1568xf32, #tpu.memory_space<vmem>>
    %dma_start3A_199 = tpu.memref_slice %arg2[%add3A_196] : memref<1605632xf32, #tpu.memory_space<hbm>> -> memref<1568xf32, #tpu.memory_space<hbm>>
    %dma_start3A_200 = arith.constant 37632 : i32
    %dma_start3A_201 = tpu.memref_slice %arg10[%dma_start3A_200] : memref<50176xf32, #tpu.memory_space<vmem>> -> memref<1568xf32, #tpu.memory_space<vmem>>
    %dma_start3A_202 = tpu.memref_slice %arg2[%add3A_196] : memref<1605632xf32, #tpu.memory_space<hbm>> -> memref<1568xf32, #tpu.memory_space<hbm>>
    tpu.enqueue_dma source(%dma_start3A_202 : memref<1568xf32, #tpu.memory_space<hbm>>) target(%dma_start3A_201 : memref<1568xf32, #tpu.memory_space<vmem>>) target_semaphore(%arg18 : memref<!tpu.dma_semaphore, #tpu.memory_space<semaphore_mem>>)
    %add3A_203 = arith.constant 1254400 : i32
    %add3A_204 = arith.addi %add3A_203, %mul3A_2 : i32
    %dma_start3A_205 = arith.constant 39200 : i32
    %dma_start3A_206 = tpu.memref_slice %arg10[%dma_start3A_205] : memref<50176xf32, #tpu.memory_space<vmem>> -> memref<1568xf32, #tpu.memory_space<vmem>>
    %dma_start3A_207 = tpu.memref_slice %arg2[%add3A_204] : memref<1605632xf32, #tpu.memory_space<hbm>> -> memref<1568xf32, #tpu.memory_space<hbm>>
    %dma_start3A_208 = arith.constant 39200 : i32
    %dma_start3A_209 = tpu.memref_slice %arg10[%dma_start3A_208] : memref<50176xf32, #tpu.memory_space<vmem>> -> memref<1568xf32, #tpu.memory_space<vmem>>
    %dma_start3A_210 = tpu.memref_slice %arg2[%add3A_204] : memref<1605632xf32, #tpu.memory_space<hbm>> -> memref<1568xf32, #tpu.memory_space<hbm>>
    tpu.enqueue_dma source(%dma_start3A_210 : memref<1568xf32, #tpu.memory_space<hbm>>) target(%dma_start3A_209 : memref<1568xf32, #tpu.memory_space<vmem>>) target_semaphore(%arg18 : memref<!tpu.dma_semaphore, #tpu.memory_space<semaphore_mem>>)
    %add3A_211 = arith.constant 1304576 : i32
    %add3A_212 = arith.addi %add3A_211, %mul3A_2 : i32
    %dma_start3A_213 = arith.constant 40768 : i32
    %dma_start3A_214 = tpu.memref_slice %arg10[%dma_start3A_213] : memref<50176xf32, #tpu.memory_space<vmem>> -> memref<1568xf32, #tpu.memory_space<vmem>>
    %dma_start3A_215 = tpu.memref_slice %arg2[%add3A_212] : memref<1605632xf32, #tpu.memory_space<hbm>> -> memref<1568xf32, #tpu.memory_space<hbm>>
    %dma_start3A_216 = arith.constant 40768 : i32
    %dma_start3A_217 = tpu.memref_slice %arg10[%dma_start3A_216] : memref<50176xf32, #tpu.memory_space<vmem>> -> memref<1568xf32, #tpu.memory_space<vmem>>
    %dma_start3A_218 = tpu.memref_slice %arg2[%add3A_212] : memref<1605632xf32, #tpu.memory_space<hbm>> -> memref<1568xf32, #tpu.memory_space<hbm>>
    tpu.enqueue_dma source(%dma_start3A_218 : memref<1568xf32, #tpu.memory_space<hbm>>) target(%dma_start3A_217 : memref<1568xf32, #tpu.memory_space<vmem>>) target_semaphore(%arg18 : memref<!tpu.dma_semaphore, #tpu.memory_space<semaphore_mem>>)
    %add3A_219 = arith.constant 1354752 : i32
    %add3A_220 = arith.addi %add3A_219, %mul3A_2 : i32
    %dma_start3A_221 = arith.constant 42336 : i32
    %dma_start3A_222 = tpu.memref_slice %arg10[%dma_start3A_221] : memref<50176xf32, #tpu.memory_space<vmem>> -> memref<1568xf32, #tpu.memory_space<vmem>>
    %dma_start3A_223 = tpu.memref_slice %arg2[%add3A_220] : memref<1605632xf32, #tpu.memory_space<hbm>> -> memref<1568xf32, #tpu.memory_space<hbm>>
    %dma_start3A_224 = arith.constant 42336 : i32
    %dma_start3A_225 = tpu.memref_slice %arg10[%dma_start3A_224] : memref<50176xf32, #tpu.memory_space<vmem>> -> memref<1568xf32, #tpu.memory_space<vmem>>
    %dma_start3A_226 = tpu.memref_slice %arg2[%add3A_220] : memref<1605632xf32, #tpu.memory_space<hbm>> -> memref<1568xf32, #tpu.memory_space<hbm>>
    tpu.enqueue_dma source(%dma_start3A_226 : memref<1568xf32, #tpu.memory_space<hbm>>) target(%dma_start3A_225 : memref<1568xf32, #tpu.memory_space<vmem>>) target_semaphore(%arg18 : memref<!tpu.dma_semaphore, #tpu.memory_space<semaphore_mem>>)
    %add3A_227 = arith.constant 1404928 : i32
    %add3A_228 = arith.addi %add3A_227, %mul3A_2 : i32
    %dma_start3A_229 = arith.constant 43904 : i32
    %dma_start3A_230 = tpu.memref_slice %arg10[%dma_start3A_229] : memref<50176xf32, #tpu.memory_space<vmem>> -> memref<1568xf32, #tpu.memory_space<vmem>>
    %dma_start3A_231 = tpu.memref_slice %arg2[%add3A_228] : memref<1605632xf32, #tpu.memory_space<hbm>> -> memref<1568xf32, #tpu.memory_space<hbm>>
    %dma_start3A_232 = arith.constant 43904 : i32
    %dma_start3A_233 = tpu.memref_slice %arg10[%dma_start3A_232] : memref<50176xf32, #tpu.memory_space<vmem>> -> memref<1568xf32, #tpu.memory_space<vmem>>
    %dma_start3A_234 = tpu.memref_slice %arg2[%add3A_228] : memref<1605632xf32, #tpu.memory_space<hbm>> -> memref<1568xf32, #tpu.memory_space<hbm>>
    tpu.enqueue_dma source(%dma_start3A_234 : memref<1568xf32, #tpu.memory_space<hbm>>) target(%dma_start3A_233 : memref<1568xf32, #tpu.memory_space<vmem>>) target_semaphore(%arg18 : memref<!tpu.dma_semaphore, #tpu.memory_space<semaphore_mem>>)
    %add3A_235 = arith.constant 1455104 : i32
    %add3A_236 = arith.addi %add3A_235, %mul3A_2 : i32
    %dma_start3A_237 = arith.constant 45472 : i32
    %dma_start3A_238 = tpu.memref_slice %arg10[%dma_start3A_237] : memref<50176xf32, #tpu.memory_space<vmem>> -> memref<1568xf32, #tpu.memory_space<vmem>>
    %dma_start3A_239 = tpu.memref_slice %arg2[%add3A_236] : memref<1605632xf32, #tpu.memory_space<hbm>> -> memref<1568xf32, #tpu.memory_space<hbm>>
    %dma_start3A_240 = arith.constant 45472 : i32
    %dma_start3A_241 = tpu.memref_slice %arg10[%dma_start3A_240] : memref<50176xf32, #tpu.memory_space<vmem>> -> memref<1568xf32, #tpu.memory_space<vmem>>
    %dma_start3A_242 = tpu.memref_slice %arg2[%add3A_236] : memref<1605632xf32, #tpu.memory_space<hbm>> -> memref<1568xf32, #tpu.memory_space<hbm>>
    tpu.enqueue_dma source(%dma_start3A_242 : memref<1568xf32, #tpu.memory_space<hbm>>) target(%dma_start3A_241 : memref<1568xf32, #tpu.memory_space<vmem>>) target_semaphore(%arg18 : memref<!tpu.dma_semaphore, #tpu.memory_space<semaphore_mem>>)
    %add3A_243 = arith.constant 1505280 : i32
    %add3A_244 = arith.addi %add3A_243, %mul3A_2 : i32
    %dma_start3A_245 = arith.constant 47040 : i32
    %dma_start3A_246 = tpu.memref_slice %arg10[%dma_start3A_245] : memref<50176xf32, #tpu.memory_space<vmem>> -> memref<1568xf32, #tpu.memory_space<vmem>>
    %dma_start3A_247 = tpu.memref_slice %arg2[%add3A_244] : memref<1605632xf32, #tpu.memory_space<hbm>> -> memref<1568xf32, #tpu.memory_space<hbm>>
    %dma_start3A_248 = arith.constant 47040 : i32
    %dma_start3A_249 = tpu.memref_slice %arg10[%dma_start3A_248] : memref<50176xf32, #tpu.memory_space<vmem>> -> memref<1568xf32, #tpu.memory_space<vmem>>
    %dma_start3A_250 = tpu.memref_slice %arg2[%add3A_244] : memref<1605632xf32, #tpu.memory_space<hbm>> -> memref<1568xf32, #tpu.memory_space<hbm>>
    tpu.enqueue_dma source(%dma_start3A_250 : memref<1568xf32, #tpu.memory_space<hbm>>) target(%dma_start3A_249 : memref<1568xf32, #tpu.memory_space<vmem>>) target_semaphore(%arg18 : memref<!tpu.dma_semaphore, #tpu.memory_space<semaphore_mem>>)
    %add3A_251 = arith.constant 1555456 : i32
    %add3A_252 = arith.addi %add3A_251, %mul3A_2 : i32
    %dma_start3A_253 = arith.constant 48608 : i32
    %dma_start3A_254 = tpu.memref_slice %arg10[%dma_start3A_253] : memref<50176xf32, #tpu.memory_space<vmem>> -> memref<1568xf32, #tpu.memory_space<vmem>>
    %dma_start3A_255 = tpu.memref_slice %arg2[%add3A_252] : memref<1605632xf32, #tpu.memory_space<hbm>> -> memref<1568xf32, #tpu.memory_space<hbm>>
    %dma_start3A_256 = arith.constant 48608 : i32
    %dma_start3A_257 = tpu.memref_slice %arg10[%dma_start3A_256] : memref<50176xf32, #tpu.memory_space<vmem>> -> memref<1568xf32, #tpu.memory_space<vmem>>
    %dma_start3A_258 = tpu.memref_slice %arg2[%add3A_252] : memref<1605632xf32, #tpu.memory_space<hbm>> -> memref<1568xf32, #tpu.memory_space<hbm>>
    tpu.enqueue_dma source(%dma_start3A_258 : memref<1568xf32, #tpu.memory_space<hbm>>) target(%dma_start3A_257 : memref<1568xf32, #tpu.memory_space<vmem>>) target_semaphore(%arg18 : memref<!tpu.dma_semaphore, #tpu.memory_space<semaphore_mem>>)
    %convert_element_type3A = arith.extui %eq3A_3 : i1 to i32
    %cond3A = arith.constant 0 : i32
    %cond3A_259 = arith.cmpi ne, %convert_element_type3A, %cond3A : i32
    scf.if %cond3A_259 {
      %dma_start3A_473 = arith.constant 0 : i32
      %dma_start3A_474 = tpu.memref_slice %arg11[%dma_start3A_473] : memref<1568xf32, #tpu.memory_space<vmem>> -> memref<1392xf32, #tpu.memory_space<vmem>>
      %dma_start3A_475 = tpu.memref_slice %arg3[%mul3A_2] : memref<50000xf32, #tpu.memory_space<hbm>> -> memref<1392xf32, #tpu.memory_space<hbm>>
      %dma_start3A_476 = arith.constant 0 : i32
      %dma_start3A_477 = tpu.memref_slice %arg11[%dma_start3A_476] : memref<1568xf32, #tpu.memory_space<vmem>> -> memref<1392xf32, #tpu.memory_space<vmem>>
      %dma_start3A_478 = tpu.memref_slice %arg3[%mul3A_2] : memref<50000xf32, #tpu.memory_space<hbm>> -> memref<1392xf32, #tpu.memory_space<hbm>>
      tpu.enqueue_dma source(%dma_start3A_478 : memref<1392xf32, #tpu.memory_space<hbm>>) target(%dma_start3A_477 : memref<1392xf32, #tpu.memory_space<vmem>>) target_semaphore(%arg19 : memref<!tpu.dma_semaphore, #tpu.memory_space<semaphore_mem>>)
      %dma_start3A_479 = arith.constant 0 : i32
      %dma_start3A_480 = tpu.memref_slice %arg12[%dma_start3A_479] : memref<1568xf32, #tpu.memory_space<vmem>> -> memref<1392xf32, #tpu.memory_space<vmem>>
      %dma_start3A_481 = tpu.memref_slice %arg4[%mul3A_2] : memref<50000xf32, #tpu.memory_space<hbm>> -> memref<1392xf32, #tpu.memory_space<hbm>>
      %dma_start3A_482 = arith.constant 0 : i32
      %dma_start3A_483 = tpu.memref_slice %arg12[%dma_start3A_482] : memref<1568xf32, #tpu.memory_space<vmem>> -> memref<1392xf32, #tpu.memory_space<vmem>>
      %dma_start3A_484 = tpu.memref_slice %arg4[%mul3A_2] : memref<50000xf32, #tpu.memory_space<hbm>> -> memref<1392xf32, #tpu.memory_space<hbm>>
      tpu.enqueue_dma source(%dma_start3A_484 : memref<1392xf32, #tpu.memory_space<hbm>>) target(%dma_start3A_483 : memref<1392xf32, #tpu.memory_space<vmem>>) target_semaphore(%arg19 : memref<!tpu.dma_semaphore, #tpu.memory_space<semaphore_mem>>)
      %dma_start3A_485 = arith.constant 0 : i32
      %dma_start3A_486 = tpu.memref_slice %arg13[%dma_start3A_485] : memref<1568xf32, #tpu.memory_space<vmem>> -> memref<1392xf32, #tpu.memory_space<vmem>>
      %dma_start3A_487 = tpu.memref_slice %arg5[%mul3A_2] : memref<50000xf32, #tpu.memory_space<hbm>> -> memref<1392xf32, #tpu.memory_space<hbm>>
      %dma_start3A_488 = arith.constant 0 : i32
      %dma_start3A_489 = tpu.memref_slice %arg13[%dma_start3A_488] : memref<1568xf32, #tpu.memory_space<vmem>> -> memref<1392xf32, #tpu.memory_space<vmem>>
      %dma_start3A_490 = tpu.memref_slice %arg5[%mul3A_2] : memref<50000xf32, #tpu.memory_space<hbm>> -> memref<1392xf32, #tpu.memory_space<hbm>>
      tpu.enqueue_dma source(%dma_start3A_490 : memref<1392xf32, #tpu.memory_space<hbm>>) target(%dma_start3A_489 : memref<1392xf32, #tpu.memory_space<vmem>>) target_semaphore(%arg19 : memref<!tpu.dma_semaphore, #tpu.memory_space<semaphore_mem>>)
      %dma_start3A_491 = arith.constant 0 : i32
      %dma_start3A_492 = tpu.memref_slice %arg14[%dma_start3A_491] : memref<1568xf32, #tpu.memory_space<vmem>> -> memref<1392xf32, #tpu.memory_space<vmem>>
      %dma_start3A_493 = tpu.memref_slice %arg6[%mul3A_2] : memref<50000xf32, #tpu.memory_space<hbm>> -> memref<1392xf32, #tpu.memory_space<hbm>>
      %dma_start3A_494 = arith.constant 0 : i32
      %dma_start3A_495 = tpu.memref_slice %arg14[%dma_start3A_494] : memref<1568xf32, #tpu.memory_space<vmem>> -> memref<1392xf32, #tpu.memory_space<vmem>>
      %dma_start3A_496 = tpu.memref_slice %arg6[%mul3A_2] : memref<50000xf32, #tpu.memory_space<hbm>> -> memref<1392xf32, #tpu.memory_space<hbm>>
      tpu.enqueue_dma source(%dma_start3A_496 : memref<1392xf32, #tpu.memory_space<hbm>>) target(%dma_start3A_495 : memref<1392xf32, #tpu.memory_space<vmem>>) target_semaphore(%arg19 : memref<!tpu.dma_semaphore, #tpu.memory_space<semaphore_mem>>)
      %dma_start3A_497 = arith.constant 0 : i32
      %dma_start3A_498 = tpu.memref_slice %arg15[%dma_start3A_497] : memref<1568xf32, #tpu.memory_space<vmem>> -> memref<1392xf32, #tpu.memory_space<vmem>>
      %dma_start3A_499 = tpu.memref_slice %arg7[%mul3A_2] : memref<50000xf32, #tpu.memory_space<hbm>> -> memref<1392xf32, #tpu.memory_space<hbm>>
      %dma_start3A_500 = arith.constant 0 : i32
      %dma_start3A_501 = tpu.memref_slice %arg15[%dma_start3A_500] : memref<1568xf32, #tpu.memory_space<vmem>> -> memref<1392xf32, #tpu.memory_space<vmem>>
      %dma_start3A_502 = tpu.memref_slice %arg7[%mul3A_2] : memref<50000xf32, #tpu.memory_space<hbm>> -> memref<1392xf32, #tpu.memory_space<hbm>>
      tpu.enqueue_dma source(%dma_start3A_502 : memref<1392xf32, #tpu.memory_space<hbm>>) target(%dma_start3A_501 : memref<1392xf32, #tpu.memory_space<vmem>>) target_semaphore(%arg19 : memref<!tpu.dma_semaphore, #tpu.memory_space<semaphore_mem>>)
      %dma_start3A_503 = arith.constant 0 : i32
      %dma_start3A_504 = tpu.memref_slice %arg16[%dma_start3A_503] : memref<1568xf32, #tpu.memory_space<vmem>> -> memref<1392xf32, #tpu.memory_space<vmem>>
      %dma_start3A_505 = tpu.memref_slice %arg8[%mul3A_2] : memref<50000xf32, #tpu.memory_space<hbm>> -> memref<1392xf32, #tpu.memory_space<hbm>>
      %dma_start3A_506 = arith.constant 0 : i32
      %dma_start3A_507 = tpu.memref_slice %arg16[%dma_start3A_506] : memref<1568xf32, #tpu.memory_space<vmem>> -> memref<1392xf32, #tpu.memory_space<vmem>>
      %dma_start3A_508 = tpu.memref_slice %arg8[%mul3A_2] : memref<50000xf32, #tpu.memory_space<hbm>> -> memref<1392xf32, #tpu.memory_space<hbm>>
      tpu.enqueue_dma source(%dma_start3A_508 : memref<1392xf32, #tpu.memory_space<hbm>>) target(%dma_start3A_507 : memref<1392xf32, #tpu.memory_space<vmem>>) target_semaphore(%arg19 : memref<!tpu.dma_semaphore, #tpu.memory_space<semaphore_mem>>)
      %dma_wait3A_509 = arith.constant 0 : i32
      %dma_wait3A_510 = tpu.memref_slice %arg11[%dma_wait3A_509] : memref<1568xf32, #tpu.memory_space<vmem>> -> memref<1392xf32, #tpu.memory_space<vmem>>
      %dma_wait3A_511 = tpu.memref_slice %arg3[%mul3A_2] : memref<50000xf32, #tpu.memory_space<hbm>> -> memref<1392xf32, #tpu.memory_space<hbm>>
      %dma_wait3A_512 = arith.constant 0 : i32
      %dma_wait3A_513 = tpu.memref_slice %arg11[%dma_wait3A_512] : memref<1568xf32, #tpu.memory_space<vmem>> -> memref<1392xf32, #tpu.memory_space<vmem>>
      %dma_wait3A_514 = tpu.memref_slice %arg3[%mul3A_2] : memref<50000xf32, #tpu.memory_space<hbm>> -> memref<1392xf32, #tpu.memory_space<hbm>>
      tpu.wait_dma2 semaphore(%arg19 : memref<!tpu.dma_semaphore, #tpu.memory_space<semaphore_mem>>) src(%dma_wait3A_514 : memref<1392xf32, #tpu.memory_space<hbm>>) dst(%dma_wait3A_513 : memref<1392xf32, #tpu.memory_space<vmem>>)
      %dma_wait3A_515 = arith.constant 0 : i32
      %dma_wait3A_516 = tpu.memref_slice %arg12[%dma_wait3A_515] : memref<1568xf32, #tpu.memory_space<vmem>> -> memref<1392xf32, #tpu.memory_space<vmem>>
      %dma_wait3A_517 = tpu.memref_slice %arg4[%mul3A_2] : memref<50000xf32, #tpu.memory_space<hbm>> -> memref<1392xf32, #tpu.memory_space<hbm>>
      %dma_wait3A_518 = arith.constant 0 : i32
      %dma_wait3A_519 = tpu.memref_slice %arg12[%dma_wait3A_518] : memref<1568xf32, #tpu.memory_space<vmem>> -> memref<1392xf32, #tpu.memory_space<vmem>>
      %dma_wait3A_520 = tpu.memref_slice %arg4[%mul3A_2] : memref<50000xf32, #tpu.memory_space<hbm>> -> memref<1392xf32, #tpu.memory_space<hbm>>
      tpu.wait_dma2 semaphore(%arg19 : memref<!tpu.dma_semaphore, #tpu.memory_space<semaphore_mem>>) src(%dma_wait3A_520 : memref<1392xf32, #tpu.memory_space<hbm>>) dst(%dma_wait3A_519 : memref<1392xf32, #tpu.memory_space<vmem>>)
      %dma_wait3A_521 = arith.constant 0 : i32
      %dma_wait3A_522 = tpu.memref_slice %arg13[%dma_wait3A_521] : memref<1568xf32, #tpu.memory_space<vmem>> -> memref<1392xf32, #tpu.memory_space<vmem>>
      %dma_wait3A_523 = tpu.memref_slice %arg5[%mul3A_2] : memref<50000xf32, #tpu.memory_space<hbm>> -> memref<1392xf32, #tpu.memory_space<hbm>>
      %dma_wait3A_524 = arith.constant 0 : i32
      %dma_wait3A_525 = tpu.memref_slice %arg13[%dma_wait3A_524] : memref<1568xf32, #tpu.memory_space<vmem>> -> memref<1392xf32, #tpu.memory_space<vmem>>
      %dma_wait3A_526 = tpu.memref_slice %arg5[%mul3A_2] : memref<50000xf32, #tpu.memory_space<hbm>> -> memref<1392xf32, #tpu.memory_space<hbm>>
      tpu.wait_dma2 semaphore(%arg19 : memref<!tpu.dma_semaphore, #tpu.memory_space<semaphore_mem>>) src(%dma_wait3A_526 : memref<1392xf32, #tpu.memory_space<hbm>>) dst(%dma_wait3A_525 : memref<1392xf32, #tpu.memory_space<vmem>>)
      %dma_wait3A_527 = arith.constant 0 : i32
      %dma_wait3A_528 = tpu.memref_slice %arg14[%dma_wait3A_527] : memref<1568xf32, #tpu.memory_space<vmem>> -> memref<1392xf32, #tpu.memory_space<vmem>>
      %dma_wait3A_529 = tpu.memref_slice %arg6[%mul3A_2] : memref<50000xf32, #tpu.memory_space<hbm>> -> memref<1392xf32, #tpu.memory_space<hbm>>
      %dma_wait3A_530 = arith.constant 0 : i32
      %dma_wait3A_531 = tpu.memref_slice %arg14[%dma_wait3A_530] : memref<1568xf32, #tpu.memory_space<vmem>> -> memref<1392xf32, #tpu.memory_space<vmem>>
      %dma_wait3A_532 = tpu.memref_slice %arg6[%mul3A_2] : memref<50000xf32, #tpu.memory_space<hbm>> -> memref<1392xf32, #tpu.memory_space<hbm>>
      tpu.wait_dma2 semaphore(%arg19 : memref<!tpu.dma_semaphore, #tpu.memory_space<semaphore_mem>>) src(%dma_wait3A_532 : memref<1392xf32, #tpu.memory_space<hbm>>) dst(%dma_wait3A_531 : memref<1392xf32, #tpu.memory_space<vmem>>)
      %dma_wait3A_533 = arith.constant 0 : i32
      %dma_wait3A_534 = tpu.memref_slice %arg15[%dma_wait3A_533] : memref<1568xf32, #tpu.memory_space<vmem>> -> memref<1392xf32, #tpu.memory_space<vmem>>
      %dma_wait3A_535 = tpu.memref_slice %arg7[%mul3A_2] : memref<50000xf32, #tpu.memory_space<hbm>> -> memref<1392xf32, #tpu.memory_space<hbm>>
      %dma_wait3A_536 = arith.constant 0 : i32
      %dma_wait3A_537 = tpu.memref_slice %arg15[%dma_wait3A_536] : memref<1568xf32, #tpu.memory_space<vmem>> -> memref<1392xf32, #tpu.memory_space<vmem>>
      %dma_wait3A_538 = tpu.memref_slice %arg7[%mul3A_2] : memref<50000xf32, #tpu.memory_space<hbm>> -> memref<1392xf32, #tpu.memory_space<hbm>>
      tpu.wait_dma2 semaphore(%arg19 : memref<!tpu.dma_semaphore, #tpu.memory_space<semaphore_mem>>) src(%dma_wait3A_538 : memref<1392xf32, #tpu.memory_space<hbm>>) dst(%dma_wait3A_537 : memref<1392xf32, #tpu.memory_space<vmem>>)
      %dma_wait3A_539 = arith.constant 0 : i32
      %dma_wait3A_540 = tpu.memref_slice %arg16[%dma_wait3A_539] : memref<1568xf32, #tpu.memory_space<vmem>> -> memref<1392xf32, #tpu.memory_space<vmem>>
      %dma_wait3A_541 = tpu.memref_slice %arg8[%mul3A_2] : memref<50000xf32, #tpu.memory_space<hbm>> -> memref<1392xf32, #tpu.memory_space<hbm>>
      %dma_wait3A_542 = arith.constant 0 : i32
      %dma_wait3A_543 = tpu.memref_slice %arg16[%dma_wait3A_542] : memref<1568xf32, #tpu.memory_space<vmem>> -> memref<1392xf32, #tpu.memory_space<vmem>>
      %dma_wait3A_544 = tpu.memref_slice %arg8[%mul3A_2] : memref<50000xf32, #tpu.memory_space<hbm>> -> memref<1392xf32, #tpu.memory_space<hbm>>
      tpu.wait_dma2 semaphore(%arg19 : memref<!tpu.dma_semaphore, #tpu.memory_space<semaphore_mem>>) src(%dma_wait3A_544 : memref<1392xf32, #tpu.memory_space<hbm>>) dst(%dma_wait3A_543 : memref<1392xf32, #tpu.memory_space<vmem>>)
    } else {
    }
    %not3A = arith.constant true
    %not3A_260 = arith.xori %eq3A_3, %not3A : i1
    %convert_element_type3A_261 = arith.extui %not3A_260 : i1 to i32
    %cond3A_262 = arith.constant 0 : i32
    %cond3A_263 = arith.cmpi ne, %convert_element_type3A_261, %cond3A_262 : i32
    scf.if %cond3A_263 {
      %dma_start3A_473 = arith.constant 0 : i32
      %dma_start3A_474 = tpu.memref_slice %arg11[%dma_start3A_473] : memref<1568xf32, #tpu.memory_space<vmem>> -> memref<1568xf32, #tpu.memory_space<vmem>>
      %dma_start3A_475 = tpu.memref_slice %arg3[%mul3A_2] : memref<50000xf32, #tpu.memory_space<hbm>> -> memref<1568xf32, #tpu.memory_space<hbm>>
      %dma_start3A_476 = arith.constant 0 : i32
      %dma_start3A_477 = tpu.memref_slice %arg11[%dma_start3A_476] : memref<1568xf32, #tpu.memory_space<vmem>> -> memref<1568xf32, #tpu.memory_space<vmem>>
      %dma_start3A_478 = tpu.memref_slice %arg3[%mul3A_2] : memref<50000xf32, #tpu.memory_space<hbm>> -> memref<1568xf32, #tpu.memory_space<hbm>>
      tpu.enqueue_dma source(%dma_start3A_478 : memref<1568xf32, #tpu.memory_space<hbm>>) target(%dma_start3A_477 : memref<1568xf32, #tpu.memory_space<vmem>>) target_semaphore(%arg19 : memref<!tpu.dma_semaphore, #tpu.memory_space<semaphore_mem>>)
      %dma_start3A_479 = arith.constant 0 : i32
      %dma_start3A_480 = tpu.memref_slice %arg12[%dma_start3A_479] : memref<1568xf32, #tpu.memory_space<vmem>> -> memref<1568xf32, #tpu.memory_space<vmem>>
      %dma_start3A_481 = tpu.memref_slice %arg4[%mul3A_2] : memref<50000xf32, #tpu.memory_space<hbm>> -> memref<1568xf32, #tpu.memory_space<hbm>>
      %dma_start3A_482 = arith.constant 0 : i32
      %dma_start3A_483 = tpu.memref_slice %arg12[%dma_start3A_482] : memref<1568xf32, #tpu.memory_space<vmem>> -> memref<1568xf32, #tpu.memory_space<vmem>>
      %dma_start3A_484 = tpu.memref_slice %arg4[%mul3A_2] : memref<50000xf32, #tpu.memory_space<hbm>> -> memref<1568xf32, #tpu.memory_space<hbm>>
      tpu.enqueue_dma source(%dma_start3A_484 : memref<1568xf32, #tpu.memory_space<hbm>>) target(%dma_start3A_483 : memref<1568xf32, #tpu.memory_space<vmem>>) target_semaphore(%arg19 : memref<!tpu.dma_semaphore, #tpu.memory_space<semaphore_mem>>)
      %dma_start3A_485 = arith.constant 0 : i32
      %dma_start3A_486 = tpu.memref_slice %arg13[%dma_start3A_485] : memref<1568xf32, #tpu.memory_space<vmem>> -> memref<1568xf32, #tpu.memory_space<vmem>>
      %dma_start3A_487 = tpu.memref_slice %arg5[%mul3A_2] : memref<50000xf32, #tpu.memory_space<hbm>> -> memref<1568xf32, #tpu.memory_space<hbm>>
      %dma_start3A_488 = arith.constant 0 : i32
      %dma_start3A_489 = tpu.memref_slice %arg13[%dma_start3A_488] : memref<1568xf32, #tpu.memory_space<vmem>> -> memref<1568xf32, #tpu.memory_space<vmem>>
      %dma_start3A_490 = tpu.memref_slice %arg5[%mul3A_2] : memref<50000xf32, #tpu.memory_space<hbm>> -> memref<1568xf32, #tpu.memory_space<hbm>>
      tpu.enqueue_dma source(%dma_start3A_490 : memref<1568xf32, #tpu.memory_space<hbm>>) target(%dma_start3A_489 : memref<1568xf32, #tpu.memory_space<vmem>>) target_semaphore(%arg19 : memref<!tpu.dma_semaphore, #tpu.memory_space<semaphore_mem>>)
      %dma_start3A_491 = arith.constant 0 : i32
      %dma_start3A_492 = tpu.memref_slice %arg14[%dma_start3A_491] : memref<1568xf32, #tpu.memory_space<vmem>> -> memref<1568xf32, #tpu.memory_space<vmem>>
      %dma_start3A_493 = tpu.memref_slice %arg6[%mul3A_2] : memref<50000xf32, #tpu.memory_space<hbm>> -> memref<1568xf32, #tpu.memory_space<hbm>>
      %dma_start3A_494 = arith.constant 0 : i32
      %dma_start3A_495 = tpu.memref_slice %arg14[%dma_start3A_494] : memref<1568xf32, #tpu.memory_space<vmem>> -> memref<1568xf32, #tpu.memory_space<vmem>>
      %dma_start3A_496 = tpu.memref_slice %arg6[%mul3A_2] : memref<50000xf32, #tpu.memory_space<hbm>> -> memref<1568xf32, #tpu.memory_space<hbm>>
      tpu.enqueue_dma source(%dma_start3A_496 : memref<1568xf32, #tpu.memory_space<hbm>>) target(%dma_start3A_495 : memref<1568xf32, #tpu.memory_space<vmem>>) target_semaphore(%arg19 : memref<!tpu.dma_semaphore, #tpu.memory_space<semaphore_mem>>)
      %dma_start3A_497 = arith.constant 0 : i32
      %dma_start3A_498 = tpu.memref_slice %arg15[%dma_start3A_497] : memref<1568xf32, #tpu.memory_space<vmem>> -> memref<1568xf32, #tpu.memory_space<vmem>>
      %dma_start3A_499 = tpu.memref_slice %arg7[%mul3A_2] : memref<50000xf32, #tpu.memory_space<hbm>> -> memref<1568xf32, #tpu.memory_space<hbm>>
      %dma_start3A_500 = arith.constant 0 : i32
      %dma_start3A_501 = tpu.memref_slice %arg15[%dma_start3A_500] : memref<1568xf32, #tpu.memory_space<vmem>> -> memref<1568xf32, #tpu.memory_space<vmem>>
      %dma_start3A_502 = tpu.memref_slice %arg7[%mul3A_2] : memref<50000xf32, #tpu.memory_space<hbm>> -> memref<1568xf32, #tpu.memory_space<hbm>>
      tpu.enqueue_dma source(%dma_start3A_502 : memref<1568xf32, #tpu.memory_space<hbm>>) target(%dma_start3A_501 : memref<1568xf32, #tpu.memory_space<vmem>>) target_semaphore(%arg19 : memref<!tpu.dma_semaphore, #tpu.memory_space<semaphore_mem>>)
      %dma_start3A_503 = arith.constant 0 : i32
      %dma_start3A_504 = tpu.memref_slice %arg16[%dma_start3A_503] : memref<1568xf32, #tpu.memory_space<vmem>> -> memref<1568xf32, #tpu.memory_space<vmem>>
      %dma_start3A_505 = tpu.memref_slice %arg8[%mul3A_2] : memref<50000xf32, #tpu.memory_space<hbm>> -> memref<1568xf32, #tpu.memory_space<hbm>>
      %dma_start3A_506 = arith.constant 0 : i32
      %dma_start3A_507 = tpu.memref_slice %arg16[%dma_start3A_506] : memref<1568xf32, #tpu.memory_space<vmem>> -> memref<1568xf32, #tpu.memory_space<vmem>>
      %dma_start3A_508 = tpu.memref_slice %arg8[%mul3A_2] : memref<50000xf32, #tpu.memory_space<hbm>> -> memref<1568xf32, #tpu.memory_space<hbm>>
      tpu.enqueue_dma source(%dma_start3A_508 : memref<1568xf32, #tpu.memory_space<hbm>>) target(%dma_start3A_507 : memref<1568xf32, #tpu.memory_space<vmem>>) target_semaphore(%arg19 : memref<!tpu.dma_semaphore, #tpu.memory_space<semaphore_mem>>)
      %dma_wait3A_509 = arith.constant 0 : i32
      %dma_wait3A_510 = tpu.memref_slice %arg11[%dma_wait3A_509] : memref<1568xf32, #tpu.memory_space<vmem>> -> memref<1568xf32, #tpu.memory_space<vmem>>
      %dma_wait3A_511 = tpu.memref_slice %arg3[%mul3A_2] : memref<50000xf32, #tpu.memory_space<hbm>> -> memref<1568xf32, #tpu.memory_space<hbm>>
      %dma_wait3A_512 = arith.constant 0 : i32
      %dma_wait3A_513 = tpu.memref_slice %arg11[%dma_wait3A_512] : memref<1568xf32, #tpu.memory_space<vmem>> -> memref<1568xf32, #tpu.memory_space<vmem>>
      %dma_wait3A_514 = tpu.memref_slice %arg3[%mul3A_2] : memref<50000xf32, #tpu.memory_space<hbm>> -> memref<1568xf32, #tpu.memory_space<hbm>>
      tpu.wait_dma2 semaphore(%arg19 : memref<!tpu.dma_semaphore, #tpu.memory_space<semaphore_mem>>) src(%dma_wait3A_514 : memref<1568xf32, #tpu.memory_space<hbm>>) dst(%dma_wait3A_513 : memref<1568xf32, #tpu.memory_space<vmem>>)
      %dma_wait3A_515 = arith.constant 0 : i32
      %dma_wait3A_516 = tpu.memref_slice %arg12[%dma_wait3A_515] : memref<1568xf32, #tpu.memory_space<vmem>> -> memref<1568xf32, #tpu.memory_space<vmem>>
      %dma_wait3A_517 = tpu.memref_slice %arg4[%mul3A_2] : memref<50000xf32, #tpu.memory_space<hbm>> -> memref<1568xf32, #tpu.memory_space<hbm>>
      %dma_wait3A_518 = arith.constant 0 : i32
      %dma_wait3A_519 = tpu.memref_slice %arg12[%dma_wait3A_518] : memref<1568xf32, #tpu.memory_space<vmem>> -> memref<1568xf32, #tpu.memory_space<vmem>>
      %dma_wait3A_520 = tpu.memref_slice %arg4[%mul3A_2] : memref<50000xf32, #tpu.memory_space<hbm>> -> memref<1568xf32, #tpu.memory_space<hbm>>
      tpu.wait_dma2 semaphore(%arg19 : memref<!tpu.dma_semaphore, #tpu.memory_space<semaphore_mem>>) src(%dma_wait3A_520 : memref<1568xf32, #tpu.memory_space<hbm>>) dst(%dma_wait3A_519 : memref<1568xf32, #tpu.memory_space<vmem>>)
      %dma_wait3A_521 = arith.constant 0 : i32
      %dma_wait3A_522 = tpu.memref_slice %arg13[%dma_wait3A_521] : memref<1568xf32, #tpu.memory_space<vmem>> -> memref<1568xf32, #tpu.memory_space<vmem>>
      %dma_wait3A_523 = tpu.memref_slice %arg5[%mul3A_2] : memref<50000xf32, #tpu.memory_space<hbm>> -> memref<1568xf32, #tpu.memory_space<hbm>>
      %dma_wait3A_524 = arith.constant 0 : i32
      %dma_wait3A_525 = tpu.memref_slice %arg13[%dma_wait3A_524] : memref<1568xf32, #tpu.memory_space<vmem>> -> memref<1568xf32, #tpu.memory_space<vmem>>
      %dma_wait3A_526 = tpu.memref_slice %arg5[%mul3A_2] : memref<50000xf32, #tpu.memory_space<hbm>> -> memref<1568xf32, #tpu.memory_space<hbm>>
      tpu.wait_dma2 semaphore(%arg19 : memref<!tpu.dma_semaphore, #tpu.memory_space<semaphore_mem>>) src(%dma_wait3A_526 : memref<1568xf32, #tpu.memory_space<hbm>>) dst(%dma_wait3A_525 : memref<1568xf32, #tpu.memory_space<vmem>>)
      %dma_wait3A_527 = arith.constant 0 : i32
      %dma_wait3A_528 = tpu.memref_slice %arg14[%dma_wait3A_527] : memref<1568xf32, #tpu.memory_space<vmem>> -> memref<1568xf32, #tpu.memory_space<vmem>>
      %dma_wait3A_529 = tpu.memref_slice %arg6[%mul3A_2] : memref<50000xf32, #tpu.memory_space<hbm>> -> memref<1568xf32, #tpu.memory_space<hbm>>
      %dma_wait3A_530 = arith.constant 0 : i32
      %dma_wait3A_531 = tpu.memref_slice %arg14[%dma_wait3A_530] : memref<1568xf32, #tpu.memory_space<vmem>> -> memref<1568xf32, #tpu.memory_space<vmem>>
      %dma_wait3A_532 = tpu.memref_slice %arg6[%mul3A_2] : memref<50000xf32, #tpu.memory_space<hbm>> -> memref<1568xf32, #tpu.memory_space<hbm>>
      tpu.wait_dma2 semaphore(%arg19 : memref<!tpu.dma_semaphore, #tpu.memory_space<semaphore_mem>>) src(%dma_wait3A_532 : memref<1568xf32, #tpu.memory_space<hbm>>) dst(%dma_wait3A_531 : memref<1568xf32, #tpu.memory_space<vmem>>)
      %dma_wait3A_533 = arith.constant 0 : i32
      %dma_wait3A_534 = tpu.memref_slice %arg15[%dma_wait3A_533] : memref<1568xf32, #tpu.memory_space<vmem>> -> memref<1568xf32, #tpu.memory_space<vmem>>
      %dma_wait3A_535 = tpu.memref_slice %arg7[%mul3A_2] : memref<50000xf32, #tpu.memory_space<hbm>> -> memref<1568xf32, #tpu.memory_space<hbm>>
      %dma_wait3A_536 = arith.constant 0 : i32
      %dma_wait3A_537 = tpu.memref_slice %arg15[%dma_wait3A_536] : memref<1568xf32, #tpu.memory_space<vmem>> -> memref<1568xf32, #tpu.memory_space<vmem>>
      %dma_wait3A_538 = tpu.memref_slice %arg7[%mul3A_2] : memref<50000xf32, #tpu.memory_space<hbm>> -> memref<1568xf32, #tpu.memory_space<hbm>>
      tpu.wait_dma2 semaphore(%arg19 : memref<!tpu.dma_semaphore, #tpu.memory_space<semaphore_mem>>) src(%dma_wait3A_538 : memref<1568xf32, #tpu.memory_space<hbm>>) dst(%dma_wait3A_537 : memref<1568xf32, #tpu.memory_space<vmem>>)
      %dma_wait3A_539 = arith.constant 0 : i32
      %dma_wait3A_540 = tpu.memref_slice %arg16[%dma_wait3A_539] : memref<1568xf32, #tpu.memory_space<vmem>> -> memref<1568xf32, #tpu.memory_space<vmem>>
      %dma_wait3A_541 = tpu.memref_slice %arg8[%mul3A_2] : memref<50000xf32, #tpu.memory_space<hbm>> -> memref<1568xf32, #tpu.memory_space<hbm>>
      %dma_wait3A_542 = arith.constant 0 : i32
      %dma_wait3A_543 = tpu.memref_slice %arg16[%dma_wait3A_542] : memref<1568xf32, #tpu.memory_space<vmem>> -> memref<1568xf32, #tpu.memory_space<vmem>>
      %dma_wait3A_544 = tpu.memref_slice %arg8[%mul3A_2] : memref<50000xf32, #tpu.memory_space<hbm>> -> memref<1568xf32, #tpu.memory_space<hbm>>
      tpu.wait_dma2 semaphore(%arg19 : memref<!tpu.dma_semaphore, #tpu.memory_space<semaphore_mem>>) src(%dma_wait3A_544 : memref<1568xf32, #tpu.memory_space<hbm>>) dst(%dma_wait3A_543 : memref<1568xf32, #tpu.memory_space<vmem>>)
    } else {
    }
    %dma_wait3A = arith.constant 0 : i32
    %dma_wait3A_264 = tpu.memref_slice %arg10[%dma_wait3A] : memref<50176xf32, #tpu.memory_space<vmem>> -> memref<1568xf32, #tpu.memory_space<vmem>>
    %dma_wait3A_265 = tpu.memref_slice %arg2[%add3A_5] : memref<1605632xf32, #tpu.memory_space<hbm>> -> memref<1568xf32, #tpu.memory_space<hbm>>
    %dma_wait3A_266 = arith.constant 0 : i32
    %dma_wait3A_267 = tpu.memref_slice %arg10[%dma_wait3A_266] : memref<50176xf32, #tpu.memory_space<vmem>> -> memref<1568xf32, #tpu.memory_space<vmem>>
    %dma_wait3A_268 = tpu.memref_slice %arg2[%add3A_5] : memref<1605632xf32, #tpu.memory_space<hbm>> -> memref<1568xf32, #tpu.memory_space<hbm>>
    tpu.wait_dma2 semaphore(%arg18 : memref<!tpu.dma_semaphore, #tpu.memory_space<semaphore_mem>>) src(%dma_wait3A_268 : memref<1568xf32, #tpu.memory_space<hbm>>) dst(%dma_wait3A_267 : memref<1568xf32, #tpu.memory_space<vmem>>)
    %dma_wait3A_269 = arith.constant 1568 : i32
    %dma_wait3A_270 = tpu.memref_slice %arg10[%dma_wait3A_269] : memref<50176xf32, #tpu.memory_space<vmem>> -> memref<1568xf32, #tpu.memory_space<vmem>>
    %dma_wait3A_271 = tpu.memref_slice %arg2[%add3A_12] : memref<1605632xf32, #tpu.memory_space<hbm>> -> memref<1568xf32, #tpu.memory_space<hbm>>
    %dma_wait3A_272 = arith.constant 1568 : i32
    %dma_wait3A_273 = tpu.memref_slice %arg10[%dma_wait3A_272] : memref<50176xf32, #tpu.memory_space<vmem>> -> memref<1568xf32, #tpu.memory_space<vmem>>
    %dma_wait3A_274 = tpu.memref_slice %arg2[%add3A_12] : memref<1605632xf32, #tpu.memory_space<hbm>> -> memref<1568xf32, #tpu.memory_space<hbm>>
    tpu.wait_dma2 semaphore(%arg18 : memref<!tpu.dma_semaphore, #tpu.memory_space<semaphore_mem>>) src(%dma_wait3A_274 : memref<1568xf32, #tpu.memory_space<hbm>>) dst(%dma_wait3A_273 : memref<1568xf32, #tpu.memory_space<vmem>>)
    %dma_wait3A_275 = arith.constant 3136 : i32
    %dma_wait3A_276 = tpu.memref_slice %arg10[%dma_wait3A_275] : memref<50176xf32, #tpu.memory_space<vmem>> -> memref<1568xf32, #tpu.memory_space<vmem>>
    %dma_wait3A_277 = tpu.memref_slice %arg2[%add3A_20] : memref<1605632xf32, #tpu.memory_space<hbm>> -> memref<1568xf32, #tpu.memory_space<hbm>>
    %dma_wait3A_278 = arith.constant 3136 : i32
    %dma_wait3A_279 = tpu.memref_slice %arg10[%dma_wait3A_278] : memref<50176xf32, #tpu.memory_space<vmem>> -> memref<1568xf32, #tpu.memory_space<vmem>>
    %dma_wait3A_280 = tpu.memref_slice %arg2[%add3A_20] : memref<1605632xf32, #tpu.memory_space<hbm>> -> memref<1568xf32, #tpu.memory_space<hbm>>
    tpu.wait_dma2 semaphore(%arg18 : memref<!tpu.dma_semaphore, #tpu.memory_space<semaphore_mem>>) src(%dma_wait3A_280 : memref<1568xf32, #tpu.memory_space<hbm>>) dst(%dma_wait3A_279 : memref<1568xf32, #tpu.memory_space<vmem>>)
    %dma_wait3A_281 = arith.constant 4704 : i32
    %dma_wait3A_282 = tpu.memref_slice %arg10[%dma_wait3A_281] : memref<50176xf32, #tpu.memory_space<vmem>> -> memref<1568xf32, #tpu.memory_space<vmem>>
    %dma_wait3A_283 = tpu.memref_slice %arg2[%add3A_28] : memref<1605632xf32, #tpu.memory_space<hbm>> -> memref<1568xf32, #tpu.memory_space<hbm>>
    %dma_wait3A_284 = arith.constant 4704 : i32
    %dma_wait3A_285 = tpu.memref_slice %arg10[%dma_wait3A_284] : memref<50176xf32, #tpu.memory_space<vmem>> -> memref<1568xf32, #tpu.memory_space<vmem>>
    %dma_wait3A_286 = tpu.memref_slice %arg2[%add3A_28] : memref<1605632xf32, #tpu.memory_space<hbm>> -> memref<1568xf32, #tpu.memory_space<hbm>>
    tpu.wait_dma2 semaphore(%arg18 : memref<!tpu.dma_semaphore, #tpu.memory_space<semaphore_mem>>) src(%dma_wait3A_286 : memref<1568xf32, #tpu.memory_space<hbm>>) dst(%dma_wait3A_285 : memref<1568xf32, #tpu.memory_space<vmem>>)
    %dma_wait3A_287 = arith.constant 6272 : i32
    %dma_wait3A_288 = tpu.memref_slice %arg10[%dma_wait3A_287] : memref<50176xf32, #tpu.memory_space<vmem>> -> memref<1568xf32, #tpu.memory_space<vmem>>
    %dma_wait3A_289 = tpu.memref_slice %arg2[%add3A_36] : memref<1605632xf32, #tpu.memory_space<hbm>> -> memref<1568xf32, #tpu.memory_space<hbm>>
    %dma_wait3A_290 = arith.constant 6272 : i32
    %dma_wait3A_291 = tpu.memref_slice %arg10[%dma_wait3A_290] : memref<50176xf32, #tpu.memory_space<vmem>> -> memref<1568xf32, #tpu.memory_space<vmem>>
    %dma_wait3A_292 = tpu.memref_slice %arg2[%add3A_36] : memref<1605632xf32, #tpu.memory_space<hbm>> -> memref<1568xf32, #tpu.memory_space<hbm>>
    tpu.wait_dma2 semaphore(%arg18 : memref<!tpu.dma_semaphore, #tpu.memory_space<semaphore_mem>>) src(%dma_wait3A_292 : memref<1568xf32, #tpu.memory_space<hbm>>) dst(%dma_wait3A_291 : memref<1568xf32, #tpu.memory_space<vmem>>)
    %dma_wait3A_293 = arith.constant 7840 : i32
    %dma_wait3A_294 = tpu.memref_slice %arg10[%dma_wait3A_293] : memref<50176xf32, #tpu.memory_space<vmem>> -> memref<1568xf32, #tpu.memory_space<vmem>>
    %dma_wait3A_295 = tpu.memref_slice %arg2[%add3A_44] : memref<1605632xf32, #tpu.memory_space<hbm>> -> memref<1568xf32, #tpu.memory_space<hbm>>
    %dma_wait3A_296 = arith.constant 7840 : i32
    %dma_wait3A_297 = tpu.memref_slice %arg10[%dma_wait3A_296] : memref<50176xf32, #tpu.memory_space<vmem>> -> memref<1568xf32, #tpu.memory_space<vmem>>
    %dma_wait3A_298 = tpu.memref_slice %arg2[%add3A_44] : memref<1605632xf32, #tpu.memory_space<hbm>> -> memref<1568xf32, #tpu.memory_space<hbm>>
    tpu.wait_dma2 semaphore(%arg18 : memref<!tpu.dma_semaphore, #tpu.memory_space<semaphore_mem>>) src(%dma_wait3A_298 : memref<1568xf32, #tpu.memory_space<hbm>>) dst(%dma_wait3A_297 : memref<1568xf32, #tpu.memory_space<vmem>>)
    %dma_wait3A_299 = arith.constant 9408 : i32
    %dma_wait3A_300 = tpu.memref_slice %arg10[%dma_wait3A_299] : memref<50176xf32, #tpu.memory_space<vmem>> -> memref<1568xf32, #tpu.memory_space<vmem>>
    %dma_wait3A_301 = tpu.memref_slice %arg2[%add3A_52] : memref<1605632xf32, #tpu.memory_space<hbm>> -> memref<1568xf32, #tpu.memory_space<hbm>>
    %dma_wait3A_302 = arith.constant 9408 : i32
    %dma_wait3A_303 = tpu.memref_slice %arg10[%dma_wait3A_302] : memref<50176xf32, #tpu.memory_space<vmem>> -> memref<1568xf32, #tpu.memory_space<vmem>>
    %dma_wait3A_304 = tpu.memref_slice %arg2[%add3A_52] : memref<1605632xf32, #tpu.memory_space<hbm>> -> memref<1568xf32, #tpu.memory_space<hbm>>
    tpu.wait_dma2 semaphore(%arg18 : memref<!tpu.dma_semaphore, #tpu.memory_space<semaphore_mem>>) src(%dma_wait3A_304 : memref<1568xf32, #tpu.memory_space<hbm>>) dst(%dma_wait3A_303 : memref<1568xf32, #tpu.memory_space<vmem>>)
    %dma_wait3A_305 = arith.constant 10976 : i32
    %dma_wait3A_306 = tpu.memref_slice %arg10[%dma_wait3A_305] : memref<50176xf32, #tpu.memory_space<vmem>> -> memref<1568xf32, #tpu.memory_space<vmem>>
    %dma_wait3A_307 = tpu.memref_slice %arg2[%add3A_60] : memref<1605632xf32, #tpu.memory_space<hbm>> -> memref<1568xf32, #tpu.memory_space<hbm>>
    %dma_wait3A_308 = arith.constant 10976 : i32
    %dma_wait3A_309 = tpu.memref_slice %arg10[%dma_wait3A_308] : memref<50176xf32, #tpu.memory_space<vmem>> -> memref<1568xf32, #tpu.memory_space<vmem>>
    %dma_wait3A_310 = tpu.memref_slice %arg2[%add3A_60] : memref<1605632xf32, #tpu.memory_space<hbm>> -> memref<1568xf32, #tpu.memory_space<hbm>>
    tpu.wait_dma2 semaphore(%arg18 : memref<!tpu.dma_semaphore, #tpu.memory_space<semaphore_mem>>) src(%dma_wait3A_310 : memref<1568xf32, #tpu.memory_space<hbm>>) dst(%dma_wait3A_309 : memref<1568xf32, #tpu.memory_space<vmem>>)
    %dma_wait3A_311 = arith.constant 12544 : i32
    %dma_wait3A_312 = tpu.memref_slice %arg10[%dma_wait3A_311] : memref<50176xf32, #tpu.memory_space<vmem>> -> memref<1568xf32, #tpu.memory_space<vmem>>
    %dma_wait3A_313 = tpu.memref_slice %arg2[%add3A_68] : memref<1605632xf32, #tpu.memory_space<hbm>> -> memref<1568xf32, #tpu.memory_space<hbm>>
    %dma_wait3A_314 = arith.constant 12544 : i32
    %dma_wait3A_315 = tpu.memref_slice %arg10[%dma_wait3A_314] : memref<50176xf32, #tpu.memory_space<vmem>> -> memref<1568xf32, #tpu.memory_space<vmem>>
    %dma_wait3A_316 = tpu.memref_slice %arg2[%add3A_68] : memref<1605632xf32, #tpu.memory_space<hbm>> -> memref<1568xf32, #tpu.memory_space<hbm>>
    tpu.wait_dma2 semaphore(%arg18 : memref<!tpu.dma_semaphore, #tpu.memory_space<semaphore_mem>>) src(%dma_wait3A_316 : memref<1568xf32, #tpu.memory_space<hbm>>) dst(%dma_wait3A_315 : memref<1568xf32, #tpu.memory_space<vmem>>)
    %dma_wait3A_317 = arith.constant 14112 : i32
    %dma_wait3A_318 = tpu.memref_slice %arg10[%dma_wait3A_317] : memref<50176xf32, #tpu.memory_space<vmem>> -> memref<1568xf32, #tpu.memory_space<vmem>>
    %dma_wait3A_319 = tpu.memref_slice %arg2[%add3A_76] : memref<1605632xf32, #tpu.memory_space<hbm>> -> memref<1568xf32, #tpu.memory_space<hbm>>
    %dma_wait3A_320 = arith.constant 14112 : i32
    %dma_wait3A_321 = tpu.memref_slice %arg10[%dma_wait3A_320] : memref<50176xf32, #tpu.memory_space<vmem>> -> memref<1568xf32, #tpu.memory_space<vmem>>
    %dma_wait3A_322 = tpu.memref_slice %arg2[%add3A_76] : memref<1605632xf32, #tpu.memory_space<hbm>> -> memref<1568xf32, #tpu.memory_space<hbm>>
    tpu.wait_dma2 semaphore(%arg18 : memref<!tpu.dma_semaphore, #tpu.memory_space<semaphore_mem>>) src(%dma_wait3A_322 : memref<1568xf32, #tpu.memory_space<hbm>>) dst(%dma_wait3A_321 : memref<1568xf32, #tpu.memory_space<vmem>>)
    %dma_wait3A_323 = arith.constant 15680 : i32
    %dma_wait3A_324 = tpu.memref_slice %arg10[%dma_wait3A_323] : memref<50176xf32, #tpu.memory_space<vmem>> -> memref<1568xf32, #tpu.memory_space<vmem>>
    %dma_wait3A_325 = tpu.memref_slice %arg2[%add3A_84] : memref<1605632xf32, #tpu.memory_space<hbm>> -> memref<1568xf32, #tpu.memory_space<hbm>>
    %dma_wait3A_326 = arith.constant 15680 : i32
    %dma_wait3A_327 = tpu.memref_slice %arg10[%dma_wait3A_326] : memref<50176xf32, #tpu.memory_space<vmem>> -> memref<1568xf32, #tpu.memory_space<vmem>>
    %dma_wait3A_328 = tpu.memref_slice %arg2[%add3A_84] : memref<1605632xf32, #tpu.memory_space<hbm>> -> memref<1568xf32, #tpu.memory_space<hbm>>
    tpu.wait_dma2 semaphore(%arg18 : memref<!tpu.dma_semaphore, #tpu.memory_space<semaphore_mem>>) src(%dma_wait3A_328 : memref<1568xf32, #tpu.memory_space<hbm>>) dst(%dma_wait3A_327 : memref<1568xf32, #tpu.memory_space<vmem>>)
    %dma_wait3A_329 = arith.constant 17248 : i32
    %dma_wait3A_330 = tpu.memref_slice %arg10[%dma_wait3A_329] : memref<50176xf32, #tpu.memory_space<vmem>> -> memref<1568xf32, #tpu.memory_space<vmem>>
    %dma_wait3A_331 = tpu.memref_slice %arg2[%add3A_92] : memref<1605632xf32, #tpu.memory_space<hbm>> -> memref<1568xf32, #tpu.memory_space<hbm>>
    %dma_wait3A_332 = arith.constant 17248 : i32
    %dma_wait3A_333 = tpu.memref_slice %arg10[%dma_wait3A_332] : memref<50176xf32, #tpu.memory_space<vmem>> -> memref<1568xf32, #tpu.memory_space<vmem>>
    %dma_wait3A_334 = tpu.memref_slice %arg2[%add3A_92] : memref<1605632xf32, #tpu.memory_space<hbm>> -> memref<1568xf32, #tpu.memory_space<hbm>>
    tpu.wait_dma2 semaphore(%arg18 : memref<!tpu.dma_semaphore, #tpu.memory_space<semaphore_mem>>) src(%dma_wait3A_334 : memref<1568xf32, #tpu.memory_space<hbm>>) dst(%dma_wait3A_333 : memref<1568xf32, #tpu.memory_space<vmem>>)
    %dma_wait3A_335 = arith.constant 18816 : i32
    %dma_wait3A_336 = tpu.memref_slice %arg10[%dma_wait3A_335] : memref<50176xf32, #tpu.memory_space<vmem>> -> memref<1568xf32, #tpu.memory_space<vmem>>
    %dma_wait3A_337 = tpu.memref_slice %arg2[%add3A_100] : memref<1605632xf32, #tpu.memory_space<hbm>> -> memref<1568xf32, #tpu.memory_space<hbm>>
    %dma_wait3A_338 = arith.constant 18816 : i32
    %dma_wait3A_339 = tpu.memref_slice %arg10[%dma_wait3A_338] : memref<50176xf32, #tpu.memory_space<vmem>> -> memref<1568xf32, #tpu.memory_space<vmem>>
    %dma_wait3A_340 = tpu.memref_slice %arg2[%add3A_100] : memref<1605632xf32, #tpu.memory_space<hbm>> -> memref<1568xf32, #tpu.memory_space<hbm>>
    tpu.wait_dma2 semaphore(%arg18 : memref<!tpu.dma_semaphore, #tpu.memory_space<semaphore_mem>>) src(%dma_wait3A_340 : memref<1568xf32, #tpu.memory_space<hbm>>) dst(%dma_wait3A_339 : memref<1568xf32, #tpu.memory_space<vmem>>)
    %dma_wait3A_341 = arith.constant 20384 : i32
    %dma_wait3A_342 = tpu.memref_slice %arg10[%dma_wait3A_341] : memref<50176xf32, #tpu.memory_space<vmem>> -> memref<1568xf32, #tpu.memory_space<vmem>>
    %dma_wait3A_343 = tpu.memref_slice %arg2[%add3A_108] : memref<1605632xf32, #tpu.memory_space<hbm>> -> memref<1568xf32, #tpu.memory_space<hbm>>
    %dma_wait3A_344 = arith.constant 20384 : i32
    %dma_wait3A_345 = tpu.memref_slice %arg10[%dma_wait3A_344] : memref<50176xf32, #tpu.memory_space<vmem>> -> memref<1568xf32, #tpu.memory_space<vmem>>
    %dma_wait3A_346 = tpu.memref_slice %arg2[%add3A_108] : memref<1605632xf32, #tpu.memory_space<hbm>> -> memref<1568xf32, #tpu.memory_space<hbm>>
    tpu.wait_dma2 semaphore(%arg18 : memref<!tpu.dma_semaphore, #tpu.memory_space<semaphore_mem>>) src(%dma_wait3A_346 : memref<1568xf32, #tpu.memory_space<hbm>>) dst(%dma_wait3A_345 : memref<1568xf32, #tpu.memory_space<vmem>>)
    %dma_wait3A_347 = arith.constant 21952 : i32
    %dma_wait3A_348 = tpu.memref_slice %arg10[%dma_wait3A_347] : memref<50176xf32, #tpu.memory_space<vmem>> -> memref<1568xf32, #tpu.memory_space<vmem>>
    %dma_wait3A_349 = tpu.memref_slice %arg2[%add3A_116] : memref<1605632xf32, #tpu.memory_space<hbm>> -> memref<1568xf32, #tpu.memory_space<hbm>>
    %dma_wait3A_350 = arith.constant 21952 : i32
    %dma_wait3A_351 = tpu.memref_slice %arg10[%dma_wait3A_350] : memref<50176xf32, #tpu.memory_space<vmem>> -> memref<1568xf32, #tpu.memory_space<vmem>>
    %dma_wait3A_352 = tpu.memref_slice %arg2[%add3A_116] : memref<1605632xf32, #tpu.memory_space<hbm>> -> memref<1568xf32, #tpu.memory_space<hbm>>
    tpu.wait_dma2 semaphore(%arg18 : memref<!tpu.dma_semaphore, #tpu.memory_space<semaphore_mem>>) src(%dma_wait3A_352 : memref<1568xf32, #tpu.memory_space<hbm>>) dst(%dma_wait3A_351 : memref<1568xf32, #tpu.memory_space<vmem>>)
    %dma_wait3A_353 = arith.constant 23520 : i32
    %dma_wait3A_354 = tpu.memref_slice %arg10[%dma_wait3A_353] : memref<50176xf32, #tpu.memory_space<vmem>> -> memref<1568xf32, #tpu.memory_space<vmem>>
    %dma_wait3A_355 = tpu.memref_slice %arg2[%add3A_124] : memref<1605632xf32, #tpu.memory_space<hbm>> -> memref<1568xf32, #tpu.memory_space<hbm>>
    %dma_wait3A_356 = arith.constant 23520 : i32
    %dma_wait3A_357 = tpu.memref_slice %arg10[%dma_wait3A_356] : memref<50176xf32, #tpu.memory_space<vmem>> -> memref<1568xf32, #tpu.memory_space<vmem>>
    %dma_wait3A_358 = tpu.memref_slice %arg2[%add3A_124] : memref<1605632xf32, #tpu.memory_space<hbm>> -> memref<1568xf32, #tpu.memory_space<hbm>>
    tpu.wait_dma2 semaphore(%arg18 : memref<!tpu.dma_semaphore, #tpu.memory_space<semaphore_mem>>) src(%dma_wait3A_358 : memref<1568xf32, #tpu.memory_space<hbm>>) dst(%dma_wait3A_357 : memref<1568xf32, #tpu.memory_space<vmem>>)
    %dma_wait3A_359 = arith.constant 25088 : i32
    %dma_wait3A_360 = tpu.memref_slice %arg10[%dma_wait3A_359] : memref<50176xf32, #tpu.memory_space<vmem>> -> memref<1568xf32, #tpu.memory_space<vmem>>
    %dma_wait3A_361 = tpu.memref_slice %arg2[%add3A_132] : memref<1605632xf32, #tpu.memory_space<hbm>> -> memref<1568xf32, #tpu.memory_space<hbm>>
    %dma_wait3A_362 = arith.constant 25088 : i32
    %dma_wait3A_363 = tpu.memref_slice %arg10[%dma_wait3A_362] : memref<50176xf32, #tpu.memory_space<vmem>> -> memref<1568xf32, #tpu.memory_space<vmem>>
    %dma_wait3A_364 = tpu.memref_slice %arg2[%add3A_132] : memref<1605632xf32, #tpu.memory_space<hbm>> -> memref<1568xf32, #tpu.memory_space<hbm>>
    tpu.wait_dma2 semaphore(%arg18 : memref<!tpu.dma_semaphore, #tpu.memory_space<semaphore_mem>>) src(%dma_wait3A_364 : memref<1568xf32, #tpu.memory_space<hbm>>) dst(%dma_wait3A_363 : memref<1568xf32, #tpu.memory_space<vmem>>)
    %dma_wait3A_365 = arith.constant 26656 : i32
    %dma_wait3A_366 = tpu.memref_slice %arg10[%dma_wait3A_365] : memref<50176xf32, #tpu.memory_space<vmem>> -> memref<1568xf32, #tpu.memory_space<vmem>>
    %dma_wait3A_367 = tpu.memref_slice %arg2[%add3A_140] : memref<1605632xf32, #tpu.memory_space<hbm>> -> memref<1568xf32, #tpu.memory_space<hbm>>
    %dma_wait3A_368 = arith.constant 26656 : i32
    %dma_wait3A_369 = tpu.memref_slice %arg10[%dma_wait3A_368] : memref<50176xf32, #tpu.memory_space<vmem>> -> memref<1568xf32, #tpu.memory_space<vmem>>
    %dma_wait3A_370 = tpu.memref_slice %arg2[%add3A_140] : memref<1605632xf32, #tpu.memory_space<hbm>> -> memref<1568xf32, #tpu.memory_space<hbm>>
    tpu.wait_dma2 semaphore(%arg18 : memref<!tpu.dma_semaphore, #tpu.memory_space<semaphore_mem>>) src(%dma_wait3A_370 : memref<1568xf32, #tpu.memory_space<hbm>>) dst(%dma_wait3A_369 : memref<1568xf32, #tpu.memory_space<vmem>>)
    %dma_wait3A_371 = arith.constant 28224 : i32
    %dma_wait3A_372 = tpu.memref_slice %arg10[%dma_wait3A_371] : memref<50176xf32, #tpu.memory_space<vmem>> -> memref<1568xf32, #tpu.memory_space<vmem>>
    %dma_wait3A_373 = tpu.memref_slice %arg2[%add3A_148] : memref<1605632xf32, #tpu.memory_space<hbm>> -> memref<1568xf32, #tpu.memory_space<hbm>>
    %dma_wait3A_374 = arith.constant 28224 : i32
    %dma_wait3A_375 = tpu.memref_slice %arg10[%dma_wait3A_374] : memref<50176xf32, #tpu.memory_space<vmem>> -> memref<1568xf32, #tpu.memory_space<vmem>>
    %dma_wait3A_376 = tpu.memref_slice %arg2[%add3A_148] : memref<1605632xf32, #tpu.memory_space<hbm>> -> memref<1568xf32, #tpu.memory_space<hbm>>
    tpu.wait_dma2 semaphore(%arg18 : memref<!tpu.dma_semaphore, #tpu.memory_space<semaphore_mem>>) src(%dma_wait3A_376 : memref<1568xf32, #tpu.memory_space<hbm>>) dst(%dma_wait3A_375 : memref<1568xf32, #tpu.memory_space<vmem>>)
    %dma_wait3A_377 = arith.constant 29792 : i32
    %dma_wait3A_378 = tpu.memref_slice %arg10[%dma_wait3A_377] : memref<50176xf32, #tpu.memory_space<vmem>> -> memref<1568xf32, #tpu.memory_space<vmem>>
    %dma_wait3A_379 = tpu.memref_slice %arg2[%add3A_156] : memref<1605632xf32, #tpu.memory_space<hbm>> -> memref<1568xf32, #tpu.memory_space<hbm>>
    %dma_wait3A_380 = arith.constant 29792 : i32
    %dma_wait3A_381 = tpu.memref_slice %arg10[%dma_wait3A_380] : memref<50176xf32, #tpu.memory_space<vmem>> -> memref<1568xf32, #tpu.memory_space<vmem>>
    %dma_wait3A_382 = tpu.memref_slice %arg2[%add3A_156] : memref<1605632xf32, #tpu.memory_space<hbm>> -> memref<1568xf32, #tpu.memory_space<hbm>>
    tpu.wait_dma2 semaphore(%arg18 : memref<!tpu.dma_semaphore, #tpu.memory_space<semaphore_mem>>) src(%dma_wait3A_382 : memref<1568xf32, #tpu.memory_space<hbm>>) dst(%dma_wait3A_381 : memref<1568xf32, #tpu.memory_space<vmem>>)
    %dma_wait3A_383 = arith.constant 31360 : i32
    %dma_wait3A_384 = tpu.memref_slice %arg10[%dma_wait3A_383] : memref<50176xf32, #tpu.memory_space<vmem>> -> memref<1568xf32, #tpu.memory_space<vmem>>
    %dma_wait3A_385 = tpu.memref_slice %arg2[%add3A_164] : memref<1605632xf32, #tpu.memory_space<hbm>> -> memref<1568xf32, #tpu.memory_space<hbm>>
    %dma_wait3A_386 = arith.constant 31360 : i32
    %dma_wait3A_387 = tpu.memref_slice %arg10[%dma_wait3A_386] : memref<50176xf32, #tpu.memory_space<vmem>> -> memref<1568xf32, #tpu.memory_space<vmem>>
    %dma_wait3A_388 = tpu.memref_slice %arg2[%add3A_164] : memref<1605632xf32, #tpu.memory_space<hbm>> -> memref<1568xf32, #tpu.memory_space<hbm>>
    tpu.wait_dma2 semaphore(%arg18 : memref<!tpu.dma_semaphore, #tpu.memory_space<semaphore_mem>>) src(%dma_wait3A_388 : memref<1568xf32, #tpu.memory_space<hbm>>) dst(%dma_wait3A_387 : memref<1568xf32, #tpu.memory_space<vmem>>)
    %dma_wait3A_389 = arith.constant 32928 : i32
    %dma_wait3A_390 = tpu.memref_slice %arg10[%dma_wait3A_389] : memref<50176xf32, #tpu.memory_space<vmem>> -> memref<1568xf32, #tpu.memory_space<vmem>>
    %dma_wait3A_391 = tpu.memref_slice %arg2[%add3A_172] : memref<1605632xf32, #tpu.memory_space<hbm>> -> memref<1568xf32, #tpu.memory_space<hbm>>
    %dma_wait3A_392 = arith.constant 32928 : i32
    %dma_wait3A_393 = tpu.memref_slice %arg10[%dma_wait3A_392] : memref<50176xf32, #tpu.memory_space<vmem>> -> memref<1568xf32, #tpu.memory_space<vmem>>
    %dma_wait3A_394 = tpu.memref_slice %arg2[%add3A_172] : memref<1605632xf32, #tpu.memory_space<hbm>> -> memref<1568xf32, #tpu.memory_space<hbm>>
    tpu.wait_dma2 semaphore(%arg18 : memref<!tpu.dma_semaphore, #tpu.memory_space<semaphore_mem>>) src(%dma_wait3A_394 : memref<1568xf32, #tpu.memory_space<hbm>>) dst(%dma_wait3A_393 : memref<1568xf32, #tpu.memory_space<vmem>>)
    %dma_wait3A_395 = arith.constant 34496 : i32
    %dma_wait3A_396 = tpu.memref_slice %arg10[%dma_wait3A_395] : memref<50176xf32, #tpu.memory_space<vmem>> -> memref<1568xf32, #tpu.memory_space<vmem>>
    %dma_wait3A_397 = tpu.memref_slice %arg2[%add3A_180] : memref<1605632xf32, #tpu.memory_space<hbm>> -> memref<1568xf32, #tpu.memory_space<hbm>>
    %dma_wait3A_398 = arith.constant 34496 : i32
    %dma_wait3A_399 = tpu.memref_slice %arg10[%dma_wait3A_398] : memref<50176xf32, #tpu.memory_space<vmem>> -> memref<1568xf32, #tpu.memory_space<vmem>>
    %dma_wait3A_400 = tpu.memref_slice %arg2[%add3A_180] : memref<1605632xf32, #tpu.memory_space<hbm>> -> memref<1568xf32, #tpu.memory_space<hbm>>
    tpu.wait_dma2 semaphore(%arg18 : memref<!tpu.dma_semaphore, #tpu.memory_space<semaphore_mem>>) src(%dma_wait3A_400 : memref<1568xf32, #tpu.memory_space<hbm>>) dst(%dma_wait3A_399 : memref<1568xf32, #tpu.memory_space<vmem>>)
    %dma_wait3A_401 = arith.constant 36064 : i32
    %dma_wait3A_402 = tpu.memref_slice %arg10[%dma_wait3A_401] : memref<50176xf32, #tpu.memory_space<vmem>> -> memref<1568xf32, #tpu.memory_space<vmem>>
    %dma_wait3A_403 = tpu.memref_slice %arg2[%add3A_188] : memref<1605632xf32, #tpu.memory_space<hbm>> -> memref<1568xf32, #tpu.memory_space<hbm>>
    %dma_wait3A_404 = arith.constant 36064 : i32
    %dma_wait3A_405 = tpu.memref_slice %arg10[%dma_wait3A_404] : memref<50176xf32, #tpu.memory_space<vmem>> -> memref<1568xf32, #tpu.memory_space<vmem>>
    %dma_wait3A_406 = tpu.memref_slice %arg2[%add3A_188] : memref<1605632xf32, #tpu.memory_space<hbm>> -> memref<1568xf32, #tpu.memory_space<hbm>>
    tpu.wait_dma2 semaphore(%arg18 : memref<!tpu.dma_semaphore, #tpu.memory_space<semaphore_mem>>) src(%dma_wait3A_406 : memref<1568xf32, #tpu.memory_space<hbm>>) dst(%dma_wait3A_405 : memref<1568xf32, #tpu.memory_space<vmem>>)
    %dma_wait3A_407 = arith.constant 37632 : i32
    %dma_wait3A_408 = tpu.memref_slice %arg10[%dma_wait3A_407] : memref<50176xf32, #tpu.memory_space<vmem>> -> memref<1568xf32, #tpu.memory_space<vmem>>
    %dma_wait3A_409 = tpu.memref_slice %arg2[%add3A_196] : memref<1605632xf32, #tpu.memory_space<hbm>> -> memref<1568xf32, #tpu.memory_space<hbm>>
    %dma_wait3A_410 = arith.constant 37632 : i32
    %dma_wait3A_411 = tpu.memref_slice %arg10[%dma_wait3A_410] : memref<50176xf32, #tpu.memory_space<vmem>> -> memref<1568xf32, #tpu.memory_space<vmem>>
    %dma_wait3A_412 = tpu.memref_slice %arg2[%add3A_196] : memref<1605632xf32, #tpu.memory_space<hbm>> -> memref<1568xf32, #tpu.memory_space<hbm>>
    tpu.wait_dma2 semaphore(%arg18 : memref<!tpu.dma_semaphore, #tpu.memory_space<semaphore_mem>>) src(%dma_wait3A_412 : memref<1568xf32, #tpu.memory_space<hbm>>) dst(%dma_wait3A_411 : memref<1568xf32, #tpu.memory_space<vmem>>)
    %dma_wait3A_413 = arith.constant 39200 : i32
    %dma_wait3A_414 = tpu.memref_slice %arg10[%dma_wait3A_413] : memref<50176xf32, #tpu.memory_space<vmem>> -> memref<1568xf32, #tpu.memory_space<vmem>>
    %dma_wait3A_415 = tpu.memref_slice %arg2[%add3A_204] : memref<1605632xf32, #tpu.memory_space<hbm>> -> memref<1568xf32, #tpu.memory_space<hbm>>
    %dma_wait3A_416 = arith.constant 39200 : i32
    %dma_wait3A_417 = tpu.memref_slice %arg10[%dma_wait3A_416] : memref<50176xf32, #tpu.memory_space<vmem>> -> memref<1568xf32, #tpu.memory_space<vmem>>
    %dma_wait3A_418 = tpu.memref_slice %arg2[%add3A_204] : memref<1605632xf32, #tpu.memory_space<hbm>> -> memref<1568xf32, #tpu.memory_space<hbm>>
    tpu.wait_dma2 semaphore(%arg18 : memref<!tpu.dma_semaphore, #tpu.memory_space<semaphore_mem>>) src(%dma_wait3A_418 : memref<1568xf32, #tpu.memory_space<hbm>>) dst(%dma_wait3A_417 : memref<1568xf32, #tpu.memory_space<vmem>>)
    %dma_wait3A_419 = arith.constant 40768 : i32
    %dma_wait3A_420 = tpu.memref_slice %arg10[%dma_wait3A_419] : memref<50176xf32, #tpu.memory_space<vmem>> -> memref<1568xf32, #tpu.memory_space<vmem>>
    %dma_wait3A_421 = tpu.memref_slice %arg2[%add3A_212] : memref<1605632xf32, #tpu.memory_space<hbm>> -> memref<1568xf32, #tpu.memory_space<hbm>>
    %dma_wait3A_422 = arith.constant 40768 : i32
    %dma_wait3A_423 = tpu.memref_slice %arg10[%dma_wait3A_422] : memref<50176xf32, #tpu.memory_space<vmem>> -> memref<1568xf32, #tpu.memory_space<vmem>>
    %dma_wait3A_424 = tpu.memref_slice %arg2[%add3A_212] : memref<1605632xf32, #tpu.memory_space<hbm>> -> memref<1568xf32, #tpu.memory_space<hbm>>
    tpu.wait_dma2 semaphore(%arg18 : memref<!tpu.dma_semaphore, #tpu.memory_space<semaphore_mem>>) src(%dma_wait3A_424 : memref<1568xf32, #tpu.memory_space<hbm>>) dst(%dma_wait3A_423 : memref<1568xf32, #tpu.memory_space<vmem>>)
    %dma_wait3A_425 = arith.constant 42336 : i32
    %dma_wait3A_426 = tpu.memref_slice %arg10[%dma_wait3A_425] : memref<50176xf32, #tpu.memory_space<vmem>> -> memref<1568xf32, #tpu.memory_space<vmem>>
    %dma_wait3A_427 = tpu.memref_slice %arg2[%add3A_220] : memref<1605632xf32, #tpu.memory_space<hbm>> -> memref<1568xf32, #tpu.memory_space<hbm>>
    %dma_wait3A_428 = arith.constant 42336 : i32
    %dma_wait3A_429 = tpu.memref_slice %arg10[%dma_wait3A_428] : memref<50176xf32, #tpu.memory_space<vmem>> -> memref<1568xf32, #tpu.memory_space<vmem>>
    %dma_wait3A_430 = tpu.memref_slice %arg2[%add3A_220] : memref<1605632xf32, #tpu.memory_space<hbm>> -> memref<1568xf32, #tpu.memory_space<hbm>>
    tpu.wait_dma2 semaphore(%arg18 : memref<!tpu.dma_semaphore, #tpu.memory_space<semaphore_mem>>) src(%dma_wait3A_430 : memref<1568xf32, #tpu.memory_space<hbm>>) dst(%dma_wait3A_429 : memref<1568xf32, #tpu.memory_space<vmem>>)
    %dma_wait3A_431 = arith.constant 43904 : i32
    %dma_wait3A_432 = tpu.memref_slice %arg10[%dma_wait3A_431] : memref<50176xf32, #tpu.memory_space<vmem>> -> memref<1568xf32, #tpu.memory_space<vmem>>
    %dma_wait3A_433 = tpu.memref_slice %arg2[%add3A_228] : memref<1605632xf32, #tpu.memory_space<hbm>> -> memref<1568xf32, #tpu.memory_space<hbm>>
    %dma_wait3A_434 = arith.constant 43904 : i32
    %dma_wait3A_435 = tpu.memref_slice %arg10[%dma_wait3A_434] : memref<50176xf32, #tpu.memory_space<vmem>> -> memref<1568xf32, #tpu.memory_space<vmem>>
    %dma_wait3A_436 = tpu.memref_slice %arg2[%add3A_228] : memref<1605632xf32, #tpu.memory_space<hbm>> -> memref<1568xf32, #tpu.memory_space<hbm>>
    tpu.wait_dma2 semaphore(%arg18 : memref<!tpu.dma_semaphore, #tpu.memory_space<semaphore_mem>>) src(%dma_wait3A_436 : memref<1568xf32, #tpu.memory_space<hbm>>) dst(%dma_wait3A_435 : memref<1568xf32, #tpu.memory_space<vmem>>)
    %dma_wait3A_437 = arith.constant 45472 : i32
    %dma_wait3A_438 = tpu.memref_slice %arg10[%dma_wait3A_437] : memref<50176xf32, #tpu.memory_space<vmem>> -> memref<1568xf32, #tpu.memory_space<vmem>>
    %dma_wait3A_439 = tpu.memref_slice %arg2[%add3A_236] : memref<1605632xf32, #tpu.memory_space<hbm>> -> memref<1568xf32, #tpu.memory_space<hbm>>
    %dma_wait3A_440 = arith.constant 45472 : i32
    %dma_wait3A_441 = tpu.memref_slice %arg10[%dma_wait3A_440] : memref<50176xf32, #tpu.memory_space<vmem>> -> memref<1568xf32, #tpu.memory_space<vmem>>
    %dma_wait3A_442 = tpu.memref_slice %arg2[%add3A_236] : memref<1605632xf32, #tpu.memory_space<hbm>> -> memref<1568xf32, #tpu.memory_space<hbm>>
    tpu.wait_dma2 semaphore(%arg18 : memref<!tpu.dma_semaphore, #tpu.memory_space<semaphore_mem>>) src(%dma_wait3A_442 : memref<1568xf32, #tpu.memory_space<hbm>>) dst(%dma_wait3A_441 : memref<1568xf32, #tpu.memory_space<vmem>>)
    %dma_wait3A_443 = arith.constant 47040 : i32
    %dma_wait3A_444 = tpu.memref_slice %arg10[%dma_wait3A_443] : memref<50176xf32, #tpu.memory_space<vmem>> -> memref<1568xf32, #tpu.memory_space<vmem>>
    %dma_wait3A_445 = tpu.memref_slice %arg2[%add3A_244] : memref<1605632xf32, #tpu.memory_space<hbm>> -> memref<1568xf32, #tpu.memory_space<hbm>>
    %dma_wait3A_446 = arith.constant 47040 : i32
    %dma_wait3A_447 = tpu.memref_slice %arg10[%dma_wait3A_446] : memref<50176xf32, #tpu.memory_space<vmem>> -> memref<1568xf32, #tpu.memory_space<vmem>>
    %dma_wait3A_448 = tpu.memref_slice %arg2[%add3A_244] : memref<1605632xf32, #tpu.memory_space<hbm>> -> memref<1568xf32, #tpu.memory_space<hbm>>
    tpu.wait_dma2 semaphore(%arg18 : memref<!tpu.dma_semaphore, #tpu.memory_space<semaphore_mem>>) src(%dma_wait3A_448 : memref<1568xf32, #tpu.memory_space<hbm>>) dst(%dma_wait3A_447 : memref<1568xf32, #tpu.memory_space<vmem>>)
    %dma_wait3A_449 = arith.constant 48608 : i32
    %dma_wait3A_450 = tpu.memref_slice %arg10[%dma_wait3A_449] : memref<50176xf32, #tpu.memory_space<vmem>> -> memref<1568xf32, #tpu.memory_space<vmem>>
    %dma_wait3A_451 = tpu.memref_slice %arg2[%add3A_252] : memref<1605632xf32, #tpu.memory_space<hbm>> -> memref<1568xf32, #tpu.memory_space<hbm>>
    %dma_wait3A_452 = arith.constant 48608 : i32
    %dma_wait3A_453 = tpu.memref_slice %arg10[%dma_wait3A_452] : memref<50176xf32, #tpu.memory_space<vmem>> -> memref<1568xf32, #tpu.memory_space<vmem>>
    %dma_wait3A_454 = tpu.memref_slice %arg2[%add3A_252] : memref<1605632xf32, #tpu.memory_space<hbm>> -> memref<1568xf32, #tpu.memory_space<hbm>>
    tpu.wait_dma2 semaphore(%arg18 : memref<!tpu.dma_semaphore, #tpu.memory_space<semaphore_mem>>) src(%dma_wait3A_454 : memref<1568xf32, #tpu.memory_space<hbm>>) dst(%dma_wait3A_453 : memref<1568xf32, #tpu.memory_space<vmem>>)
    %jit3A = arith.constant 87 : i32
    %jit3A_455 = arith.constant 98 : i32
    %select_n3A = arith.select %eq3A_3, %jit3A, %jit3A_455 : i32
    %while3A = arith.constant 0 : i32
    %while3A_456 = arith.constant 0 : i32
    %while3A_457 = arith.subi %select_n3A, %while3A_456 : i32
    %while3A_458 = arith.addi %while3A_456, %while3A_457 : i32
    %while3A_459 = arith.constant 1 : i32
    %while3A_460 = arith.divsi %while3A_457, %while3A_459 : i32
    %while3A_461 = arith.muli %while3A_460, %while3A_459 : i32
    %while3A_462 = arith.addi %while3A_456, %while3A_461 : i32
    %while3A_463 = arith.constant 1 : i32
    scf.for %while3A_473 = %while3A_456 to %while3A_462 step %while3A_463  : i32 {
      %mul3A_474 = arith.constant 16 : i32
      %mul3A_475 = arith.muli %while3A_473, %mul3A_474 : i32
      %mul3A_476 = arith.constant 16 : i32
      %mul3A_477 = arith.muli %while3A_473, %mul3A_476 : i32
      %get3A = arith.index_cast %mul3A_477 : i32 to index
      %get3A_478 = tpu.vector_load %arg10[%get3A] {strides = array<i32>} : memref<50176xf32, #tpu.memory_space<vmem>>, vector<16xf32>,
      %mul3A_479 = arith.constant 16 : i32
      %mul3A_480 = arith.muli %while3A_473, %mul3A_479 : i32
      %add3A_481 = arith.constant 1568 : i32
      %add3A_482 = arith.addi %add3A_481, %mul3A_480 : i32
      %get3A_483 = arith.index_cast %add3A_482 : i32 to index
      %get3A_484 = tpu.vector_load %arg10[%get3A_483] {strides = array<i32>} : memref<50176xf32, #tpu.memory_space<vmem>>, vector<16xf32>,
      %add3A_485 = arith.addf %get3A_478, %get3A_484 : vector<16xf32>
      %mul3A_486 = arith.constant 16 : i32
      %mul3A_487 = arith.muli %while3A_473, %mul3A_486 : i32
      %add3A_488 = arith.constant 3136 : i32
      %add3A_489 = arith.addi %add3A_488, %mul3A_487 : i32
      %get3A_490 = arith.index_cast %add3A_489 : i32 to index
      %get3A_491 = tpu.vector_load %arg10[%get3A_490] {strides = array<i32>} : memref<50176xf32, #tpu.memory_space<vmem>>, vector<16xf32>,
      %add3A_492 = arith.addf %add3A_485, %get3A_491 : vector<16xf32>
      %mul3A_493 = arith.constant 16 : i32
      %mul3A_494 = arith.muli %while3A_473, %mul3A_493 : i32
      %add3A_495 = arith.constant 4704 : i32
      %add3A_496 = arith.addi %add3A_495, %mul3A_494 : i32
      %get3A_497 = arith.index_cast %add3A_496 : i32 to index
      %get3A_498 = tpu.vector_load %arg10[%get3A_497] {strides = array<i32>} : memref<50176xf32, #tpu.memory_space<vmem>>, vector<16xf32>,
      %add3A_499 = arith.addf %add3A_492, %get3A_498 : vector<16xf32>
      %mul3A_500 = arith.constant 16 : i32
      %mul3A_501 = arith.muli %while3A_473, %mul3A_500 : i32
      %add3A_502 = arith.constant 6272 : i32
      %add3A_503 = arith.addi %add3A_502, %mul3A_501 : i32
      %get3A_504 = arith.index_cast %add3A_503 : i32 to index
      %get3A_505 = tpu.vector_load %arg10[%get3A_504] {strides = array<i32>} : memref<50176xf32, #tpu.memory_space<vmem>>, vector<16xf32>,
      %add3A_506 = arith.addf %add3A_499, %get3A_505 : vector<16xf32>
      %mul3A_507 = arith.constant 16 : i32
      %mul3A_508 = arith.muli %while3A_473, %mul3A_507 : i32
      %add3A_509 = arith.constant 7840 : i32
      %add3A_510 = arith.addi %add3A_509, %mul3A_508 : i32
      %get3A_511 = arith.index_cast %add3A_510 : i32 to index
      %get3A_512 = tpu.vector_load %arg10[%get3A_511] {strides = array<i32>} : memref<50176xf32, #tpu.memory_space<vmem>>, vector<16xf32>,
      %add3A_513 = arith.addf %add3A_506, %get3A_512 : vector<16xf32>
      %mul3A_514 = arith.constant 16 : i32
      %mul3A_515 = arith.muli %while3A_473, %mul3A_514 : i32
      %add3A_516 = arith.constant 9408 : i32
      %add3A_517 = arith.addi %add3A_516, %mul3A_515 : i32
      %get3A_518 = arith.index_cast %add3A_517 : i32 to index
      %get3A_519 = tpu.vector_load %arg10[%get3A_518] {strides = array<i32>} : memref<50176xf32, #tpu.memory_space<vmem>>, vector<16xf32>,
      %add3A_520 = arith.addf %add3A_513, %get3A_519 : vector<16xf32>
      %mul3A_521 = arith.constant 16 : i32
      %mul3A_522 = arith.muli %while3A_473, %mul3A_521 : i32
      %add3A_523 = arith.constant 10976 : i32
      %add3A_524 = arith.addi %add3A_523, %mul3A_522 : i32
      %get3A_525 = arith.index_cast %add3A_524 : i32 to index
      %get3A_526 = tpu.vector_load %arg10[%get3A_525] {strides = array<i32>} : memref<50176xf32, #tpu.memory_space<vmem>>, vector<16xf32>,
      %add3A_527 = arith.addf %add3A_520, %get3A_526 : vector<16xf32>
      %mul3A_528 = arith.constant 16 : i32
      %mul3A_529 = arith.muli %while3A_473, %mul3A_528 : i32
      %add3A_530 = arith.constant 12544 : i32
      %add3A_531 = arith.addi %add3A_530, %mul3A_529 : i32
      %get3A_532 = arith.index_cast %add3A_531 : i32 to index
      %get3A_533 = tpu.vector_load %arg10[%get3A_532] {strides = array<i32>} : memref<50176xf32, #tpu.memory_space<vmem>>, vector<16xf32>,
      %add3A_534 = arith.addf %add3A_527, %get3A_533 : vector<16xf32>
      %mul3A_535 = arith.constant 16 : i32
      %mul3A_536 = arith.muli %while3A_473, %mul3A_535 : i32
      %add3A_537 = arith.constant 14112 : i32
      %add3A_538 = arith.addi %add3A_537, %mul3A_536 : i32
      %get3A_539 = arith.index_cast %add3A_538 : i32 to index
      %get3A_540 = tpu.vector_load %arg10[%get3A_539] {strides = array<i32>} : memref<50176xf32, #tpu.memory_space<vmem>>, vector<16xf32>,
      %add3A_541 = arith.addf %add3A_534, %get3A_540 : vector<16xf32>
      %mul3A_542 = arith.constant 16 : i32
      %mul3A_543 = arith.muli %while3A_473, %mul3A_542 : i32
      %add3A_544 = arith.constant 15680 : i32
      %add3A_545 = arith.addi %add3A_544, %mul3A_543 : i32
      %get3A_546 = arith.index_cast %add3A_545 : i32 to index
      %get3A_547 = tpu.vector_load %arg10[%get3A_546] {strides = array<i32>} : memref<50176xf32, #tpu.memory_space<vmem>>, vector<16xf32>,
      %add3A_548 = arith.addf %add3A_541, %get3A_547 : vector<16xf32>
      %mul3A_549 = arith.constant 16 : i32
      %mul3A_550 = arith.muli %while3A_473, %mul3A_549 : i32
      %add3A_551 = arith.constant 17248 : i32
      %add3A_552 = arith.addi %add3A_551, %mul3A_550 : i32
      %get3A_553 = arith.index_cast %add3A_552 : i32 to index
      %get3A_554 = tpu.vector_load %arg10[%get3A_553] {strides = array<i32>} : memref<50176xf32, #tpu.memory_space<vmem>>, vector<16xf32>,
      %add3A_555 = arith.addf %add3A_548, %get3A_554 : vector<16xf32>
      %mul3A_556 = arith.constant 16 : i32
      %mul3A_557 = arith.muli %while3A_473, %mul3A_556 : i32
      %add3A_558 = arith.constant 18816 : i32
      %add3A_559 = arith.addi %add3A_558, %mul3A_557 : i32
      %get3A_560 = arith.index_cast %add3A_559 : i32 to index
      %get3A_561 = tpu.vector_load %arg10[%get3A_560] {strides = array<i32>} : memref<50176xf32, #tpu.memory_space<vmem>>, vector<16xf32>,
      %add3A_562 = arith.addf %add3A_555, %get3A_561 : vector<16xf32>
      %mul3A_563 = arith.constant 16 : i32
      %mul3A_564 = arith.muli %while3A_473, %mul3A_563 : i32
      %add3A_565 = arith.constant 20384 : i32
      %add3A_566 = arith.addi %add3A_565, %mul3A_564 : i32
      %get3A_567 = arith.index_cast %add3A_566 : i32 to index
      %get3A_568 = tpu.vector_load %arg10[%get3A_567] {strides = array<i32>} : memref<50176xf32, #tpu.memory_space<vmem>>, vector<16xf32>,
      %add3A_569 = arith.addf %add3A_562, %get3A_568 : vector<16xf32>
      %mul3A_570 = arith.constant 16 : i32
      %mul3A_571 = arith.muli %while3A_473, %mul3A_570 : i32
      %add3A_572 = arith.constant 21952 : i32
      %add3A_573 = arith.addi %add3A_572, %mul3A_571 : i32
      %get3A_574 = arith.index_cast %add3A_573 : i32 to index
      %get3A_575 = tpu.vector_load %arg10[%get3A_574] {strides = array<i32>} : memref<50176xf32, #tpu.memory_space<vmem>>, vector<16xf32>,
      %add3A_576 = arith.addf %add3A_569, %get3A_575 : vector<16xf32>
      %mul3A_577 = arith.constant 16 : i32
      %mul3A_578 = arith.muli %while3A_473, %mul3A_577 : i32
      %add3A_579 = arith.constant 23520 : i32
      %add3A_580 = arith.addi %add3A_579, %mul3A_578 : i32
      %get3A_581 = arith.index_cast %add3A_580 : i32 to index
      %get3A_582 = tpu.vector_load %arg10[%get3A_581] {strides = array<i32>} : memref<50176xf32, #tpu.memory_space<vmem>>, vector<16xf32>,
      %add3A_583 = arith.addf %add3A_576, %get3A_582 : vector<16xf32>
      %mul3A_584 = arith.constant 16 : i32
      %mul3A_585 = arith.muli %while3A_473, %mul3A_584 : i32
      %add3A_586 = arith.constant 25088 : i32
      %add3A_587 = arith.addi %add3A_586, %mul3A_585 : i32
      %get3A_588 = arith.index_cast %add3A_587 : i32 to index
      %get3A_589 = tpu.vector_load %arg10[%get3A_588] {strides = array<i32>} : memref<50176xf32, #tpu.memory_space<vmem>>, vector<16xf32>,
      %add3A_590 = arith.addf %add3A_583, %get3A_589 : vector<16xf32>
      %mul3A_591 = arith.constant 16 : i32
      %mul3A_592 = arith.muli %while3A_473, %mul3A_591 : i32
      %add3A_593 = arith.constant 26656 : i32
      %add3A_594 = arith.addi %add3A_593, %mul3A_592 : i32
      %get3A_595 = arith.index_cast %add3A_594 : i32 to index
      %get3A_596 = tpu.vector_load %arg10[%get3A_595] {strides = array<i32>} : memref<50176xf32, #tpu.memory_space<vmem>>, vector<16xf32>,
      %add3A_597 = arith.addf %add3A_590, %get3A_596 : vector<16xf32>
      %mul3A_598 = arith.constant 16 : i32
      %mul3A_599 = arith.muli %while3A_473, %mul3A_598 : i32
      %add3A_600 = arith.constant 28224 : i32
      %add3A_601 = arith.addi %add3A_600, %mul3A_599 : i32
      %get3A_602 = arith.index_cast %add3A_601 : i32 to index
      %get3A_603 = tpu.vector_load %arg10[%get3A_602] {strides = array<i32>} : memref<50176xf32, #tpu.memory_space<vmem>>, vector<16xf32>,
      %add3A_604 = arith.addf %add3A_597, %get3A_603 : vector<16xf32>
      %mul3A_605 = arith.constant 16 : i32
      %mul3A_606 = arith.muli %while3A_473, %mul3A_605 : i32
      %add3A_607 = arith.constant 29792 : i32
      %add3A_608 = arith.addi %add3A_607, %mul3A_606 : i32
      %get3A_609 = arith.index_cast %add3A_608 : i32 to index
      %get3A_610 = tpu.vector_load %arg10[%get3A_609] {strides = array<i32>} : memref<50176xf32, #tpu.memory_space<vmem>>, vector<16xf32>,
      %add3A_611 = arith.addf %add3A_604, %get3A_610 : vector<16xf32>
      %mul3A_612 = arith.constant 16 : i32
      %mul3A_613 = arith.muli %while3A_473, %mul3A_612 : i32
      %add3A_614 = arith.constant 31360 : i32
      %add3A_615 = arith.addi %add3A_614, %mul3A_613 : i32
      %get3A_616 = arith.index_cast %add3A_615 : i32 to index
      %get3A_617 = tpu.vector_load %arg10[%get3A_616] {strides = array<i32>} : memref<50176xf32, #tpu.memory_space<vmem>>, vector<16xf32>,
      %add3A_618 = arith.addf %add3A_611, %get3A_617 : vector<16xf32>
      %mul3A_619 = arith.constant 16 : i32
      %mul3A_620 = arith.muli %while3A_473, %mul3A_619 : i32
      %add3A_621 = arith.constant 32928 : i32
      %add3A_622 = arith.addi %add3A_621, %mul3A_620 : i32
      %get3A_623 = arith.index_cast %add3A_622 : i32 to index
      %get3A_624 = tpu.vector_load %arg10[%get3A_623] {strides = array<i32>} : memref<50176xf32, #tpu.memory_space<vmem>>, vector<16xf32>,
      %add3A_625 = arith.addf %add3A_618, %get3A_624 : vector<16xf32>
      %mul3A_626 = arith.constant 16 : i32
      %mul3A_627 = arith.muli %while3A_473, %mul3A_626 : i32
      %add3A_628 = arith.constant 34496 : i32
      %add3A_629 = arith.addi %add3A_628, %mul3A_627 : i32
      %get3A_630 = arith.index_cast %add3A_629 : i32 to index
      %get3A_631 = tpu.vector_load %arg10[%get3A_630] {strides = array<i32>} : memref<50176xf32, #tpu.memory_space<vmem>>, vector<16xf32>,
      %add3A_632 = arith.addf %add3A_625, %get3A_631 : vector<16xf32>
      %mul3A_633 = arith.constant 16 : i32
      %mul3A_634 = arith.muli %while3A_473, %mul3A_633 : i32
      %add3A_635 = arith.constant 36064 : i32
      %add3A_636 = arith.addi %add3A_635, %mul3A_634 : i32
      %get3A_637 = arith.index_cast %add3A_636 : i32 to index
      %get3A_638 = tpu.vector_load %arg10[%get3A_637] {strides = array<i32>} : memref<50176xf32, #tpu.memory_space<vmem>>, vector<16xf32>,
      %add3A_639 = arith.addf %add3A_632, %get3A_638 : vector<16xf32>
      %mul3A_640 = arith.constant 16 : i32
      %mul3A_641 = arith.muli %while3A_473, %mul3A_640 : i32
      %add3A_642 = arith.constant 37632 : i32
      %add3A_643 = arith.addi %add3A_642, %mul3A_641 : i32
      %get3A_644 = arith.index_cast %add3A_643 : i32 to index
      %get3A_645 = tpu.vector_load %arg10[%get3A_644] {strides = array<i32>} : memref<50176xf32, #tpu.memory_space<vmem>>, vector<16xf32>,
      %add3A_646 = arith.addf %add3A_639, %get3A_645 : vector<16xf32>
      %mul3A_647 = arith.constant 16 : i32
      %mul3A_648 = arith.muli %while3A_473, %mul3A_647 : i32
      %add3A_649 = arith.constant 39200 : i32
      %add3A_650 = arith.addi %add3A_649, %mul3A_648 : i32
      %get3A_651 = arith.index_cast %add3A_650 : i32 to index
      %get3A_652 = tpu.vector_load %arg10[%get3A_651] {strides = array<i32>} : memref<50176xf32, #tpu.memory_space<vmem>>, vector<16xf32>,
      %add3A_653 = arith.addf %add3A_646, %get3A_652 : vector<16xf32>
      %mul3A_654 = arith.constant 16 : i32
      %mul3A_655 = arith.muli %while3A_473, %mul3A_654 : i32
      %add3A_656 = arith.constant 40768 : i32
      %add3A_657 = arith.addi %add3A_656, %mul3A_655 : i32
      %get3A_658 = arith.index_cast %add3A_657 : i32 to index
      %get3A_659 = tpu.vector_load %arg10[%get3A_658] {strides = array<i32>} : memref<50176xf32, #tpu.memory_space<vmem>>, vector<16xf32>,
      %add3A_660 = arith.addf %add3A_653, %get3A_659 : vector<16xf32>
      %mul3A_661 = arith.constant 16 : i32
      %mul3A_662 = arith.muli %while3A_473, %mul3A_661 : i32
      %add3A_663 = arith.constant 42336 : i32
      %add3A_664 = arith.addi %add3A_663, %mul3A_662 : i32
      %get3A_665 = arith.index_cast %add3A_664 : i32 to index
      %get3A_666 = tpu.vector_load %arg10[%get3A_665] {strides = array<i32>} : memref<50176xf32, #tpu.memory_space<vmem>>, vector<16xf32>,
      %add3A_667 = arith.addf %add3A_660, %get3A_666 : vector<16xf32>
      %mul3A_668 = arith.constant 16 : i32
      %mul3A_669 = arith.muli %while3A_473, %mul3A_668 : i32
      %add3A_670 = arith.constant 43904 : i32
      %add3A_671 = arith.addi %add3A_670, %mul3A_669 : i32
      %get3A_672 = arith.index_cast %add3A_671 : i32 to index
      %get3A_673 = tpu.vector_load %arg10[%get3A_672] {strides = array<i32>} : memref<50176xf32, #tpu.memory_space<vmem>>, vector<16xf32>,
      %add3A_674 = arith.addf %add3A_667, %get3A_673 : vector<16xf32>
      %mul3A_675 = arith.constant 16 : i32
      %mul3A_676 = arith.muli %while3A_473, %mul3A_675 : i32
      %add3A_677 = arith.constant 45472 : i32
      %add3A_678 = arith.addi %add3A_677, %mul3A_676 : i32
      %get3A_679 = arith.index_cast %add3A_678 : i32 to index
      %get3A_680 = tpu.vector_load %arg10[%get3A_679] {strides = array<i32>} : memref<50176xf32, #tpu.memory_space<vmem>>, vector<16xf32>,
      %add3A_681 = arith.addf %add3A_674, %get3A_680 : vector<16xf32>
      %mul3A_682 = arith.constant 16 : i32
      %mul3A_683 = arith.muli %while3A_473, %mul3A_682 : i32
      %add3A_684 = arith.constant 47040 : i32
      %add3A_685 = arith.addi %add3A_684, %mul3A_683 : i32
      %get3A_686 = arith.index_cast %add3A_685 : i32 to index
      %get3A_687 = tpu.vector_load %arg10[%get3A_686] {strides = array<i32>} : memref<50176xf32, #tpu.memory_space<vmem>>, vector<16xf32>,
      %add3A_688 = arith.addf %add3A_681, %get3A_687 : vector<16xf32>
      %mul3A_689 = arith.constant 16 : i32
      %mul3A_690 = arith.muli %while3A_473, %mul3A_689 : i32
      %add3A_691 = arith.constant 48608 : i32
      %add3A_692 = arith.addi %add3A_691, %mul3A_690 : i32
      %get3A_693 = arith.index_cast %add3A_692 : i32 to index
      %get3A_694 = tpu.vector_load %arg10[%get3A_693] {strides = array<i32>} : memref<50176xf32, #tpu.memory_space<vmem>>, vector<16xf32>,
      %add3A_695 = arith.addf %add3A_688, %get3A_694 : vector<16xf32>
      %get3A_696 = arith.index_cast %mul3A_475 : i32 to index
      %get3A_697 = tpu.vector_load %arg12[%get3A_696] {strides = array<i32>} : memref<1568xf32, #tpu.memory_space<vmem>>, vector<16xf32>,
      %get3A_698 = arith.index_cast %mul3A_475 : i32 to index
      %get3A_699 = tpu.vector_load %arg11[%get3A_698] {strides = array<i32>} : memref<1568xf32, #tpu.memory_space<vmem>>, vector<16xf32>,
      %sub3A = arith.constant 1.000000e+00 : f32
      %sub3A_700 = vector.broadcast %sub3A : f32 to vector<16xf32>
      %sub3A_701 = arith.subf %sub3A_700, %get3A_697 : vector<16xf32>
      %mul3A_702 = arith.mulf %get3A_699, %sub3A_701 : vector<16xf32>
      %get3A_703 = arith.index_cast %mul3A_475 : i32 to index
      %get3A_704 = tpu.vector_load %arg13[%get3A_703] {strides = array<i32>} : memref<1568xf32, #tpu.memory_space<vmem>>, vector<16xf32>,
      %mul3A_705 = arith.mulf %get3A_704, %mul3A_702 : vector<16xf32>
      %get3A_706 = arith.index_cast %mul3A_475 : i32 to index
      %get3A_707 = tpu.vector_load %arg14[%get3A_706] {strides = array<i32>} : memref<1568xf32, #tpu.memory_space<vmem>>, vector<16xf32>,
      %mul3A_708 = arith.mulf %get3A_707, %add3A_695 : vector<16xf32>
      %add3A_709 = arith.addf %mul3A_705, %mul3A_708 : vector<16xf32>
      %get3A_710 = arith.index_cast %mul3A_475 : i32 to index
      %get3A_711 = tpu.vector_load %arg15[%get3A_710] {strides = array<i32>} : memref<1568xf32, #tpu.memory_space<vmem>>, vector<16xf32>,
      %sub3A_712 = arith.subf %add3A_709, %get3A_711 : vector<16xf32>
      %get3A_713 = arith.index_cast %mul3A_475 : i32 to index
      %get3A_714 = tpu.vector_load %arg16[%get3A_713] {strides = array<i32>} : memref<1568xf32, #tpu.memory_space<vmem>>, vector<16xf32>,
      %div3A = arith.divf %sub3A_712, %get3A_714 : vector<16xf32>
      %gt3A = arith.constant 0.000000e+00 : f32
      %gt3A_715 = vector.broadcast %gt3A : f32 to vector<16xf32>
      %gt3A_716 = arith.cmpf ogt, %div3A, %gt3A_715 : vector<16xf32>
      %jit3A_717 = arith.constant 1.000000e+00 : f32
      %jit3A_718 = arith.constant 0.000000e+00 : f32
      %broadcast_in_dim3A = vector.broadcast %jit3A_717 : f32 to vector<16xf32>
      %broadcast_in_dim3A_719 = vector.broadcast %jit3A_718 : f32 to vector<16xf32>
      %select_n3A_720 = arith.select %gt3A_716, %broadcast_in_dim3A, %broadcast_in_dim3A_719 : vector<16xi1>, vector<16xf32>
      %swap3A = arith.index_cast %mul3A_475 : i32 to index
      %swap3A_721 = tpu.vector_load %arg17[%swap3A] {strides = array<i32>} : memref<1568xf32, #tpu.memory_space<vmem>>, vector<16xf32>,
      tpu.vector_store %arg17[%swap3A], %select_n3A_720 {strides = array<i32>} : memref<1568xf32, #tpu.memory_space<vmem>>, vector<16xf32>,
    }
    %while3A_464 = arith.constant 1 : i32
    scf.for %while3A_473 = %while3A_462 to %while3A_458 step %while3A_464  : i32 {
      %mul3A_474 = arith.constant 16 : i32
      %mul3A_475 = arith.muli %while3A_473, %mul3A_474 : i32
      %mul3A_476 = arith.constant 16 : i32
      %mul3A_477 = arith.muli %while3A_473, %mul3A_476 : i32
      %get3A = arith.index_cast %mul3A_477 : i32 to index
      %get3A_478 = tpu.vector_load %arg10[%get3A] {strides = array<i32>} : memref<50176xf32, #tpu.memory_space<vmem>>, vector<16xf32>,
      %mul3A_479 = arith.constant 16 : i32
      %mul3A_480 = arith.muli %while3A_473, %mul3A_479 : i32
      %add3A_481 = arith.constant 1568 : i32
      %add3A_482 = arith.addi %add3A_481, %mul3A_480 : i32
      %get3A_483 = arith.index_cast %add3A_482 : i32 to index
      %get3A_484 = tpu.vector_load %arg10[%get3A_483] {strides = array<i32>} : memref<50176xf32, #tpu.memory_space<vmem>>, vector<16xf32>,
      %add3A_485 = arith.addf %get3A_478, %get3A_484 : vector<16xf32>
      %mul3A_486 = arith.constant 16 : i32
      %mul3A_487 = arith.muli %while3A_473, %mul3A_486 : i32
      %add3A_488 = arith.constant 3136 : i32
      %add3A_489 = arith.addi %add3A_488, %mul3A_487 : i32
      %get3A_490 = arith.index_cast %add3A_489 : i32 to index
      %get3A_491 = tpu.vector_load %arg10[%get3A_490] {strides = array<i32>} : memref<50176xf32, #tpu.memory_space<vmem>>, vector<16xf32>,
      %add3A_492 = arith.addf %add3A_485, %get3A_491 : vector<16xf32>
      %mul3A_493 = arith.constant 16 : i32
      %mul3A_494 = arith.muli %while3A_473, %mul3A_493 : i32
      %add3A_495 = arith.constant 4704 : i32
      %add3A_496 = arith.addi %add3A_495, %mul3A_494 : i32
      %get3A_497 = arith.index_cast %add3A_496 : i32 to index
      %get3A_498 = tpu.vector_load %arg10[%get3A_497] {strides = array<i32>} : memref<50176xf32, #tpu.memory_space<vmem>>, vector<16xf32>,
      %add3A_499 = arith.addf %add3A_492, %get3A_498 : vector<16xf32>
      %mul3A_500 = arith.constant 16 : i32
      %mul3A_501 = arith.muli %while3A_473, %mul3A_500 : i32
      %add3A_502 = arith.constant 6272 : i32
      %add3A_503 = arith.addi %add3A_502, %mul3A_501 : i32
      %get3A_504 = arith.index_cast %add3A_503 : i32 to index
      %get3A_505 = tpu.vector_load %arg10[%get3A_504] {strides = array<i32>} : memref<50176xf32, #tpu.memory_space<vmem>>, vector<16xf32>,
      %add3A_506 = arith.addf %add3A_499, %get3A_505 : vector<16xf32>
      %mul3A_507 = arith.constant 16 : i32
      %mul3A_508 = arith.muli %while3A_473, %mul3A_507 : i32
      %add3A_509 = arith.constant 7840 : i32
      %add3A_510 = arith.addi %add3A_509, %mul3A_508 : i32
      %get3A_511 = arith.index_cast %add3A_510 : i32 to index
      %get3A_512 = tpu.vector_load %arg10[%get3A_511] {strides = array<i32>} : memref<50176xf32, #tpu.memory_space<vmem>>, vector<16xf32>,
      %add3A_513 = arith.addf %add3A_506, %get3A_512 : vector<16xf32>
      %mul3A_514 = arith.constant 16 : i32
      %mul3A_515 = arith.muli %while3A_473, %mul3A_514 : i32
      %add3A_516 = arith.constant 9408 : i32
      %add3A_517 = arith.addi %add3A_516, %mul3A_515 : i32
      %get3A_518 = arith.index_cast %add3A_517 : i32 to index
      %get3A_519 = tpu.vector_load %arg10[%get3A_518] {strides = array<i32>} : memref<50176xf32, #tpu.memory_space<vmem>>, vector<16xf32>,
      %add3A_520 = arith.addf %add3A_513, %get3A_519 : vector<16xf32>
      %mul3A_521 = arith.constant 16 : i32
      %mul3A_522 = arith.muli %while3A_473, %mul3A_521 : i32
      %add3A_523 = arith.constant 10976 : i32
      %add3A_524 = arith.addi %add3A_523, %mul3A_522 : i32
      %get3A_525 = arith.index_cast %add3A_524 : i32 to index
      %get3A_526 = tpu.vector_load %arg10[%get3A_525] {strides = array<i32>} : memref<50176xf32, #tpu.memory_space<vmem>>, vector<16xf32>,
      %add3A_527 = arith.addf %add3A_520, %get3A_526 : vector<16xf32>
      %mul3A_528 = arith.constant 16 : i32
      %mul3A_529 = arith.muli %while3A_473, %mul3A_528 : i32
      %add3A_530 = arith.constant 12544 : i32
      %add3A_531 = arith.addi %add3A_530, %mul3A_529 : i32
      %get3A_532 = arith.index_cast %add3A_531 : i32 to index
      %get3A_533 = tpu.vector_load %arg10[%get3A_532] {strides = array<i32>} : memref<50176xf32, #tpu.memory_space<vmem>>, vector<16xf32>,
      %add3A_534 = arith.addf %add3A_527, %get3A_533 : vector<16xf32>
      %mul3A_535 = arith.constant 16 : i32
      %mul3A_536 = arith.muli %while3A_473, %mul3A_535 : i32
      %add3A_537 = arith.constant 14112 : i32
      %add3A_538 = arith.addi %add3A_537, %mul3A_536 : i32
      %get3A_539 = arith.index_cast %add3A_538 : i32 to index
      %get3A_540 = tpu.vector_load %arg10[%get3A_539] {strides = array<i32>} : memref<50176xf32, #tpu.memory_space<vmem>>, vector<16xf32>,
      %add3A_541 = arith.addf %add3A_534, %get3A_540 : vector<16xf32>
      %mul3A_542 = arith.constant 16 : i32
      %mul3A_543 = arith.muli %while3A_473, %mul3A_542 : i32
      %add3A_544 = arith.constant 15680 : i32
      %add3A_545 = arith.addi %add3A_544, %mul3A_543 : i32
      %get3A_546 = arith.index_cast %add3A_545 : i32 to index
      %get3A_547 = tpu.vector_load %arg10[%get3A_546] {strides = array<i32>} : memref<50176xf32, #tpu.memory_space<vmem>>, vector<16xf32>,
      %add3A_548 = arith.addf %add3A_541, %get3A_547 : vector<16xf32>
      %mul3A_549 = arith.constant 16 : i32
      %mul3A_550 = arith.muli %while3A_473, %mul3A_549 : i32
      %add3A_551 = arith.constant 17248 : i32
      %add3A_552 = arith.addi %add3A_551, %mul3A_550 : i32
      %get3A_553 = arith.index_cast %add3A_552 : i32 to index
      %get3A_554 = tpu.vector_load %arg10[%get3A_553] {strides = array<i32>} : memref<50176xf32, #tpu.memory_space<vmem>>, vector<16xf32>,
      %add3A_555 = arith.addf %add3A_548, %get3A_554 : vector<16xf32>
      %mul3A_556 = arith.constant 16 : i32
      %mul3A_557 = arith.muli %while3A_473, %mul3A_556 : i32
      %add3A_558 = arith.constant 18816 : i32
      %add3A_559 = arith.addi %add3A_558, %mul3A_557 : i32
      %get3A_560 = arith.index_cast %add3A_559 : i32 to index
      %get3A_561 = tpu.vector_load %arg10[%get3A_560] {strides = array<i32>} : memref<50176xf32, #tpu.memory_space<vmem>>, vector<16xf32>,
      %add3A_562 = arith.addf %add3A_555, %get3A_561 : vector<16xf32>
      %mul3A_563 = arith.constant 16 : i32
      %mul3A_564 = arith.muli %while3A_473, %mul3A_563 : i32
      %add3A_565 = arith.constant 20384 : i32
      %add3A_566 = arith.addi %add3A_565, %mul3A_564 : i32
      %get3A_567 = arith.index_cast %add3A_566 : i32 to index
      %get3A_568 = tpu.vector_load %arg10[%get3A_567] {strides = array<i32>} : memref<50176xf32, #tpu.memory_space<vmem>>, vector<16xf32>,
      %add3A_569 = arith.addf %add3A_562, %get3A_568 : vector<16xf32>
      %mul3A_570 = arith.constant 16 : i32
      %mul3A_571 = arith.muli %while3A_473, %mul3A_570 : i32
      %add3A_572 = arith.constant 21952 : i32
      %add3A_573 = arith.addi %add3A_572, %mul3A_571 : i32
      %get3A_574 = arith.index_cast %add3A_573 : i32 to index
      %get3A_575 = tpu.vector_load %arg10[%get3A_574] {strides = array<i32>} : memref<50176xf32, #tpu.memory_space<vmem>>, vector<16xf32>,
      %add3A_576 = arith.addf %add3A_569, %get3A_575 : vector<16xf32>
      %mul3A_577 = arith.constant 16 : i32
      %mul3A_578 = arith.muli %while3A_473, %mul3A_577 : i32
      %add3A_579 = arith.constant 23520 : i32
      %add3A_580 = arith.addi %add3A_579, %mul3A_578 : i32
      %get3A_581 = arith.index_cast %add3A_580 : i32 to index
      %get3A_582 = tpu.vector_load %arg10[%get3A_581] {strides = array<i32>} : memref<50176xf32, #tpu.memory_space<vmem>>, vector<16xf32>,
      %add3A_583 = arith.addf %add3A_576, %get3A_582 : vector<16xf32>
      %mul3A_584 = arith.constant 16 : i32
      %mul3A_585 = arith.muli %while3A_473, %mul3A_584 : i32
      %add3A_586 = arith.constant 25088 : i32
      %add3A_587 = arith.addi %add3A_586, %mul3A_585 : i32
      %get3A_588 = arith.index_cast %add3A_587 : i32 to index
      %get3A_589 = tpu.vector_load %arg10[%get3A_588] {strides = array<i32>} : memref<50176xf32, #tpu.memory_space<vmem>>, vector<16xf32>,
      %add3A_590 = arith.addf %add3A_583, %get3A_589 : vector<16xf32>
      %mul3A_591 = arith.constant 16 : i32
      %mul3A_592 = arith.muli %while3A_473, %mul3A_591 : i32
      %add3A_593 = arith.constant 26656 : i32
      %add3A_594 = arith.addi %add3A_593, %mul3A_592 : i32
      %get3A_595 = arith.index_cast %add3A_594 : i32 to index
      %get3A_596 = tpu.vector_load %arg10[%get3A_595] {strides = array<i32>} : memref<50176xf32, #tpu.memory_space<vmem>>, vector<16xf32>,
      %add3A_597 = arith.addf %add3A_590, %get3A_596 : vector<16xf32>
      %mul3A_598 = arith.constant 16 : i32
      %mul3A_599 = arith.muli %while3A_473, %mul3A_598 : i32
      %add3A_600 = arith.constant 28224 : i32
      %add3A_601 = arith.addi %add3A_600, %mul3A_599 : i32
      %get3A_602 = arith.index_cast %add3A_601 : i32 to index
      %get3A_603 = tpu.vector_load %arg10[%get3A_602] {strides = array<i32>} : memref<50176xf32, #tpu.memory_space<vmem>>, vector<16xf32>,
      %add3A_604 = arith.addf %add3A_597, %get3A_603 : vector<16xf32>
      %mul3A_605 = arith.constant 16 : i32
      %mul3A_606 = arith.muli %while3A_473, %mul3A_605 : i32
      %add3A_607 = arith.constant 29792 : i32
      %add3A_608 = arith.addi %add3A_607, %mul3A_606 : i32
      %get3A_609 = arith.index_cast %add3A_608 : i32 to index
      %get3A_610 = tpu.vector_load %arg10[%get3A_609] {strides = array<i32>} : memref<50176xf32, #tpu.memory_space<vmem>>, vector<16xf32>,
      %add3A_611 = arith.addf %add3A_604, %get3A_610 : vector<16xf32>
      %mul3A_612 = arith.constant 16 : i32
      %mul3A_613 = arith.muli %while3A_473, %mul3A_612 : i32
      %add3A_614 = arith.constant 31360 : i32
      %add3A_615 = arith.addi %add3A_614, %mul3A_613 : i32
      %get3A_616 = arith.index_cast %add3A_615 : i32 to index
      %get3A_617 = tpu.vector_load %arg10[%get3A_616] {strides = array<i32>} : memref<50176xf32, #tpu.memory_space<vmem>>, vector<16xf32>,
      %add3A_618 = arith.addf %add3A_611, %get3A_617 : vector<16xf32>
      %mul3A_619 = arith.constant 16 : i32
      %mul3A_620 = arith.muli %while3A_473, %mul3A_619 : i32
      %add3A_621 = arith.constant 32928 : i32
      %add3A_622 = arith.addi %add3A_621, %mul3A_620 : i32
      %get3A_623 = arith.index_cast %add3A_622 : i32 to index
      %get3A_624 = tpu.vector_load %arg10[%get3A_623] {strides = array<i32>} : memref<50176xf32, #tpu.memory_space<vmem>>, vector<16xf32>,
      %add3A_625 = arith.addf %add3A_618, %get3A_624 : vector<16xf32>
      %mul3A_626 = arith.constant 16 : i32
      %mul3A_627 = arith.muli %while3A_473, %mul3A_626 : i32
      %add3A_628 = arith.constant 34496 : i32
      %add3A_629 = arith.addi %add3A_628, %mul3A_627 : i32
      %get3A_630 = arith.index_cast %add3A_629 : i32 to index
      %get3A_631 = tpu.vector_load %arg10[%get3A_630] {strides = array<i32>} : memref<50176xf32, #tpu.memory_space<vmem>>, vector<16xf32>,
      %add3A_632 = arith.addf %add3A_625, %get3A_631 : vector<16xf32>
      %mul3A_633 = arith.constant 16 : i32
      %mul3A_634 = arith.muli %while3A_473, %mul3A_633 : i32
      %add3A_635 = arith.constant 36064 : i32
      %add3A_636 = arith.addi %add3A_635, %mul3A_634 : i32
      %get3A_637 = arith.index_cast %add3A_636 : i32 to index
      %get3A_638 = tpu.vector_load %arg10[%get3A_637] {strides = array<i32>} : memref<50176xf32, #tpu.memory_space<vmem>>, vector<16xf32>,
      %add3A_639 = arith.addf %add3A_632, %get3A_638 : vector<16xf32>
      %mul3A_640 = arith.constant 16 : i32
      %mul3A_641 = arith.muli %while3A_473, %mul3A_640 : i32
      %add3A_642 = arith.constant 37632 : i32
      %add3A_643 = arith.addi %add3A_642, %mul3A_641 : i32
      %get3A_644 = arith.index_cast %add3A_643 : i32 to index
      %get3A_645 = tpu.vector_load %arg10[%get3A_644] {strides = array<i32>} : memref<50176xf32, #tpu.memory_space<vmem>>, vector<16xf32>,
      %add3A_646 = arith.addf %add3A_639, %get3A_645 : vector<16xf32>
      %mul3A_647 = arith.constant 16 : i32
      %mul3A_648 = arith.muli %while3A_473, %mul3A_647 : i32
      %add3A_649 = arith.constant 39200 : i32
      %add3A_650 = arith.addi %add3A_649, %mul3A_648 : i32
      %get3A_651 = arith.index_cast %add3A_650 : i32 to index
      %get3A_652 = tpu.vector_load %arg10[%get3A_651] {strides = array<i32>} : memref<50176xf32, #tpu.memory_space<vmem>>, vector<16xf32>,
      %add3A_653 = arith.addf %add3A_646, %get3A_652 : vector<16xf32>
      %mul3A_654 = arith.constant 16 : i32
      %mul3A_655 = arith.muli %while3A_473, %mul3A_654 : i32
      %add3A_656 = arith.constant 40768 : i32
      %add3A_657 = arith.addi %add3A_656, %mul3A_655 : i32
      %get3A_658 = arith.index_cast %add3A_657 : i32 to index
      %get3A_659 = tpu.vector_load %arg10[%get3A_658] {strides = array<i32>} : memref<50176xf32, #tpu.memory_space<vmem>>, vector<16xf32>,
      %add3A_660 = arith.addf %add3A_653, %get3A_659 : vector<16xf32>
      %mul3A_661 = arith.constant 16 : i32
      %mul3A_662 = arith.muli %while3A_473, %mul3A_661 : i32
      %add3A_663 = arith.constant 42336 : i32
      %add3A_664 = arith.addi %add3A_663, %mul3A_662 : i32
      %get3A_665 = arith.index_cast %add3A_664 : i32 to index
      %get3A_666 = tpu.vector_load %arg10[%get3A_665] {strides = array<i32>} : memref<50176xf32, #tpu.memory_space<vmem>>, vector<16xf32>,
      %add3A_667 = arith.addf %add3A_660, %get3A_666 : vector<16xf32>
      %mul3A_668 = arith.constant 16 : i32
      %mul3A_669 = arith.muli %while3A_473, %mul3A_668 : i32
      %add3A_670 = arith.constant 43904 : i32
      %add3A_671 = arith.addi %add3A_670, %mul3A_669 : i32
      %get3A_672 = arith.index_cast %add3A_671 : i32 to index
      %get3A_673 = tpu.vector_load %arg10[%get3A_672] {strides = array<i32>} : memref<50176xf32, #tpu.memory_space<vmem>>, vector<16xf32>,
      %add3A_674 = arith.addf %add3A_667, %get3A_673 : vector<16xf32>
      %mul3A_675 = arith.constant 16 : i32
      %mul3A_676 = arith.muli %while3A_473, %mul3A_675 : i32
      %add3A_677 = arith.constant 45472 : i32
      %add3A_678 = arith.addi %add3A_677, %mul3A_676 : i32
      %get3A_679 = arith.index_cast %add3A_678 : i32 to index
      %get3A_680 = tpu.vector_load %arg10[%get3A_679] {strides = array<i32>} : memref<50176xf32, #tpu.memory_space<vmem>>, vector<16xf32>,
      %add3A_681 = arith.addf %add3A_674, %get3A_680 : vector<16xf32>
      %mul3A_682 = arith.constant 16 : i32
      %mul3A_683 = arith.muli %while3A_473, %mul3A_682 : i32
      %add3A_684 = arith.constant 47040 : i32
      %add3A_685 = arith.addi %add3A_684, %mul3A_683 : i32
      %get3A_686 = arith.index_cast %add3A_685 : i32 to index
      %get3A_687 = tpu.vector_load %arg10[%get3A_686] {strides = array<i32>} : memref<50176xf32, #tpu.memory_space<vmem>>, vector<16xf32>,
      %add3A_688 = arith.addf %add3A_681, %get3A_687 : vector<16xf32>
      %mul3A_689 = arith.constant 16 : i32
      %mul3A_690 = arith.muli %while3A_473, %mul3A_689 : i32
      %add3A_691 = arith.constant 48608 : i32
      %add3A_692 = arith.addi %add3A_691, %mul3A_690 : i32
      %get3A_693 = arith.index_cast %add3A_692 : i32 to index
      %get3A_694 = tpu.vector_load %arg10[%get3A_693] {strides = array<i32>} : memref<50176xf32, #tpu.memory_space<vmem>>, vector<16xf32>,
      %add3A_695 = arith.addf %add3A_688, %get3A_694 : vector<16xf32>
      %get3A_696 = arith.index_cast %mul3A_475 : i32 to index
      %get3A_697 = tpu.vector_load %arg12[%get3A_696] {strides = array<i32>} : memref<1568xf32, #tpu.memory_space<vmem>>, vector<16xf32>,
      %get3A_698 = arith.index_cast %mul3A_475 : i32 to index
      %get3A_699 = tpu.vector_load %arg11[%get3A_698] {strides = array<i32>} : memref<1568xf32, #tpu.memory_space<vmem>>, vector<16xf32>,
      %sub3A = arith.constant 1.000000e+00 : f32
      %sub3A_700 = vector.broadcast %sub3A : f32 to vector<16xf32>
      %sub3A_701 = arith.subf %sub3A_700, %get3A_697 : vector<16xf32>
      %mul3A_702 = arith.mulf %get3A_699, %sub3A_701 : vector<16xf32>
      %get3A_703 = arith.index_cast %mul3A_475 : i32 to index
      %get3A_704 = tpu.vector_load %arg13[%get3A_703] {strides = array<i32>} : memref<1568xf32, #tpu.memory_space<vmem>>, vector<16xf32>,
      %mul3A_705 = arith.mulf %get3A_704, %mul3A_702 : vector<16xf32>
      %get3A_706 = arith.index_cast %mul3A_475 : i32 to index
      %get3A_707 = tpu.vector_load %arg14[%get3A_706] {strides = array<i32>} : memref<1568xf32, #tpu.memory_space<vmem>>, vector<16xf32>,
      %mul3A_708 = arith.mulf %get3A_707, %add3A_695 : vector<16xf32>
      %add3A_709 = arith.addf %mul3A_705, %mul3A_708 : vector<16xf32>
      %get3A_710 = arith.index_cast %mul3A_475 : i32 to index
      %get3A_711 = tpu.vector_load %arg15[%get3A_710] {strides = array<i32>} : memref<1568xf32, #tpu.memory_space<vmem>>, vector<16xf32>,
      %sub3A_712 = arith.subf %add3A_709, %get3A_711 : vector<16xf32>
      %get3A_713 = arith.index_cast %mul3A_475 : i32 to index
      %get3A_714 = tpu.vector_load %arg16[%get3A_713] {strides = array<i32>} : memref<1568xf32, #tpu.memory_space<vmem>>, vector<16xf32>,
      %div3A = arith.divf %sub3A_712, %get3A_714 : vector<16xf32>
      %gt3A = arith.constant 0.000000e+00 : f32
      %gt3A_715 = vector.broadcast %gt3A : f32 to vector<16xf32>
      %gt3A_716 = arith.cmpf ogt, %div3A, %gt3A_715 : vector<16xf32>
      %jit3A_717 = arith.constant 1.000000e+00 : f32
      %jit3A_718 = arith.constant 0.000000e+00 : f32
      %broadcast_in_dim3A = vector.broadcast %jit3A_717 : f32 to vector<16xf32>
      %broadcast_in_dim3A_719 = vector.broadcast %jit3A_718 : f32 to vector<16xf32>
      %select_n3A_720 = arith.select %gt3A_716, %broadcast_in_dim3A, %broadcast_in_dim3A_719 : vector<16xi1>, vector<16xf32>
      %swap3A = arith.index_cast %mul3A_475 : i32 to index
      %swap3A_721 = tpu.vector_load %arg17[%swap3A] {strides = array<i32>} : memref<1568xf32, #tpu.memory_space<vmem>>, vector<16xf32>,
      tpu.vector_store %arg17[%swap3A], %select_n3A_720 {strides = array<i32>} : memref<1568xf32, #tpu.memory_space<vmem>>, vector<16xf32>,
    }
    %convert_element_type3A_465 = arith.extui %eq3A_3 : i1 to i32
    %cond3A_466 = arith.constant 0 : i32
    %cond3A_467 = arith.cmpi ne, %convert_element_type3A_465, %cond3A_466 : i32
    scf.if %cond3A_467 {
      "tpu.region"() ({
        %run_scoped3A = tpu.sem_alloc : memref<!tpu.dma_semaphore, #tpu.memory_space<semaphore_mem>>
        %dma_start3A_473 = arith.constant 0 : i32
        %dma_start3A_474 = tpu.memref_slice %arg17[%dma_start3A_473] : memref<1568xf32, #tpu.memory_space<vmem>> -> memref<1392xf32, #tpu.memory_space<vmem>>
        %dma_start3A_475 = tpu.memref_slice %arg9[%mul3A_2] : memref<50176xf32, #tpu.memory_space<hbm>> -> memref<1392xf32, #tpu.memory_space<hbm>>
        %dma_start3A_476 = tpu.memref_slice %arg9[%mul3A_2] : memref<50176xf32, #tpu.memory_space<hbm>> -> memref<1392xf32, #tpu.memory_space<hbm>>
        %dma_start3A_477 = arith.constant 0 : i32
        %dma_start3A_478 = tpu.memref_slice %arg17[%dma_start3A_477] : memref<1568xf32, #tpu.memory_space<vmem>> -> memref<1392xf32, #tpu.memory_space<vmem>>
        tpu.enqueue_dma source(%dma_start3A_478 : memref<1392xf32, #tpu.memory_space<vmem>>) target(%dma_start3A_476 : memref<1392xf32, #tpu.memory_space<hbm>>) target_semaphore(%run_scoped3A : memref<!tpu.dma_semaphore, #tpu.memory_space<semaphore_mem>>)
        %dma_wait3A_479 = arith.constant 0 : i32
        %dma_wait3A_480 = tpu.memref_slice %arg17[%dma_wait3A_479] : memref<1568xf32, #tpu.memory_space<vmem>> -> memref<1392xf32, #tpu.memory_space<vmem>>
        %dma_wait3A_481 = tpu.memref_slice %arg9[%mul3A_2] : memref<50176xf32, #tpu.memory_space<hbm>> -> memref<1392xf32, #tpu.memory_space<hbm>>
        %dma_wait3A_482 = tpu.memref_slice %arg9[%mul3A_2] : memref<50176xf32, #tpu.memory_space<hbm>> -> memref<1392xf32, #tpu.memory_space<hbm>>
        %dma_wait3A_483 = arith.constant 0 : i32
        %dma_wait3A_484 = tpu.memref_slice %arg17[%dma_wait3A_483] : memref<1568xf32, #tpu.memory_space<vmem>> -> memref<1392xf32, #tpu.memory_space<vmem>>
        tpu.wait_dma2 semaphore(%run_scoped3A : memref<!tpu.dma_semaphore, #tpu.memory_space<semaphore_mem>>) src(%dma_wait3A_484 : memref<1392xf32, #tpu.memory_space<vmem>>) dst(%dma_wait3A_482 : memref<1392xf32, #tpu.memory_space<hbm>>)
        tpu.yield
      }) : () -> ()
    } else {
    }
    %not3A_468 = arith.constant true
    %not3A_469 = arith.xori %eq3A_3, %not3A_468 : i1
    %convert_element_type3A_470 = arith.extui %not3A_469 : i1 to i32
    %cond3A_471 = arith.constant 0 : i32
    %cond3A_472 = arith.cmpi ne, %convert_element_type3A_470, %cond3A_471 : i32
    scf.if %cond3A_472 {
      "tpu.region"() ({
        %run_scoped3A = tpu.sem_alloc : memref<!tpu.dma_semaphore, #tpu.memory_space<semaphore_mem>>
        %dma_start3A_473 = tpu.memref_slice %arg9[%mul3A_2] : memref<50176xf32, #tpu.memory_space<hbm>> -> memref<1568xf32, #tpu.memory_space<hbm>>
        %dma_start3A_474 = tpu.memref_slice %arg9[%mul3A_2] : memref<50176xf32, #tpu.memory_space<hbm>> -> memref<1568xf32, #tpu.memory_space<hbm>>
        tpu.enqueue_dma source(%arg17 : memref<1568xf32, #tpu.memory_space<vmem>>) target(%dma_start3A_474 : memref<1568xf32, #tpu.memory_space<hbm>>) target_semaphore(%run_scoped3A : memref<!tpu.dma_semaphore, #tpu.memory_space<semaphore_mem>>)
        %dma_wait3A_475 = tpu.memref_slice %arg9[%mul3A_2] : memref<50176xf32, #tpu.memory_space<hbm>> -> memref<1568xf32, #tpu.memory_space<hbm>>
        %dma_wait3A_476 = tpu.memref_slice %arg9[%mul3A_2] : memref<50176xf32, #tpu.memory_space<hbm>> -> memref<1568xf32, #tpu.memory_space<hbm>>
        tpu.wait_dma2 semaphore(%run_scoped3A : memref<!tpu.dma_semaphore, #tpu.memory_space<semaphore_mem>>) src(%arg17 : memref<1568xf32, #tpu.memory_space<vmem>>) dst(%dma_wait3A_476 : memref<1568xf32, #tpu.memory_space<hbm>>)
        tpu.yield
      }) : () -> ()
    } else {
    }
    return
  }
}

</mosaic_0001>

<sc_bundles>
// kernel: kernel.4.cloned.1.call-start
scs
__scs_entry_jumppad:
0x0: {  	(pc) =	sbr.rel $0x88, $3  }
0x1: {  	(tag) =	ssettag $0x0;
	lr =	simm.s32 $0x1  }
0x2: {  	[smem:$0x3F97] =	sst lr;
	_ =	strace $0xD0000000  }
0x3: {  	_ = 	snop  }
0x4: {  	_ = 	snop  }
0x5: {  	_ = 	snop  }
0x6: {  	_ = 	snop  }
0x7: {  	_ = 	snop  }
__scs_overlays_trampoline_lowered:
0x8: {  	[smem:$0x3FA6] =	sst s0  }
0x9: {  	[smem:$0x3FA7] =	sst s1  }
0xa: {  	[smem:$0x3FA8] =	sst s2  }
0xb: {  	[smem:$0x3FA9] =	sst s3  }
0xc: {  	[smem:$0x3FAA] =	sst s4  }
0xd: {  	[smem:$0x3FAB] =	sst s5  }
0xe: {  	[smem:$0x3FAC] =	sst s6  }
0xf: {  	[smem:$0x3FAD] =	sst s7  }
0x10: {  	[smem:$0x3FAE] =	sst s8  }
0x11: {  	[smem:$0x3FAF] =	sst s9;
	s0 =	simm.s32 @!p0 $0x0  }
0x12: {  	s1 =	sld [smem:$0x3F95];
	s0 =	simm.s32 @p0 $0x1  }
0x13: {  	[smem:$0x3FB0] =	sst s0;
	s0 =	simm.s32 @!p1 $0x0  }
0x14: {  	s2 =	sld [smem:$0x3F94];
	s0 =	simm.s32 @p1 $0x1  }
0x15: {  	[smem:$0x3FB1] =	sst s0;
	s0 =	simm.s32 @!p2 $0x0  }
0x16: {  	s3 =	sld [smem:$0x3FDB];
	s0 =	simm.s32 @p2 $0x1  }
0x17: {  	s4 =	simm.s32 $0x1BF5;
	[smem:$0x3FB3] =	sst s0  }
0x18: {  	s0 =	sld [smem:$0x3F96];
	_ =	swait.ge [sflag:s4], $0x0  }
0x19: {  	s7 =	sld [smem:$0x3F97]  }
0x1a: {  	s8 =	sadd.s32 $0xFFFFE003, lr  }
0x1b: {  	s9 =	sadd.s32 $0xFFFFFEF7, lr;
	s5 =	simm.s32 $0xFFFFFFFF;
	p2 =	slt.u32 s8, $0xFFFFF086  }
0x1c: {  	p1 =	slt.u32 s9, $0xF7A;
	s5 =	simm.s32 @!p2 $0x0  }
0x1d: {  	s5 =	simm.s32 @p1 $0x1;
	p0 =	seq.s32 s7, s2  }
0x1e: {  	s7 =	smul.u32 @!p0 $0xF7A, s2;
	p2 =	seq.s32 @!p0 s5, $0x0  }
0x1f: {  	s9 =	smul.u32 $0xF7A, s1;
	s8 =	simm.s32 @!p0 $0x1BF5;
	p2 =	por !p2, p0  }
0x20: {  	[sflag:s8] =	ssyncset.s32 @!p0 $0xFFFFF086;
	s6 =	sadd.s32 @!p0 s3, s7;
	s7 =	simm.s32 @!p0 $0x108  }
0x21: {  	s3 =	sadd.s32 s3, s9;
	s6 =	sadd.s32 @!p0 $0x88, s6;
	s7 =	simm.s32 @p2 $0x1082  }
0x22: {  	[simem:s7], [sflag:s8] =	dma.local @!p0 [hbm:s6], $0xF7A  }
0x23: {  	s9 =	sor.u32 $0xD0000000, s2;
	s6 =	simm.s32 $0x108;
	_ =	swait.ge @!p0 [sflag:s8], $0x0  }
0x24: {  	s3 =	sadd.s32 $0x88, s3;
	s6 =	simm.s32 @!p1 $0x1082;
	[sflag:s4] =	ssyncset.s32 $0xFFFFF086  }
0x25: {  	[simem:s6], [sflag:s4] =	dma.local [hbm:s3], $0xF7A  }
0x26: {  	[smem:$0x3F97] =	sst s1;
	(tag) =	ssettag s2;
	_ =	strace s9  }
0x27: {  	s1 =	sld [smem:$0x3FA7]  }
0x28: {  	s2 =	sld [smem:$0x3FA8]  }
0x29: {  	s4 =	sld [smem:$0x3FAA]  }
0x2a: {  	p0 =	seq.s32 s5, $0x0;
	s5 =	sld [smem:$0x3FAB]  }
0x2b: {  	s6 =	sld [smem:$0x3FAC]  }
0x2c: {  	s7 =	sld [smem:$0x3FAD]  }
0x2d: {  	s3 =	simm.s32 $0x108;
	s8 =	sld [smem:$0x3FAE]  }
0x2e: {  	s3 =	simm.s32 @!p0 $0x1082;
	s9 =	sld [smem:$0x3FAF]  }
0x2f: {  	lr =	sadd.s32 s0, s3;
	s0 =	sld [smem:$0x3FA6]  }
0x30: {  	s3 =	sld [smem:$0x3FA9]  }
0x31: {  	[smem:$0x3FB2] =	sst s10  }
0x32: {  	s10 =	sld [smem:$0x3FB0];
	_ =	sdelay $0x3  }
0x33: {  	p0 =	seq.s32 s10, $0x1;
	s10 =	sld [smem:$0x3FB2];
	_ =	sdelay $0x3  }
0x34: {  	[smem:$0x3FB2] =	sst s10  }
0x35: {  	s10 =	sld [smem:$0x3FB1];
	_ =	sdelay $0x3  }
0x36: {  	p1 =	seq.s32 s10, $0x1;
	s10 =	sld [smem:$0x3FB2];
	_ =	sdelay $0x3  }
0x37: {  	[smem:$0x3FB2] =	sst s10  }
0x38: {  	s10 =	sld [smem:$0x3FB3]  }
0x39: {  	_ = 	snop;
	(pc) =	sbr.ind lr, $3  }
0x3a: {  	_ = 	snop  }
0x3b: {  	_ = 	snop  }
0x3c: {  	p2 =	seq.s32 s10, $0x1;
	s10 =	sld [smem:$0x3FB2]  }
0x3d: {  	_ =	shalt  }
0x3e: {  	_ =	shalt  }
0x3f: {  	_ =	shalt  }
0x40: {  	_ =	shalt  }
0x41: {  	_ =	shalt  }
0x42: {  	_ =	shalt  }
0x43: {  	_ =	shalt  }
0x44: {  	_ =	shalt  }
0x45: {  	_ =	shalt  }
0x46: {  	_ =	shalt  }
0x47: {  	_ =	shalt  }
0x48: {  	_ =	shalt  }
0x49: {  	_ =	shalt  }
0x4a: {  	_ =	shalt  }
0x4b: {  	_ =	shalt  }
0x4c: {  	_ =	shalt  }
0x4d: {  	_ =	shalt  }
0x4e: {  	_ =	shalt  }
0x4f: {  	_ =	shalt  }
0x50: {  	_ =	shalt  }
0x51: {  	_ =	shalt  }
0x52: {  	_ =	shalt  }
0x53: {  	_ =	shalt  }
0x54: {  	_ =	shalt  }
0x55: {  	_ =	shalt  }
0x56: {  	_ =	shalt  }
0x57: {  	_ =	shalt  }
0x58: {  	_ =	shalt  }
0x59: {  	_ =	shalt  }
0x5a: {  	_ =	shalt  }
0x5b: {  	_ =	shalt  }
0x5c: {  	_ =	shalt  }
0x5d: {  	_ =	shalt  }
0x5e: {  	_ =	shalt  }
0x5f: {  	_ =	shalt  }
0x60: {  	_ =	shalt  }
0x61: {  	_ =	shalt  }
0x62: {  	_ =	shalt  }
0x63: {  	_ =	shalt  }
0x64: {  	_ =	shalt  }
0x65: {  	_ =	shalt  }
0x66: {  	_ =	shalt  }
0x67: {  	_ =	shalt  }
0x68: {  	_ =	shalt  }
0x69: {  	_ =	shalt  }
0x6a: {  	_ =	shalt  }
0x6b: {  	_ =	shalt  }
0x6c: {  	_ =	shalt  }
0x6d: {  	_ =	shalt  }
0x6e: {  	_ =	shalt  }
0x6f: {  	_ =	shalt  }
0x70: {  	_ =	shalt  }
0x71: {  	_ =	shalt  }
0x72: {  	_ =	shalt  }
0x73: {  	_ =	shalt  }
0x74: {  	_ =	shalt  }
0x75: {  	_ =	shalt  }
0x76: {  	_ =	shalt  }
0x77: {  	_ =	shalt  }
0x78: {  	_ =	shalt  }
0x79: {  	_ =	shalt  }
0x7a: {  	_ =	shalt  }
0x7b: {  	_ =	shalt  }
0x7c: {  	_ =	shalt  }
0x7d: {  	_ =	shalt  }
0x7e: {  	_ =	shalt  }
0x7f: {  	_ =	shalt  }
0x80: {  	_ =	shalt  }
0x81: {  	_ =	shalt  }
0x82: {  	_ =	shalt  }
0x83: {  	_ =	shalt  }
0x84: {  	_ =	shalt  }
0x85: {  	_ =	shalt  }
0x86: {  	_ =	shalt  }
0x87: {  	_ =	shalt  }
.Lfunc_end0:
.L_simem_size_0:
called_computation_lowered:
.L_overlay_start_0:
0x88: {  	s2 =	sld [smem:$0x3FD9]  }
0x89: {  	s3 =	sld [smem:$0x3FFE];
	_ =	sdelay $0x1  }
0x8a: {  	s1 =	srdreg.scid  }
0x8b: {  	s0 =	sand.u32 $0x1, s1  }
0x8c: {  	s17 =	sshll.u32 s0, $0xA;
	s2 =	sadd.s32 s3, s2  }
0x8d: {  	s2 =	sadd.s32 s2, s17  }
0x8e: {  	[smem:$0x3FBE] =	sst s2  }
0x8f: {  	_ = 	snop  }
0x90: {  	s2 =	sld [smem:$0x3FC7]  }
0x91: {  	s18 =	sld [smem:$0x3FC6]  }
0x92: {  	s4 =	sld [smem:$0x3FD0];
	(tm) =	ssettm $0x1  }
0x93: {  	s5 =	sld [smem:$0x3FFB];
	_ =	sdelay $0x3  }
0x94: {  	_ =	strace s5  }
0x95: {  	s5 =	sld [smem:$0x3FFC];
	_ =	sdelay $0x3  }
0x96: {  	_ =	strace s5  }
0x97: {  	s5 =	sld [smem:$0x3FFD];
	_ =	sdelay $0x3  }
0x98: {  	_ =	strace s5  }
0x99: {  	_ =	strace $0x8FFFFFFF  }
0x9a: {  	s19 =	sld [smem:$0x3FDB];
	_ =	sdelay $0x1  }
0x9b: {  	s6 =	simm.s32 $_scs_section_size  }
0x9c: {  	s7 =	simm.s32 $_size__tile_overlayer_lowered;
	s8 =	simm.s32 $_tile_overlayer_lowered  }
0x9d: {  	s22 =	simm.s32 $0x1BFF;
	s21 =	sshll.u32 s8, $0x1;
	s5 =	sadd.s32 s6, s19  }
0x9e: {  	s9 =	simm.s32 $0x0;
	s20 =	sshll.u32 s7, $0x1;
	s7 =	sadd.s32 s21, s5  }
0x9f: {  	[timem:s9], [sflag:s22] =	dma.local [hbm:s7], s20  }
0xa0: {  	_ =	swait.ge [sflag:s22], s20  }
0xa1: {  	s6 =	ssub.s32 $0x0, s20;
	[sflag:s22] =	ssyncset.done $0x0  }
0xa2: {  	[sflag:s22] =	ssyncadd.s32 s6;
	_ =	sdelay $0x1  }
0xa3: {  	s23 =	simm.s32 $0x1B8B  }
0xa4: {  	_ =	swait.ge [sflag:s23], $0x1  }
0xa5: {  	[sflag:s23] =	ssyncset.done $0x0  }
0xa6: {  	s25 =	simm.s32 $0x1B8E;
	s24 =	sld [smem:$0x3FFE];
	[sflag:s23] =	ssyncadd.s32 $0xFFFFFFFF  }
0xa7: {  	s26 =	simm.s32 $execute0_lowered;
	[smem:$0x3FD2] =	sst s25  }
0xa8: {  	s7 =	sshll.u32 s26, $0x1;
	_ =	strace $0x80000046;
	[dreg:$0x1] =	wrdreg $0xFFFFFFFF  }
0xa9: {  	s28 =	simm.s32 $_size_execute0_lowered;
	s5 =	sadd.s32 s5, s7;
	[dreg:$0x0] =	wrdreg $0x0  }
0xaa: {  	s7 =	sshll.u32 s28, $0x1;
	[dreg:$0x2] =	wrdreg s5  }
0xab: {  	[dreg:$0x3] =	wrdreg s7  }
0xac: {  	[dreg:$0x4] =	wrdreg $0xC0  }
0xad: {  	_ =	task [dreg:s9], $0x5FFFF  }
0xae: {  	[dreg:$0x1] =	wrdreg $0xFFFFFFFF  }
0xaf: {  	[dreg:$0x0] =	wrdreg $0x60  }
0xb0: {  	[dreg:$0x2] =	wrdreg s24  }
0xb1: {  	[dreg:$0x3] =	wrdreg s18  }
0xb2: {  	[dreg:$0x4] =	wrdreg s2  }
0xb3: {  	[dreg:$0x5] =	wrdreg s4  }
0xb4: {  	[dreg:$0x6] =	wrdreg $0x9  }
0xb5: {  	_ =	task.clear_ibuf [dreg:s9], $0x7FFFF;
	_ =	strace $0x90000046  }
0xb6: {  	s29 =	simm.s32 $0x9;
	_ =	strace $0x80000048  }
0xb7: {  	_ =	swait.ge [sflag:s29], $0x1  }
0xb8: {  	[sflag:s29] =	ssyncadd.s32 $0xFFFFFFFF  }
0xb9: {  	_ =	strace $0x90000048  }
0xba: {  	_ =	sfence  }
0xbb: {  	s30 =	sld [smem:$0x0];
	_ =	sdelay $0x2  }
0xbc: {  	s31 =	sshll.u32 s1, $0xD;
	s1 =	sshrl.u32 s1, $0x2  }
0xbd: {  	s3 =	sand.u32 $0x4000, s31;
	s1 =	sadd.s32 s1, s30  }
0xbe: {  	s0 =	sor.u32 s3, s0;
	s1 =	sshll.u32 s1, $0x11  }
0xbf: {  	s0 =	sor.u32 s1, s0  }
0xc0: {  	s0 =	sadd.s32 $0x8F2B, s0  }
0xc1: {  	[sflag:s0] =	ssyncadd.remote.s32 $0x1  }
0xc2: {  	_ =	sfence.sel $0xFFFF  }
0xc3: {  	[dreg:$0x0] =	wrdreg $0xFFFFFFFF;
	(pc) =	sbr.abs _section_cstart, $3  }
0xc4: {  	[dreg:$0x1] =	wrdreg $0xFFFFFFFF  }
0xc5: {  	_ =	task.clear_ibuf [dreg:s9], $0x2FFFF;
	_ =	strace $0x9FFFFFFF  }
0xc6: {  	(tm) =	ssettm $0x7FFFFFFF  }
0xc7: {  	_ =	shalt  }
tec
execute0_lowered:
.L_overlay_start_1:
0x0: {  	(tag) =	ssettag $0x1  }
0x1: {  	s1 =	rddreg [dreg:$0x0]  }
0x2: {  	s2 =	rddreg [dreg:$0x1]  }
0x3: {  	s3 =	rddreg [dreg:$0x2];
	s0 =	srdreg.scid;
	s6 =	simm.s32 $0x0  }
0x4: {  	s5 =	stileid.u32;
	s17 =	simm.s32 $0xC380;
	s18 =	simm.s32 $0x19380  }
0x5: {  	s19 =	simm.s32 $0x1A380;
	s20 =	simm.s32 $0x1B380;
	s21 =	simm.s32 $0x1C380  }
0x6: {  	s28 =	simm.s32 $0x1CB80;
	s29 =	simm.s32 $0x1;
	s30 =	simm.s32 $0xCD80  }
0x7: {  	s31 =	simm.s32 $0xCF80;
	s0 =	sand.u32 $0x1, s0;
	[smem:$0x7FF] =	sst s6  }
0x8: {  	s7 =	sadd.s32 $0x30E00, s1;
	s8 =	sadd.s32 $0x61C00, s1;
	s4 =	sshll.u32 s0, $0x4  }
0x9: {  	_ =	strace $0x80000047;
	s0 =	ssub.s32 $0x2, s0;
	s4 =	sor.u32 s5, s4  }
0xa: {  	[dreg:$0x5] =	wrdreg s8;
	s22 =	sshrl.u32 s0, $0x1;
	s5 =	smul.u32 $0xC350, s4  }
0xb: {  	s4 =	smul.u32 $0x1880, s4;
	s0 =	ssub.s32 s0, s22;
	s22 =	simm.s32 $0x4  }
0xc: {  	s16 =	smax.u32 s0, $0x1;
	s0 =	simm.s32 $0x2;
	s9 =	sshrl.u32 s5, $0x3  }
0xd: {  	s4 =	sadd.s32 s4, s1;
	s13 =	sadd.s32 $0x7D0, s5;
	s23 =	sadd.s32 s7, s9  }
0xe: {  	v0 =	vlaneseq.u32;
	s14 =	sadd.s32 $0xFA0, s5;
	s24 =	sadd.s32 s1, s9;
	[dreg:$0x6] =	wrdreg s23  }
0xf: {  	v0 =	vmul.u32 $0x5, v0;
	s5 =	simm.s32 $0x5;
	s25 =	sadd.s32 s2, s9;
	[dreg:$0x7] =	wrdreg s24  }
0x10: {  	s26 =	sadd.s32 s3, s9;
	s15 =	sadd.s32 $0x63600, s4;
	[dreg:$0x8] =	wrdreg s25  }
0x11: {  	v1 =	vimm.f32 $0.0e+00;
	v2 =	vadd.s32 $0x1, v0;
	s4 =	simm.s32 $0x0;
	[dreg:$0x9] =	wrdreg s26;
	s23 =	simm.s32 $0x3  }
0x12: {  	v3 =	vadd.s32 $0x2, v0;
	v4 =	vadd.s32 $0x3, v0;
	v5 =	vadd.s32 $0x4, v0;
	s24 =	simm.s32 $0x19B80;
	s25 =	simm.s32 $0x1AB80;
	s26 =	simm.s32 $0x1BB80  }
.LBB2_1:
0x13: {  	s8 =	rddreg [dreg:$0x5]  }
0x14: {  	[tilespmem:s6], [sflag:$0x3] =	stream.linear.gather [hbm4b:s8+s6], $0xC380, $0x38;
	[tilespmem:$0x1D380] =	vst v63  }
0x15: {  	s12 =	rddreg [dreg:$0x3]  }
0x16: {  	[tilespmem:s17], [sflag:$0x4] =	stream.linear.gather [hbm4b:s12+s6], $0xA00, $0x38;
	[tilespmem:$0x1D380] =	vst v63  }
0x17: {  	s9 =	rddreg [dreg:$0x6]  }
0x18: {  	[tilespmem:s18], [sflag:$0x1] =	stream.linear.gather [hbm4b:s9+s6], $0x7D0, $0x38;
	[tilespmem:$0x1D380] =	vst v63  }
0x19: {  	s10 =	rddreg [dreg:$0x7]  }
0x1a: {  	[tilespmem:s19], [sflag:$0x1] =	stream.linear.gather [hbm4b:s10+s6], $0x7D0, $0x38;
	[tilespmem:$0x1D380] =	vst v63  }
0x1b: {  	s11 =	rddreg [dreg:$0x8]  }
0x1c: {  	[tilespmem:s20], [sflag:$0x1] =	stream.linear.gather [hbm4b:s11+s6], $0x7D0, $0x38;
	[tilespmem:$0x1D380] =	vst v63  }
0x1d: {  	s8 =	simm.s32 $0x0;
	s12 =	rddreg [dreg:$0x9];
	s9 =	simm.s32 $0x100  }
0x1e: {  	[tilespmem:s21], [sflag:$0x1] =	stream.linear.gather [hbm4b:s12+s6], $0x7D0, $0x38;
	[tilespmem:$0x1D380] =	vst v63  }
.LBB2_2:
0x1f: {  	p0 =	sne.s32 s9, $0x30F00;
	[tilespmem:s8+$0xCFB0] =	vst v1;
	s10 =	smov.u32 s9;
	s9 =	sadd.s32 $0x100, s9  }
.Ltmp0:
0x20: {  	[tilespmem:s8+$0xCFA0] =	vst v1;
	(pc) =	sbr.rel @p0 .LBB2_2-.Ltmp0, $3  }
0x21: {  	[tilespmem:s8+$0xCF80] =	vst v1  }
0x22: {  	[tilespmem:s8+$0xCF90] =	vst v1;
	_ =	sdelay $0x1  }
0x23: {  	s8 =	sshra.s32 s10, $0x2  }
0x24: {  	s9 =	simm.s32 $0x0  }
0x25: {  	v6 =	vmov s9  }
0x26: {  	v6 =	vmul.u32 $0x5, v6;
	_ =	sdelay $0x1  }
0x27: {  	[tilespmem:s8+$0xCFB0] =	vst v1;
	v6 =	vbroadcast v6, $0x0  }
0x28: {  	[tilespmem:s8+$0xCFA0] =	vst v1  }
0x29: {  	[tilespmem:s8+$0xCF80] =	vst v1;
	v7 =	vadd.s32 v2, v6  }
0x2a: {  	[tilespmem:s8+$0xCF90] =	vst v1;
	v8 =	vadd.s32 v0, v6  }
0x2b: {  	_ =	swait.ge [sflag:s22], $0xA00  }
0x2c: {  	[sflag:s22] =	ssyncset.done $0x0;
	v9 =	vadd.s32 v3, v6  }
0x2d: {  	[sflag:s22] =	ssyncadd.s32 $0xFFFFF600  }
0x2e: {  	v10 =	vadd.s32 v4, v6;
	v7 =	vld.idx.msk [tilespmem:v7+s17+$0x0], $0xffff  }
0x2f: {  	v8 =	vld.idx.msk [tilespmem:v8+s17+$0x0], $0xffff  }
0x30: {  	v6 =	vadd.s32 v5, v6  }
0x31: {  	v9 =	vld.idx.msk [tilespmem:v9+s17+$0x0], $0xffff  }
0x32: {  	s11 =	simm.s32 $0x10  }
0x33: {  	v11 =	vmov s11;
	v10 =	vld.idx.msk [tilespmem:v10+s17+$0x0], $0xffff  }
0x34: {  	v11 =	vmul.u32 $0x5, v11;
	v7 =	vadd.f32 v7, v8  }
0x35: {  	v6 =	vld.idx.msk [tilespmem:v6+s17+$0x0], $0xffff  }
0x36: {  	v8 =	vbroadcast v11, $0x0;
	v7 =	vadd.f32 v9, v7;
	_ =	sdelay $0x1  }
0x37: {  	v9 =	vadd.s32 v2, v8;
	v7 =	vadd.f32 v10, v7  }
0x38: {  	v10 =	vadd.s32 v0, v8  }
0x39: {  	v6 =	vadd.f32 v6, v7  }
0x3a: {  	s8 =	simm.s32 $0xCD80;
	v7 =	vadd.s32 v3, v8  }
0x3b: {  	[tilespmem:s8+$0x0] =	vst v6  }
0x3c: {  	v6 =	vadd.s32 v4, v8;
	v11 =	vld.idx.msk [tilespmem:v9+s17+$0x0], $0xffff  }
0x3d: {  	v8 =	vadd.s32 v5, v8;
	v10 =	vld.idx.msk [tilespmem:v10+s17+$0x0], $0xffff;
	_ =	sdelay $0x1  }
0x3e: {  	v7 =	vld.idx.msk [tilespmem:v7+s17+$0x0], $0xffff  }
0x3f: {  	s12 =	simm.s32 $0x20  }
0x40: {  	v9 =	vmov s12;
	v6 =	vld.idx.msk [tilespmem:v6+s17+$0x0], $0xffff  }
0x41: {  	s9 =	simm.s32 $0x30;
	v9 =	vmul.u32 $0x5, v9;
	v8 =	vld.idx.msk [tilespmem:v8+s17+$0x0], $0xffff;
	v10 =	vadd.f32 v11, v10  }
.LBB2_4:
0x42: {  	p0 =	sne.s32 s9, $0x1F0  }
0x43: {  	v9 =	vbroadcast v9, $0x0;
	v7 =	vadd.f32 v7, v10;
	_ =	sdelay $0x1  }
0x44: {  	v10 =	vadd.s32 v2, v9;
	v6 =	vadd.f32 v6, v7  }
0x45: {  	v7 =	vadd.s32 v0, v9  }
0x46: {  	v6 =	vadd.f32 v8, v6  }
0x47: {  	s8 =	sadd.s32 $0x10, s8;
	v8 =	vadd.s32 v3, v9  }
0x48: {  	[tilespmem:s8+$0x0] =	vst v6  }
0x49: {  	v6 =	vadd.s32 v4, v9;
	v10 =	vld.idx.msk [tilespmem:v10+s17+$0x0], $0xffff  }
0x4a: {  	v11 =	vld.idx.msk [tilespmem:v7+s17+$0x0], $0xffff  }
0x4b: {  	v12 =	vadd.s32 v5, v9  }
.Ltmp1:
0x4c: {  	v7 =	vld.idx.msk [tilespmem:v8+s17+$0x0], $0xffff;
	(pc) =	sbr.rel @p0 .LBB2_4-.Ltmp1, $4  }
0x4d: {  	_ = 	snop  }
0x4e: {  	v6 =	vld.idx.msk [tilespmem:v6+s17+$0x0], $0xffff  }
0x4f: {  	v8 =	vmov s9  }
0x50: {  	s9 =	sadd.s32 $0x10, s9;
	v9 =	vmul.u32 $0x5, v8;
	v10 =	vadd.f32 v10, v11;
	v8 =	vld.idx.msk [tilespmem:v12+s17+$0x0], $0xffff  }
0x51: {  	_ = 	snop  }
0x52: {  	v9 =	vbroadcast v9, $0x0;
	v7 =	vadd.f32 v7, v10;
	_ =	sdelay $0x1  }
0x53: {  	v61 =	vadd.s32 v2, v9;
	v6 =	vadd.f32 v6, v7  }
0x54: {  	v7 =	vadd.s32 v0, v9  }
0x55: {  	v6 =	vadd.f32 v8, v6  }
0x56: {  	s8 =	sadd.s32 $0x10, s8;
	v62 =	vadd.s32 v3, v9  }
0x57: {  	[tilespmem:s8+$0x0] =	vst v6  }
0x58: {  	v63 =	vadd.s32 v4, v9;
	v6 =	vld.idx.msk [tilespmem:v61+s17+$0x0], $0xffff  }
0x59: {  	v7 =	vld.idx.msk [tilespmem:v7+s17+$0x0], $0xffff  }
0x5a: {  	v9 =	vadd.s32 v5, v9  }
0x5b: {  	v8 =	vld.idx.msk [tilespmem:v62+s17+$0x0], $0xffff;
	_ =	sdelay $0x1  }
0x5c: {  	v10 =	vld.idx.msk [tilespmem:v63+s17+$0x0], $0xffff  }
0x5d: {  	v6 =	vadd.f32 v6, v7  }
0x5e: {  	v7 =	vld.idx.msk [tilespmem:v9+s17+$0x0], $0xffff  }
0x5f: {  	v6 =	vadd.f32 v8, v6;
	_ =	sdelay $0x1  }
0x60: {  	v6 =	vadd.f32 v10, v6;
	_ =	sdelay $0x1  }
0x61: {  	v6 =	vadd.f32 v7, v6  }
0x62: {  	s8 =	sadd.s32 $0x10, s8  }
0x63: {  	[tilespmem:s8+$0x0] =	vst v6  }
0x64: {  	_ =	swait.ge [sflag:s23], $0xC380  }
0x65: {  	[sflag:s23] =	ssyncset.done $0x0  }
0x66: {  	s9 =	simm.s32 $0x0;
	s8 =	simm.s32 $0x0;
	[sflag:s23] =	ssyncadd.s32 $0xFFFF3C80  }
.LBB2_6:
0x67: {  	s10 =	smul.u32 $0xFA0, s9;
	_ =	sdelay $0x1  }
0x68: {  	s11 =	sadd.s32 s10, s13  }
0x69: {  	s11 =	sshrl.u32 s11, $0x3  }
0x6a: {  	s12 =	sadd.s32 s7, s11  }
0x6b: {  	[tilespmem:s24], [sflag:$0x2] =	stream.linear.gather [hbm4b:s12+s8], $0x7D0, $0x38;
	[tilespmem:$0x1D380] =	vst v63  }
0x6c: {  	s12 =	sadd.s32 s1, s11  }
0x6d: {  	[tilespmem:s25], [sflag:$0x2] =	stream.linear.gather [hbm4b:s12+s8], $0x7D0, $0x38;
	[tilespmem:$0x1D380] =	vst v63  }
0x6e: {  	s12 =	sadd.s32 s2, s11  }
0x6f: {  	[tilespmem:s26], [sflag:$0x2] =	stream.linear.gather [hbm4b:s12+s8], $0x7D0, $0x38;
	[tilespmem:$0x1D380] =	vst v63  }
0x70: {  	s11 =	sadd.s32 s3, s11  }
0x71: {  	[tilespmem:s28], [sflag:$0x2] =	stream.linear.gather [hbm4b:s11+s8], $0x7D0, $0x38;
	[tilespmem:$0x1D380] =	vst v63  }
0x72: {  	_ =	swait.ge [sflag:s29], $0x7D0  }
0x73: {  	[sflag:s29] =	ssyncset.done $0x0  }
0x74: {  	[sflag:s29] =	ssyncadd.s32 $0xFFFFF830  }
0x75: {  	_ =	swait.ge [sflag:s29], $0x7D0  }
0x76: {  	[sflag:s29] =	ssyncset.done $0x0  }
0x77: {  	[sflag:s29] =	ssyncadd.s32 $0xFFFFF830  }
0x78: {  	_ =	swait.ge [sflag:s29], $0x7D0  }
0x79: {  	[sflag:s29] =	ssyncset.done $0x0  }
0x7a: {  	[sflag:s29] =	ssyncadd.s32 $0xFFFFF830  }
0x7b: {  	_ =	swait.ge [sflag:s29], $0x7D0  }
0x7c: {  	[sflag:s29] =	ssyncset.done $0x0  }
0x7d: {  	s11 =	simm.s32 $0x0;
	[sflag:s29] =	ssyncadd.s32 $0xFFFFF830  }
.LBB2_7:
0x7e: {  	s12 =	sshra.s32 s11, $0x2  }
0x7f: {  	v6 =	vld [tilespmem:s12+$0x19380];
	_ =	sdelay $0x3  }
0x80: {  	v7 =	vld [tilespmem:s12+$0x1B380];
	_ =	sdelay $0x3  }
0x81: {  	v6 =	vld.idx.msk [tilespmem:v6+s6+$0x0], $0xffff;
	_ =	sdelay $0x1  }
0x82: {  	v8 =	vld [tilespmem:s12+$0x1C380]  }
0x83: {  	v9 =	vld [tilespmem:s12+$0x1A380]  }
0x84: {  	v7 =	vld.idx.msk [tilespmem:v7+s30+$0x0], $0xffff  }
0x85: {  	vm0 =	vgt.f32 v6, $0.0e+00;
	_ =	sdelay $0x1  }
0x86: {  	v6 =	vmul.f32 v6, v8;
	_ =	sdelay $0x1  }
0x87: {  	v6 =	vmul.f32 v7, v6;
	_ =	sdelay $0x1  }
0x88: {  	[tilespmem:v9+s31+$0x0] =	vst.idx.add.f32.msk vm0, v6  }
0x89: {  	v6 =	vld [tilespmem:s12+$0x19390];
	_ =	sdelay $0x3  }
0x8a: {  	v7 =	vld [tilespmem:s12+$0x1B390];
	_ =	sdelay $0x3  }
0x8b: {  	v6 =	vld.idx.msk [tilespmem:v6+s6+$0x0], $0xffff;
	_ =	sdelay $0x1  }
0x8c: {  	v60 =	vld [tilespmem:s12+$0x1C390]  }
0x8d: {  	v9 =	vld [tilespmem:s12+$0x1A390]  }
0x8e: {  	v7 =	vld.idx.msk [tilespmem:v7+s30+$0x0], $0xffff  }
0x8f: {  	vm12 =	vgt.f32 v6, $0.0e+00;
	_ =	sdelay $0x1  }
0x90: {  	v6 =	vmul.f32 v6, v60;
	_ =	sdelay $0x1  }
0x91: {  	v6 =	vmul.f32 v7, v6;
	_ =	sdelay $0x1  }
0x92: {  	[tilespmem:v9+s31+$0x0] =	vst.idx.add.f32.msk vm12, v6  }
0x93: {  	v6 =	vld [tilespmem:s12+$0x193A0];
	_ =	sdelay $0x3  }
0x94: {  	v7 =	vld [tilespmem:s12+$0x1B3A0];
	_ =	sdelay $0x3  }
0x95: {  	v6 =	vld.idx.msk [tilespmem:v6+s6+$0x0], $0xffff;
	_ =	sdelay $0x1  }
0x96: {  	v61 =	vld [tilespmem:s12+$0x1C3A0]  }
0x97: {  	v9 =	vld [tilespmem:s12+$0x1A3A0]  }
0x98: {  	v7 =	vld.idx.msk [tilespmem:v7+s30+$0x0], $0xffff  }
0x99: {  	vm13 =	vgt.f32 v6, $0.0e+00;
	_ =	sdelay $0x1  }
0x9a: {  	v6 =	vmul.f32 v6, v61;
	_ =	sdelay $0x1  }
0x9b: {  	v6 =	vmul.f32 v7, v6;
	_ =	sdelay $0x1  }
0x9c: {  	[tilespmem:v9+s31+$0x0] =	vst.idx.add.f32.msk vm13, v6  }
0x9d: {  	v6 =	vld [tilespmem:s12+$0x193B0];
	_ =	sdelay $0x3  }
0x9e: {  	v7 =	vld [tilespmem:s12+$0x1B3B0];
	_ =	sdelay $0x3  }
0x9f: {  	v6 =	vld.idx.msk [tilespmem:v6+s6+$0x0], $0xffff;
	_ =	sdelay $0x1  }
0xa0: {  	v62 =	vld [tilespmem:s12+$0x1C3B0]  }
0xa1: {  	v9 =	vld [tilespmem:s12+$0x1A3B0]  }
0xa2: {  	v7 =	vld.idx.msk [tilespmem:v7+s30+$0x0], $0xffff  }
0xa3: {  	vm14 =	vgt.f32 v6, $0.0e+00;
	_ =	sdelay $0x1  }
0xa4: {  	v6 =	vmul.f32 v6, v62;
	_ =	sdelay $0x1  }
0xa5: {  	v6 =	vmul.f32 v7, v6;
	_ =	sdelay $0x1  }
0xa6: {  	[tilespmem:v9+s31+$0x0] =	vst.idx.add.f32.msk vm14, v6  }
0xa7: {  	v6 =	vld [tilespmem:s12+$0x193C0];
	_ =	sdelay $0x3  }
0xa8: {  	v7 =	vld [tilespmem:s12+$0x1B3C0];
	_ =	sdelay $0x3  }
0xa9: {  	v6 =	vld.idx.msk [tilespmem:v6+s6+$0x0], $0xffff;
	_ =	sdelay $0x1  }
0xaa: {  	v63 =	vld [tilespmem:s12+$0x1C3C0]  }
0xab: {  	v9 =	vld [tilespmem:s12+$0x1A3C0]  }
0xac: {  	v7 =	vld.idx.msk [tilespmem:v7+s30+$0x0], $0xffff  }
0xad: {  	vm15 =	vgt.f32 v6, $0.0e+00  }
0xae: {  	p0 =	sne.s32 s11, $0x1E00  }
.Ltmp2:
0xaf: {  	v6 =	vmul.f32 v6, v63;
	(pc) =	sbr.rel @p0 .LBB2_7-.Ltmp2, $3  }
0xb0: {  	_ = 	snop  }
0xb1: {  	v6 =	vmul.f32 v7, v6;
	_ =	sdelay $0x1  }
0xb2: {  	s11 =	sadd.s32 $0x140, s11;
	[tilespmem:v9+s31+$0x0] =	vst.idx.add.f32.msk vm15, v6  }
0xb3: {  	s10 =	sadd.s32 s10, s14  }
0xb4: {  	s11 =	sshrl.u32 s10, $0x3  }
0xb5: {  	s10 =	simm.s32 $0x0;
	s12 =	sadd.s32 s7, s11  }
0xb6: {  	[tilespmem:s18], [sflag:$0x1] =	stream.linear.gather [hbm4b:s12+s10], $0x7D0, $0x38;
	[tilespmem:$0x1D380] =	vst v63  }
0xb7: {  	s12 =	sadd.s32 s1, s11  }
0xb8: {  	[tilespmem:s19], [sflag:$0x1] =	stream.linear.gather [hbm4b:s12+s10], $0x7D0, $0x38;
	[tilespmem:$0x1D380] =	vst v63  }
0xb9: {  	s12 =	sadd.s32 s2, s11  }
0xba: {  	[tilespmem:s20], [sflag:$0x1] =	stream.linear.gather [hbm4b:s12+s10], $0x7D0, $0x38;
	[tilespmem:$0x1D380] =	vst v63  }
0xbb: {  	s11 =	sadd.s32 s3, s11  }
0xbc: {  	[tilespmem:s21], [sflag:$0x1] =	stream.linear.gather [hbm4b:s11+s10], $0x7D0, $0x38;
	[tilespmem:$0x1D380] =	vst v63  }
0xbd: {  	_ =	swait.ge [sflag:s0], $0x7D0  }
0xbe: {  	[sflag:s0] =	ssyncset.done $0x0  }
0xbf: {  	[sflag:s0] =	ssyncadd.s32 $0xFFFFF830  }
0xc0: {  	_ =	swait.ge [sflag:s0], $0x7D0  }
0xc1: {  	[sflag:s0] =	ssyncset.done $0x0  }
0xc2: {  	[sflag:s0] =	ssyncadd.s32 $0xFFFFF830  }
0xc3: {  	_ =	swait.ge [sflag:s0], $0x7D0  }
0xc4: {  	[sflag:s0] =	ssyncset.done $0x0  }
0xc5: {  	[sflag:s0] =	ssyncadd.s32 $0xFFFFF830  }
0xc6: {  	_ =	swait.ge [sflag:s0], $0x7D0  }
0xc7: {  	[sflag:s0] =	ssyncset.done $0x0  }
0xc8: {  	[sflag:s0] =	ssyncadd.s32 $0xFFFFF830  }
.LBB2_9:
0xc9: {  	s11 =	sshra.s32 s10, $0x2  }
0xca: {  	v6 =	vld [tilespmem:s11+$0x19B80];
	_ =	sdelay $0x3  }
0xcb: {  	v7 =	vld [tilespmem:s11+$0x1BB80];
	_ =	sdelay $0x3  }
0xcc: {  	v6 =	vld.idx.msk [tilespmem:v6+s6+$0x0], $0xffff;
	_ =	sdelay $0x1  }
0xcd: {  	v8 =	vld [tilespmem:s11+$0x1CB80]  }
0xce: {  	v9 =	vld [tilespmem:s11+$0x1AB80]  }
0xcf: {  	v7 =	vld.idx.msk [tilespmem:v7+s30+$0x0], $0xffff  }
0xd0: {  	vm0 =	vgt.f32 v6, $0.0e+00;
	_ =	sdelay $0x1  }
0xd1: {  	v6 =	vmul.f32 v6, v8;
	_ =	sdelay $0x1  }
0xd2: {  	v6 =	vmul.f32 v7, v6;
	_ =	sdelay $0x1  }
0xd3: {  	[tilespmem:v9+s31+$0x0] =	vst.idx.add.f32.msk vm0, v6  }
0xd4: {  	v6 =	vld [tilespmem:s11+$0x19B90];
	_ =	sdelay $0x3  }
0xd5: {  	v7 =	vld [tilespmem:s11+$0x1BB90];
	_ =	sdelay $0x3  }
0xd6: {  	v6 =	vld.idx.msk [tilespmem:v6+s6+$0x0], $0xffff;
	_ =	sdelay $0x1  }
0xd7: {  	v60 =	vld [tilespmem:s11+$0x1CB90]  }
0xd8: {  	v9 =	vld [tilespmem:s11+$0x1AB90]  }
0xd9: {  	v7 =	vld.idx.msk [tilespmem:v7+s30+$0x0], $0xffff  }
0xda: {  	vm12 =	vgt.f32 v6, $0.0e+00;
	_ =	sdelay $0x1  }
0xdb: {  	v6 =	vmul.f32 v6, v60;
	_ =	sdelay $0x1  }
0xdc: {  	v6 =	vmul.f32 v7, v6;
	_ =	sdelay $0x1  }
0xdd: {  	[tilespmem:v9+s31+$0x0] =	vst.idx.add.f32.msk vm12, v6  }
0xde: {  	v6 =	vld [tilespmem:s11+$0x19BA0];
	_ =	sdelay $0x3  }
0xdf: {  	v7 =	vld [tilespmem:s11+$0x1BBA0];
	_ =	sdelay $0x3  }
0xe0: {  	v6 =	vld.idx.msk [tilespmem:v6+s6+$0x0], $0xffff;
	_ =	sdelay $0x1  }
0xe1: {  	v61 =	vld [tilespmem:s11+$0x1CBA0]  }
0xe2: {  	v9 =	vld [tilespmem:s11+$0x1ABA0]  }
0xe3: {  	v7 =	vld.idx.msk [tilespmem:v7+s30+$0x0], $0xffff  }
0xe4: {  	vm13 =	vgt.f32 v6, $0.0e+00;
	_ =	sdelay $0x1  }
0xe5: {  	v6 =	vmul.f32 v6, v61;
	_ =	sdelay $0x1  }
0xe6: {  	v6 =	vmul.f32 v7, v6;
	_ =	sdelay $0x1  }
0xe7: {  	[tilespmem:v9+s31+$0x0] =	vst.idx.add.f32.msk vm13, v6  }
0xe8: {  	v6 =	vld [tilespmem:s11+$0x19BB0];
	_ =	sdelay $0x3  }
0xe9: {  	v7 =	vld [tilespmem:s11+$0x1BBB0];
	_ =	sdelay $0x3  }
0xea: {  	v6 =	vld.idx.msk [tilespmem:v6+s6+$0x0], $0xffff;
	_ =	sdelay $0x1  }
0xeb: {  	v62 =	vld [tilespmem:s11+$0x1CBB0]  }
0xec: {  	v9 =	vld [tilespmem:s11+$0x1ABB0]  }
0xed: {  	v7 =	vld.idx.msk [tilespmem:v7+s30+$0x0], $0xffff  }
0xee: {  	vm14 =	vgt.f32 v6, $0.0e+00;
	_ =	sdelay $0x1  }
0xef: {  	v6 =	vmul.f32 v6, v62;
	_ =	sdelay $0x1  }
0xf0: {  	v6 =	vmul.f32 v7, v6;
	_ =	sdelay $0x1  }
0xf1: {  	[tilespmem:v9+s31+$0x0] =	vst.idx.add.f32.msk vm14, v6  }
0xf2: {  	v6 =	vld [tilespmem:s11+$0x19BC0];
	_ =	sdelay $0x3  }
0xf3: {  	v7 =	vld [tilespmem:s11+$0x1BBC0];
	_ =	sdelay $0x3  }
0xf4: {  	v6 =	vld.idx.msk [tilespmem:v6+s6+$0x0], $0xffff;
	_ =	sdelay $0x1  }
0xf5: {  	v63 =	vld [tilespmem:s11+$0x1CBC0]  }
0xf6: {  	v9 =	vld [tilespmem:s11+$0x1ABC0]  }
0xf7: {  	v7 =	vld.idx.msk [tilespmem:v7+s30+$0x0], $0xffff  }
0xf8: {  	vm15 =	vgt.f32 v6, $0.0e+00  }
0xf9: {  	p0 =	sne.s32 s10, $0x1E00  }
.Ltmp3:
0xfa: {  	v6 =	vmul.f32 v6, v63;
	(pc) =	sbr.rel @p0 .LBB2_9-.Ltmp3, $3  }
0xfb: {  	_ = 	snop  }
0xfc: {  	v6 =	vmul.f32 v7, v6;
	_ =	sdelay $0x1  }
0xfd: {  	s10 =	sadd.s32 $0x140, s10;
	[tilespmem:v9+s31+$0x0] =	vst.idx.add.f32.msk vm15, v6  }
0xfe: {  	s9 =	sadd.s32 $0x1, s9  }
0xff: {  	p0 =	sne.s32 s9, $0xC  }
.Ltmp4:
0x100: {  	_ = 	snop;
	(pc) =	sbr.rel @p0 .LBB2_6-.Ltmp4, $1  }
0x101: {  	_ =	sdelay $0x3  }
0x102: {  	_ =	swait.ge [sflag:s29], $0x7D0  }
0x103: {  	[sflag:s29] =	ssyncset.done $0x0  }
0x104: {  	[sflag:s29] =	ssyncadd.s32 $0xFFFFF830  }
0x105: {  	_ =	swait.ge [sflag:s29], $0x7D0  }
0x106: {  	[sflag:s29] =	ssyncset.done $0x0  }
0x107: {  	[sflag:s29] =	ssyncadd.s32 $0xFFFFF830  }
0x108: {  	_ =	swait.ge [sflag:s29], $0x7D0  }
0x109: {  	[sflag:s29] =	ssyncset.done $0x0  }
0x10a: {  	[sflag:s29] =	ssyncadd.s32 $0xFFFFF830  }
0x10b: {  	_ =	swait.ge [sflag:s29], $0x7D0  }
0x10c: {  	[sflag:s29] =	ssyncset.done $0x0  }
0x10d: {  	s8 =	simm.s32 $0x0;
	[sflag:s29] =	ssyncadd.s32 $0xFFFFF830  }
.LBB2_12:
0x10e: {  	s9 =	sshra.s32 s8, $0x2  }
0x10f: {  	v6 =	vld [tilespmem:s9+$0x19380];
	_ =	sdelay $0x3  }
0x110: {  	v7 =	vld [tilespmem:s9+$0x1B380];
	_ =	sdelay $0x3  }
0x111: {  	v6 =	vld.idx.msk [tilespmem:v6+s6+$0x0], $0xffff;
	_ =	sdelay $0x1  }
0x112: {  	v8 =	vld [tilespmem:s9+$0x1C380]  }
0x113: {  	v9 =	vld [tilespmem:s9+$0x1A380]  }
0x114: {  	v7 =	vld.idx.msk [tilespmem:v7+s30+$0x0], $0xffff  }
0x115: {  	vm0 =	vgt.f32 v6, $0.0e+00;
	_ =	sdelay $0x1  }
0x116: {  	v6 =	vmul.f32 v6, v8;
	_ =	sdelay $0x1  }
0x117: {  	v6 =	vmul.f32 v7, v6;
	_ =	sdelay $0x1  }
0x118: {  	[tilespmem:v9+s31+$0x0] =	vst.idx.add.f32.msk vm0, v6  }
0x119: {  	v6 =	vld [tilespmem:s9+$0x19390];
	_ =	sdelay $0x3  }
0x11a: {  	v7 =	vld [tilespmem:s9+$0x1B390];
	_ =	sdelay $0x3  }
0x11b: {  	v6 =	vld.idx.msk [tilespmem:v6+s6+$0x0], $0xffff;
	_ =	sdelay $0x1  }
0x11c: {  	v60 =	vld [tilespmem:s9+$0x1C390]  }
0x11d: {  	v9 =	vld [tilespmem:s9+$0x1A390]  }
0x11e: {  	v7 =	vld.idx.msk [tilespmem:v7+s30+$0x0], $0xffff  }
0x11f: {  	vm12 =	vgt.f32 v6, $0.0e+00;
	_ =	sdelay $0x1  }
0x120: {  	v6 =	vmul.f32 v6, v60;
	_ =	sdelay $0x1  }
0x121: {  	v6 =	vmul.f32 v7, v6;
	_ =	sdelay $0x1  }
0x122: {  	[tilespmem:v9+s31+$0x0] =	vst.idx.add.f32.msk vm12, v6  }
0x123: {  	v6 =	vld [tilespmem:s9+$0x193A0];
	_ =	sdelay $0x3  }
0x124: {  	v7 =	vld [tilespmem:s9+$0x1B3A0];
	_ =	sdelay $0x3  }
0x125: {  	v6 =	vld.idx.msk [tilespmem:v6+s6+$0x0], $0xffff;
	_ =	sdelay $0x1  }
0x126: {  	v61 =	vld [tilespmem:s9+$0x1C3A0]  }
0x127: {  	v9 =	vld [tilespmem:s9+$0x1A3A0]  }
0x128: {  	v7 =	vld.idx.msk [tilespmem:v7+s30+$0x0], $0xffff  }
0x129: {  	vm13 =	vgt.f32 v6, $0.0e+00;
	_ =	sdelay $0x1  }
0x12a: {  	v6 =	vmul.f32 v6, v61;
	_ =	sdelay $0x1  }
0x12b: {  	v6 =	vmul.f32 v7, v6;
	_ =	sdelay $0x1  }
0x12c: {  	[tilespmem:v9+s31+$0x0] =	vst.idx.add.f32.msk vm13, v6  }
0x12d: {  	v6 =	vld [tilespmem:s9+$0x193B0];
	_ =	sdelay $0x3  }
0x12e: {  	v7 =	vld [tilespmem:s9+$0x1B3B0];
	_ =	sdelay $0x3  }
0x12f: {  	v6 =	vld.idx.msk [tilespmem:v6+s6+$0x0], $0xffff;
	_ =	sdelay $0x1  }
0x130: {  	v62 =	vld [tilespmem:s9+$0x1C3B0]  }
0x131: {  	v9 =	vld [tilespmem:s9+$0x1A3B0]  }
0x132: {  	v7 =	vld.idx.msk [tilespmem:v7+s30+$0x0], $0xffff  }
0x133: {  	vm14 =	vgt.f32 v6, $0.0e+00;
	_ =	sdelay $0x1  }
0x134: {  	v6 =	vmul.f32 v6, v62;
	_ =	sdelay $0x1  }
0x135: {  	v6 =	vmul.f32 v7, v6;
	_ =	sdelay $0x1  }
0x136: {  	[tilespmem:v9+s31+$0x0] =	vst.idx.add.f32.msk vm14, v6  }
0x137: {  	v6 =	vld [tilespmem:s9+$0x193C0];
	_ =	sdelay $0x3  }
0x138: {  	v7 =	vld [tilespmem:s9+$0x1B3C0];
	_ =	sdelay $0x3  }
0x139: {  	v6 =	vld.idx.msk [tilespmem:v6+s6+$0x0], $0xffff;
	_ =	sdelay $0x1  }
0x13a: {  	v63 =	vld [tilespmem:s9+$0x1C3C0]  }
0x13b: {  	v9 =	vld [tilespmem:s9+$0x1A3C0]  }
0x13c: {  	v7 =	vld.idx.msk [tilespmem:v7+s30+$0x0], $0xffff  }
0x13d: {  	vm15 =	vgt.f32 v6, $0.0e+00  }
0x13e: {  	p0 =	sne.s32 s8, $0x1E00  }
.Ltmp5:
0x13f: {  	v6 =	vmul.f32 v6, v63;
	(pc) =	sbr.rel @p0 .LBB2_12-.Ltmp5, $3  }
0x140: {  	_ = 	snop  }
0x141: {  	v6 =	vmul.f32 v7, v6;
	_ =	sdelay $0x1  }
0x142: {  	s8 =	sadd.s32 $0x140, s8;
	[tilespmem:v9+s31+$0x0] =	vst.idx.add.f32.msk vm15, v6  }
0x143: {  	s4 =	sadd.s32 $0x1, s4  }
0x144: {  	p0 =	sne.s32 s4, s16  }
.Ltmp6:
0x145: {  	_ = 	snop;
	(pc) =	sbr.rel @p0 .LBB2_1-.Ltmp6, $4  }
0x146: {  	[hbm4b:s15+s6] =	stream.linear.scatter [tilespmem:s31], [sflag:$0x5], $0xC400, $0x38;
	[tilespmem:$0x1D380] =	vst v63  }
0x147: {  	_ =	swait.ge [sflag:s5], $0xC400  }
0x148: {  	[sflag:s5] =	ssyncset.done $0x0  }
0x149: {  	[sflag:s5] =	ssyncadd.s32 $0xFFFF3C00  }
0x14a: {  	_ =	sfence.sel $0x180000  }
0x14b: {  	[bflag:$0x0] =	sbarrier.arrive $0xFFFF  }
0x14c: {  	_ =	strace $0x90000047  }
0x14d: {  	s0 =	stileid.u32;
	[bflag:$0x2] =	sbarrier.arrive $0xFFFF  }
0x14e: {  	p0 =	sne.s32 s0, $0x0;
	s0 =	rddreg [dreg:$0x4]  }
0x14f: {  	s0 =	sadd.s32 @!p0 $0x100000, s0  }
0x150: {  	[sflag:s0] =	ssyncadd.tile.s32 @!p0 $0x1;
	_ =	shalt  }
.Lfunc_end2:
_tile_overlayer_lowered:
.L_overlay_start_2:
0x151: {  	(tag) =	ssettag $0x2  }
0x152: {  	s0 =	rddreg [dreg:$0x0];
	s2 =	stileid.u32  }
0x153: {  	s1 =	rddreg [dreg:$0x1];
	p0 =	sne.s32 s2, $0x0  }
0x154: {  	s3 =	rddreg [dreg:$0x2];
	[bflag:$0x3] =	sbarrier.arrive $0xFFFF;
	s2 =	simm.s32 @!p0 $0x1C05  }
0x155: {  	[timem:s3], [sflag:s2] =	dma.local @!p0 [hbm:s0], s1  }
0x156: {  	s0 =	simm.s32 @!p0 $0x5  }
0x157: {  	_ =	swait.ge @!p0 [sflag:s0], s1  }
0x158: {  	s1 =	ssub.s32 @!p0 $0x0, s1;
	[sflag:s0] =	ssyncset.done @!p0 $0x0  }
0x159: {  	[sflag:s0] =	ssyncadd.s32 @!p0 s1  }
0x15a: {  	[bflag:$0x3] =	sbarrier.arrive $0xFFFF  }
0x15b: {  	_ =	shalt  }

// kernel: kernel.7.cloned.1.call-start
scs
__scs_entry_jumppad:
0x0: {  	(pc) =	sbr.rel $0x88, $3  }
0x1: {  	(tag) =	ssettag $0x0;
	lr =	simm.s32 $0x1  }
0x2: {  	[smem:$0x3F97] =	sst lr;
	_ =	strace $0xD0000000  }
0x3: {  	_ = 	snop  }
0x4: {  	_ = 	snop  }
0x5: {  	_ = 	snop  }
0x6: {  	_ = 	snop  }
0x7: {  	_ = 	snop  }
__scs_overlays_trampoline_lowered:
0x8: {  	[smem:$0x3FA6] =	sst s0  }
0x9: {  	[smem:$0x3FA7] =	sst s1  }
0xa: {  	[smem:$0x3FA8] =	sst s2  }
0xb: {  	[smem:$0x3FA9] =	sst s3  }
0xc: {  	[smem:$0x3FAA] =	sst s4  }
0xd: {  	[smem:$0x3FAB] =	sst s5  }
0xe: {  	[smem:$0x3FAC] =	sst s6  }
0xf: {  	[smem:$0x3FAD] =	sst s7  }
0x10: {  	[smem:$0x3FAE] =	sst s8  }
0x11: {  	[smem:$0x3FAF] =	sst s9;
	s0 =	simm.s32 @!p0 $0x0  }
0x12: {  	s1 =	sld [smem:$0x3F95];
	s0 =	simm.s32 @p0 $0x1  }
0x13: {  	[smem:$0x3FB0] =	sst s0;
	s0 =	simm.s32 @!p1 $0x0  }
0x14: {  	s2 =	sld [smem:$0x3F94];
	s0 =	simm.s32 @p1 $0x1  }
0x15: {  	[smem:$0x3FB1] =	sst s0;
	s0 =	simm.s32 @!p2 $0x0  }
0x16: {  	s3 =	sld [smem:$0x3FDB];
	s0 =	simm.s32 @p2 $0x1  }
0x17: {  	s4 =	simm.s32 $0x1BF5;
	[smem:$0x3FB3] =	sst s0  }
0x18: {  	s0 =	sld [smem:$0x3F96];
	_ =	swait.ge [sflag:s4], $0x0  }
0x19: {  	s7 =	sld [smem:$0x3F97]  }
0x1a: {  	s8 =	sadd.s32 $0xFFFFE003, lr  }
0x1b: {  	s9 =	sadd.s32 $0xFFFFFEF7, lr;
	s5 =	simm.s32 $0xFFFFFFFF;
	p2 =	slt.u32 s8, $0xFFFFF086  }
0x1c: {  	p1 =	slt.u32 s9, $0xF7A;
	s5 =	simm.s32 @!p2 $0x0  }
0x1d: {  	s5 =	simm.s32 @p1 $0x1;
	p0 =	seq.s32 s7, s2  }
0x1e: {  	s7 =	smul.u32 @!p0 $0xF7A, s2;
	p2 =	seq.s32 @!p0 s5, $0x0  }
0x1f: {  	s9 =	smul.u32 $0xF7A, s1;
	s8 =	simm.s32 @!p0 $0x1BF5;
	p2 =	por !p2, p0  }
0x20: {  	[sflag:s8] =	ssyncset.s32 @!p0 $0xFFFFF086;
	s6 =	sadd.s32 @!p0 s3, s7;
	s7 =	simm.s32 @!p0 $0x108  }
0x21: {  	s3 =	sadd.s32 s3, s9;
	s6 =	sadd.s32 @!p0 $0x88, s6;
	s7 =	simm.s32 @p2 $0x1082  }
0x22: {  	[simem:s7], [sflag:s8] =	dma.local @!p0 [hbm:s6], $0xF7A  }
0x23: {  	s9 =	sor.u32 $0xD0000000, s2;
	s6 =	simm.s32 $0x108;
	_ =	swait.ge @!p0 [sflag:s8], $0x0  }
0x24: {  	s3 =	sadd.s32 $0x88, s3;
	s6 =	simm.s32 @!p1 $0x1082;
	[sflag:s4] =	ssyncset.s32 $0xFFFFF086  }
0x25: {  	[simem:s6], [sflag:s4] =	dma.local [hbm:s3], $0xF7A  }
0x26: {  	[smem:$0x3F97] =	sst s1;
	(tag) =	ssettag s2;
	_ =	strace s9  }
0x27: {  	s1 =	sld [smem:$0x3FA7]  }
0x28: {  	s2 =	sld [smem:$0x3FA8]  }
0x29: {  	s4 =	sld [smem:$0x3FAA]  }
0x2a: {  	p0 =	seq.s32 s5, $0x0;
	s5 =	sld [smem:$0x3FAB]  }
0x2b: {  	s6 =	sld [smem:$0x3FAC]  }
0x2c: {  	s7 =	sld [smem:$0x3FAD]  }
0x2d: {  	s3 =	simm.s32 $0x108;
	s8 =	sld [smem:$0x3FAE]  }
0x2e: {  	s3 =	simm.s32 @!p0 $0x1082;
	s9 =	sld [smem:$0x3FAF]  }
0x2f: {  	lr =	sadd.s32 s0, s3;
	s0 =	sld [smem:$0x3FA6]  }
0x30: {  	s3 =	sld [smem:$0x3FA9]  }
0x31: {  	[smem:$0x3FB2] =	sst s10  }
0x32: {  	s10 =	sld [smem:$0x3FB0];
	_ =	sdelay $0x3  }
0x33: {  	p0 =	seq.s32 s10, $0x1;
	s10 =	sld [smem:$0x3FB2];
	_ =	sdelay $0x3  }
0x34: {  	[smem:$0x3FB2] =	sst s10  }
0x35: {  	s10 =	sld [smem:$0x3FB1];
	_ =	sdelay $0x3  }
0x36: {  	p1 =	seq.s32 s10, $0x1;
	s10 =	sld [smem:$0x3FB2];
	_ =	sdelay $0x3  }
0x37: {  	[smem:$0x3FB2] =	sst s10  }
0x38: {  	s10 =	sld [smem:$0x3FB3]  }
0x39: {  	_ = 	snop;
	(pc) =	sbr.ind lr, $3  }
0x3a: {  	_ = 	snop  }
0x3b: {  	_ = 	snop  }
0x3c: {  	p2 =	seq.s32 s10, $0x1;
	s10 =	sld [smem:$0x3FB2]  }
0x3d: {  	_ =	shalt  }
0x3e: {  	_ =	shalt  }
0x3f: {  	_ =	shalt  }
0x40: {  	_ =	shalt  }
0x41: {  	_ =	shalt  }
0x42: {  	_ =	shalt  }
0x43: {  	_ =	shalt  }
0x44: {  	_ =	shalt  }
0x45: {  	_ =	shalt  }
0x46: {  	_ =	shalt  }
0x47: {  	_ =	shalt  }
0x48: {  	_ =	shalt  }
0x49: {  	_ =	shalt  }
0x4a: {  	_ =	shalt  }
0x4b: {  	_ =	shalt  }
0x4c: {  	_ =	shalt  }
0x4d: {  	_ =	shalt  }
0x4e: {  	_ =	shalt  }
0x4f: {  	_ =	shalt  }
0x50: {  	_ =	shalt  }
0x51: {  	_ =	shalt  }
0x52: {  	_ =	shalt  }
0x53: {  	_ =	shalt  }
0x54: {  	_ =	shalt  }
0x55: {  	_ =	shalt  }
0x56: {  	_ =	shalt  }
0x57: {  	_ =	shalt  }
0x58: {  	_ =	shalt  }
0x59: {  	_ =	shalt  }
0x5a: {  	_ =	shalt  }
0x5b: {  	_ =	shalt  }
0x5c: {  	_ =	shalt  }
0x5d: {  	_ =	shalt  }
0x5e: {  	_ =	shalt  }
0x5f: {  	_ =	shalt  }
0x60: {  	_ =	shalt  }
0x61: {  	_ =	shalt  }
0x62: {  	_ =	shalt  }
0x63: {  	_ =	shalt  }
0x64: {  	_ =	shalt  }
0x65: {  	_ =	shalt  }
0x66: {  	_ =	shalt  }
0x67: {  	_ =	shalt  }
0x68: {  	_ =	shalt  }
0x69: {  	_ =	shalt  }
0x6a: {  	_ =	shalt  }
0x6b: {  	_ =	shalt  }
0x6c: {  	_ =	shalt  }
0x6d: {  	_ =	shalt  }
0x6e: {  	_ =	shalt  }
0x6f: {  	_ =	shalt  }
0x70: {  	_ =	shalt  }
0x71: {  	_ =	shalt  }
0x72: {  	_ =	shalt  }
0x73: {  	_ =	shalt  }
0x74: {  	_ =	shalt  }
0x75: {  	_ =	shalt  }
0x76: {  	_ =	shalt  }
0x77: {  	_ =	shalt  }
0x78: {  	_ =	shalt  }
0x79: {  	_ =	shalt  }
0x7a: {  	_ =	shalt  }
0x7b: {  	_ =	shalt  }
0x7c: {  	_ =	shalt  }
0x7d: {  	_ =	shalt  }
0x7e: {  	_ =	shalt  }
0x7f: {  	_ =	shalt  }
0x80: {  	_ =	shalt  }
0x81: {  	_ =	shalt  }
0x82: {  	_ =	shalt  }
0x83: {  	_ =	shalt  }
0x84: {  	_ =	shalt  }
0x85: {  	_ =	shalt  }
0x86: {  	_ =	shalt  }
0x87: {  	_ =	shalt  }
.Lfunc_end0:
.L_simem_size_0:
called_computation.1_lowered:
.L_overlay_start_0:
0x88: {  	s2 =	sld [smem:$0x3FD9]  }
0x89: {  	s3 =	sld [smem:$0x3FFE];
	_ =	sdelay $0x1  }
0x8a: {  	s1 =	srdreg.scid  }
0x8b: {  	s0 =	sand.u32 $0x1, s1  }
0x8c: {  	s17 =	sshll.u32 s0, $0xA;
	s2 =	sadd.s32 s3, s2  }
0x8d: {  	s2 =	sadd.s32 s2, s17  }
0x8e: {  	[smem:$0x3FBE] =	sst s2  }
0x8f: {  	_ = 	snop  }
0x90: {  	s2 =	sld [smem:$0x3FC3]  }
0x91: {  	s18 =	sld [smem:$0x3FC2]  }
0x92: {  	s4 =	sld [smem:$0x3FC1]  }
0x93: {  	s5 =	sld [smem:$0x3FC0];
	(tm) =	ssettm $0x1  }
0x94: {  	s6 =	sld [smem:$0x3FFB];
	_ =	sdelay $0x3  }
0x95: {  	_ =	strace s6  }
0x96: {  	s6 =	sld [smem:$0x3FFC];
	_ =	sdelay $0x3  }
0x97: {  	_ =	strace s6  }
0x98: {  	s6 =	sld [smem:$0x3FFD];
	_ =	sdelay $0x3  }
0x99: {  	_ =	strace s6  }
0x9a: {  	_ =	strace $0x8FFFFFFF  }
0x9b: {  	s19 =	sld [smem:$0x3FDB];
	_ =	sdelay $0x1  }
0x9c: {  	s7 =	simm.s32 $_scs_section_size  }
0x9d: {  	s8 =	simm.s32 $_size__tile_overlayer_lowered;
	s9 =	simm.s32 $_tile_overlayer_lowered  }
0x9e: {  	s22 =	simm.s32 $0x1BFF;
	s21 =	sshll.u32 s9, $0x1;
	s6 =	sadd.s32 s7, s19  }
0x9f: {  	s10 =	simm.s32 $0x0;
	s20 =	sshll.u32 s8, $0x1;
	s8 =	sadd.s32 s21, s6  }
0xa0: {  	[timem:s10], [sflag:s22] =	dma.local [hbm:s8], s20  }
0xa1: {  	_ =	swait.ge [sflag:s22], s20  }
0xa2: {  	s7 =	ssub.s32 $0x0, s20;
	[sflag:s22] =	ssyncset.done $0x0  }
0xa3: {  	[sflag:s22] =	ssyncadd.s32 s7;
	_ =	sdelay $0x1  }
0xa4: {  	s23 =	simm.s32 $0x1B8B  }
0xa5: {  	_ =	swait.ge [sflag:s23], $0x1  }
0xa6: {  	[sflag:s23] =	ssyncset.done $0x0  }
0xa7: {  	s25 =	simm.s32 $0x1B8E;
	s24 =	sld [smem:$0x3FFE];
	[sflag:s23] =	ssyncadd.s32 $0xFFFFFFFF  }
0xa8: {  	s26 =	simm.s32 $execute0_lowered;
	[smem:$0x3FD2] =	sst s25  }
0xa9: {  	s8 =	sshll.u32 s26, $0x1;
	_ =	strace $0x80000049;
	[dreg:$0x1] =	wrdreg $0xFFFFFFFF  }
0xaa: {  	s28 =	simm.s32 $_size_execute0_lowered;
	s6 =	sadd.s32 s6, s8;
	[dreg:$0x0] =	wrdreg $0x0  }
0xab: {  	s8 =	sshll.u32 s28, $0x1;
	[dreg:$0x2] =	wrdreg s6  }
0xac: {  	[dreg:$0x3] =	wrdreg s8  }
0xad: {  	[dreg:$0x4] =	wrdreg $0xC0  }
0xae: {  	_ =	task [dreg:s10], $0x5FFFF  }
0xaf: {  	[dreg:$0x1] =	wrdreg $0xFFFFFFFF  }
0xb0: {  	[dreg:$0x0] =	wrdreg $0x60  }
0xb1: {  	[dreg:$0x2] =	wrdreg s24  }
0xb2: {  	[dreg:$0x3] =	wrdreg s2  }
0xb3: {  	[dreg:$0x4] =	wrdreg s18  }
0xb4: {  	[dreg:$0x5] =	wrdreg s4  }
0xb5: {  	[dreg:$0x6] =	wrdreg s5  }
0xb6: {  	[dreg:$0x7] =	wrdreg $0x9  }
0xb7: {  	_ =	task.clear_ibuf [dreg:s10], $0x8FFFF;
	_ =	strace $0x90000049  }
0xb8: {  	s29 =	simm.s32 $0x9;
	_ =	strace $0x8000004B  }
0xb9: {  	_ =	swait.ge [sflag:s29], $0x1  }
0xba: {  	[sflag:s29] =	ssyncadd.s32 $0xFFFFFFFF  }
0xbb: {  	_ =	strace $0x9000004B  }
0xbc: {  	_ =	sfence  }
0xbd: {  	s30 =	sld [smem:$0x0];
	_ =	sdelay $0x2  }
0xbe: {  	s31 =	sshll.u32 s1, $0xD;
	s1 =	sshrl.u32 s1, $0x2  }
0xbf: {  	s3 =	sand.u32 $0x4000, s31;
	s1 =	sadd.s32 s1, s30  }
0xc0: {  	s0 =	sor.u32 s3, s0;
	s1 =	sshll.u32 s1, $0x11  }
0xc1: {  	s0 =	sor.u32 s1, s0  }
0xc2: {  	s0 =	sadd.s32 $0x8F2B, s0  }
0xc3: {  	[sflag:s0] =	ssyncadd.remote.s32 $0x1  }
0xc4: {  	_ =	sfence.sel $0xFFFF  }
0xc5: {  	[dreg:$0x0] =	wrdreg $0xFFFFFFFF;
	(pc) =	sbr.abs _section_cstart, $3  }
0xc6: {  	[dreg:$0x1] =	wrdreg $0xFFFFFFFF  }
0xc7: {  	_ =	task.clear_ibuf [dreg:s10], $0x2FFFF;
	_ =	strace $0x9FFFFFFF  }
0xc8: {  	(tm) =	ssettm $0x7FFFFFFF  }
0xc9: {  	_ =	shalt  }
tec
execute0_lowered:
.L_overlay_start_1:
0x0: {  	(tag) =	ssettag $0x1  }
0x1: {  	s1 =	srdreg.scid  }
0x2: {  	s0 =	rddreg [dreg:$0x0];
	s1 =	sand.u32 $0x1, s1  }
0x3: {  	s4 =	rddreg [dreg:$0x1];
	s3 =	stileid.u32;
	s2 =	sshll.u32 s1, $0x4  }
0x4: {  	s5 =	rddreg [dreg:$0x2];
	s7 =	sor.u32 s3, s2  }
0x5: {  	s6 =	rddreg [dreg:$0x3];
	s1 =	ssub.s32 $0x2, s1;
	s3 =	smul.u32 $0x620, s7  }
0x6: {  	s8 =	rddreg [dreg:$0x4];
	s10 =	sshrl.u32 s1, $0x1  }
0x7: {  	s2 =	simm.s32 $0x0;
	s26 =	ssub.s32 s1, s10;
	s9 =	sshrl.u32 s3, $0x3  }
0x8: {  	[smem:$0x7FF] =	sst s2;
	s3 =	sadd.s32 s0, s9;
	s0 =	smax.u32 s26, $0x1  }
0x9: {  	_ =	strace $0x8000004A;
	s28 =	sadd.s32 $0x63600, s3;
	[dreg:$0x17] =	wrdreg s0  }
0xa: {  	s10 =	sadd.s32 $0x64E80, s3;
	[dreg:$0x6] =	wrdreg s28  }
0xb: {  	s11 =	sadd.s32 $0x66700, s3;
	[dreg:$0x7] =	wrdreg s10  }
0xc: {  	s12 =	sadd.s32 $0x67F80, s3;
	[dreg:$0x8] =	wrdreg s11  }
0xd: {  	s13 =	sadd.s32 $0x69800, s3;
	[dreg:$0x9] =	wrdreg s12  }
0xe: {  	s14 =	sadd.s32 $0x6B080, s3;
	[dreg:$0xa] =	wrdreg s13  }
0xf: {  	s15 =	sadd.s32 $0x6C900, s3;
	[dreg:$0xb] =	wrdreg s14  }
0x10: {  	s16 =	sadd.s32 $0x6E180, s3;
	[dreg:$0xc] =	wrdreg s15  }
0x11: {  	p0 =	sne.s32 s7, $0x1F;
	s17 =	sadd.s32 $0x6FA00, s3;
	[dreg:$0xd] =	wrdreg s16  }
0x12: {  	s18 =	sadd.s32 $0x71280, s3;
	s19 =	sadd.s32 $0x72B00, s3;
	[dreg:$0xe] =	wrdreg s17  }
0x13: {  	s20 =	sadd.s32 $0x74380, s3;
	s21 =	sadd.s32 $0x75C00, s3;
	[dreg:$0xf] =	wrdreg s18  }
0x14: {  	s22 =	sadd.s32 $0x77480, s3;
	s23 =	sadd.s32 $0x78D00, s3;
	[dreg:$0x10] =	wrdreg s19  }
0x15: {  	s24 =	sadd.s32 $0x7A580, s3;
	s25 =	sadd.s32 $0x7BE00, s3;
	[dreg:$0x11] =	wrdreg s20  }
0x16: {  	s26 =	sadd.s32 $0x7D680, s3;
	s29 =	sadd.s32 $0x80780, s3;
	[dreg:$0x12] =	wrdreg s21  }
0x17: {  	s30 =	sadd.s32 $0x82000, s3;
	s31 =	sadd.s32 $0x83880, s3;
	[dreg:$0x13] =	wrdreg s22  }
0x18: {  	s1 =	sadd.s32 $0x85100, s3;
	s0 =	sadd.s32 $0x86980, s3;
	[dreg:$0x14] =	wrdreg s23  }
0x19: {  	s7 =	sadd.s32 $0x8CB80, s3;
	s19 =	sadd.s32 s4, s9;
	[dreg:$0x15] =	wrdreg s24  }
0x1a: {  	s20 =	sadd.s32 s5, s9;
	s21 =	sadd.s32 s6, s9;
	[dreg:$0x16] =	wrdreg s25  }
0x1b: {  	s22 =	sadd.s32 s8, s9;
	[dreg:$0x18] =	wrdreg s26;
	s28 =	sadd.s32 $0x7EF00, s3  }
0x1c: {  	s4 =	sadd.s32 $0x88200, s3;
	s5 =	sadd.s32 $0x89A80, s3;
	s6 =	sadd.s32 $0x8B300, s3  }
0x1d: {  	s8 =	sadd.s32 $0x8E400, s3;
	s9 =	sadd.s32 $0x8FC80, s3;
	s10 =	sadd.s32 $0x91500, s3  }
0x1e: {  	s11 =	sadd.s32 $0x92D80, s3;
	s12 =	sadd.s32 $0x94600, s3;
	s13 =	sadd.s32 $0x61C00, s3  }
0x1f: {  	v0 =	vimm.f32 $0.0e+00;
	s14 =	simm.s32 $0x1;
	s15 =	simm.s32 $0x0;
	[dreg:$0x19] =	wrdreg s28  }
.LBB2_1:
0x20: {  	s16 =	rddreg [dreg:$0x6]  }
0x21: {  	[tilespmem:s2], [sflag:$0x1] =	stream.linear.gather [hbm4b:s16+s2], $0x620, $0x38;
	[tilespmem:$0xF180] =	vst v63  }
0x22: {  	s23 =	rddreg [dreg:$0x7];
	s17 =	simm.s32 $0x620  }
0x23: {  	[tilespmem:s17], [sflag:$0x1] =	stream.linear.gather [hbm4b:s23+s2], $0x620, $0x38;
	[tilespmem:$0xF180] =	vst v63  }
0x24: {  	s24 =	rddreg [dreg:$0x8];
	s25 =	simm.s32 $0xC40  }
0x25: {  	[tilespmem:s25], [sflag:$0x1] =	stream.linear.gather [hbm4b:s24+s2], $0x620, $0x38;
	[tilespmem:$0xF180] =	vst v63  }
0x26: {  	s26 =	rddreg [dreg:$0x9];
	s28 =	simm.s32 $0x1260  }
0x27: {  	[tilespmem:s28], [sflag:$0x1] =	stream.linear.gather [hbm4b:s26+s2], $0x620, $0x38;
	[tilespmem:$0xF180] =	vst v63  }
0x28: {  	s18 =	rddreg [dreg:$0xa];
	s23 =	simm.s32 $0x1880  }
0x29: {  	[tilespmem:s23], [sflag:$0x1] =	stream.linear.gather [hbm4b:s18+s2], $0x620, $0x38;
	[tilespmem:$0xF180] =	vst v63  }
0x2a: {  	s24 =	rddreg [dreg:$0xb];
	s25 =	simm.s32 $0x1EA0  }
0x2b: {  	[tilespmem:s25], [sflag:$0x1] =	stream.linear.gather [hbm4b:s24+s2], $0x620, $0x38;
	[tilespmem:$0xF180] =	vst v63  }
0x2c: {  	s26 =	rddreg [dreg:$0xc];
	s28 =	simm.s32 $0x24C0  }
0x2d: {  	[tilespmem:s28], [sflag:$0x1] =	stream.linear.gather [hbm4b:s26+s2], $0x620, $0x38;
	[tilespmem:$0xF180] =	vst v63  }
0x2e: {  	s18 =	rddreg [dreg:$0xd];
	s23 =	simm.s32 $0x2AE0  }
0x2f: {  	[tilespmem:s23], [sflag:$0x1] =	stream.linear.gather [hbm4b:s18+s2], $0x620, $0x38;
	[tilespmem:$0xF180] =	vst v63  }
0x30: {  	s24 =	rddreg [dreg:$0xe];
	s25 =	simm.s32 $0x3100  }
0x31: {  	[tilespmem:s25], [sflag:$0x1] =	stream.linear.gather [hbm4b:s24+s2], $0x620, $0x38;
	[tilespmem:$0xF180] =	vst v63  }
0x32: {  	s26 =	rddreg [dreg:$0xf];
	s28 =	simm.s32 $0x3720  }
0x33: {  	[tilespmem:s28], [sflag:$0x1] =	stream.linear.gather [hbm4b:s26+s2], $0x620, $0x38;
	[tilespmem:$0xF180] =	vst v63  }
0x34: {  	s18 =	rddreg [dreg:$0x10];
	s23 =	simm.s32 $0x3D40  }
0x35: {  	[tilespmem:s23], [sflag:$0x1] =	stream.linear.gather [hbm4b:s18+s2], $0x620, $0x38;
	[tilespmem:$0xF180] =	vst v63  }
0x36: {  	s24 =	rddreg [dreg:$0x11];
	s25 =	simm.s32 $0x4360  }
0x37: {  	[tilespmem:s25], [sflag:$0x1] =	stream.linear.gather [hbm4b:s24+s2], $0x620, $0x38;
	[tilespmem:$0xF180] =	vst v63  }
0x38: {  	s26 =	rddreg [dreg:$0x12];
	s28 =	simm.s32 $0x4980  }
0x39: {  	[tilespmem:s28], [sflag:$0x1] =	stream.linear.gather [hbm4b:s26+s2], $0x620, $0x38;
	[tilespmem:$0xF180] =	vst v63  }
0x3a: {  	s18 =	rddreg [dreg:$0x13];
	s23 =	simm.s32 $0x4FA0  }
0x3b: {  	[tilespmem:s23], [sflag:$0x1] =	stream.linear.gather [hbm4b:s18+s2], $0x620, $0x38;
	[tilespmem:$0xF180] =	vst v63  }
0x3c: {  	s24 =	rddreg [dreg:$0x14];
	s25 =	simm.s32 $0x55C0  }
0x3d: {  	[tilespmem:s25], [sflag:$0x1] =	stream.linear.gather [hbm4b:s24+s2], $0x620, $0x38;
	[tilespmem:$0xF180] =	vst v63  }
0x3e: {  	s26 =	rddreg [dreg:$0x15];
	s28 =	simm.s32 $0x5BE0  }
0x3f: {  	[tilespmem:s28], [sflag:$0x1] =	stream.linear.gather [hbm4b:s26+s2], $0x620, $0x38;
	[tilespmem:$0xF180] =	vst v63  }
0x40: {  	s18 =	rddreg [dreg:$0x16];
	s23 =	simm.s32 $0x6200  }
0x41: {  	[tilespmem:s23], [sflag:$0x1] =	stream.linear.gather [hbm4b:s18+s2], $0x620, $0x38;
	[tilespmem:$0xF180] =	vst v63  }
0x42: {  	s24 =	rddreg [dreg:$0x18];
	s25 =	simm.s32 $0x6820  }
0x43: {  	[tilespmem:s25], [sflag:$0x1] =	stream.linear.gather [hbm4b:s24+s2], $0x620, $0x38;
	[tilespmem:$0xF180] =	vst v63  }
0x44: {  	s26 =	rddreg [dreg:$0x19];
	s28 =	simm.s32 $0x6E40  }
0x45: {  	[tilespmem:s28], [sflag:$0x1] =	stream.linear.gather [hbm4b:s26+s2], $0x620, $0x38;
	[tilespmem:$0xF180] =	vst v63  }
0x46: {  	s18 =	simm.s32 $0x7460  }
0x47: {  	[tilespmem:s18], [sflag:$0x1] =	stream.linear.gather [hbm4b:s29+s2], $0x620, $0x38;
	[tilespmem:$0xF180] =	vst v63  }
0x48: {  	s23 =	simm.s32 $0x7A80  }
0x49: {  	[tilespmem:s23], [sflag:$0x1] =	stream.linear.gather [hbm4b:s30+s2], $0x620, $0x38;
	[tilespmem:$0xF180] =	vst v63  }
0x4a: {  	s24 =	simm.s32 $0x80A0  }
0x4b: {  	[tilespmem:s24], [sflag:$0x1] =	stream.linear.gather [hbm4b:s31+s2], $0x620, $0x38;
	[tilespmem:$0xF180] =	vst v63  }
0x4c: {  	s25 =	simm.s32 $0x86C0  }
0x4d: {  	[tilespmem:s25], [sflag:$0x1] =	stream.linear.gather [hbm4b:s1+s2], $0x620, $0x38;
	[tilespmem:$0xF180] =	vst v63  }
0x4e: {  	s26 =	simm.s32 $0x8CE0  }
0x4f: {  	[tilespmem:s26], [sflag:$0x1] =	stream.linear.gather [hbm4b:s0+s2], $0x620, $0x38;
	[tilespmem:$0xF180] =	vst v63  }
0x50: {  	s28 =	simm.s32 $0x9300  }
0x51: {  	[tilespmem:s28], [sflag:$0x1] =	stream.linear.gather [hbm4b:s4+s2], $0x620, $0x38;
	[tilespmem:$0xF180] =	vst v63  }
0x52: {  	s17 =	simm.s32 $0x9920  }
0x53: {  	[tilespmem:s17], [sflag:$0x1] =	stream.linear.gather [hbm4b:s5+s2], $0x620, $0x38;
	[tilespmem:$0xF180] =	vst v63  }
0x54: {  	s18 =	simm.s32 $0x9F40  }
0x55: {  	[tilespmem:s18], [sflag:$0x1] =	stream.linear.gather [hbm4b:s6+s2], $0x620, $0x38;
	[tilespmem:$0xF180] =	vst v63  }
0x56: {  	s23 =	simm.s32 $0xA560  }
0x57: {  	[tilespmem:s23], [sflag:$0x1] =	stream.linear.gather [hbm4b:s7+s2], $0x620, $0x38;
	[tilespmem:$0xF180] =	vst v63  }
0x58: {  	s24 =	simm.s32 $0xAB80  }
0x59: {  	[tilespmem:s24], [sflag:$0x1] =	stream.linear.gather [hbm4b:s8+s2], $0x620, $0x38;
	[tilespmem:$0xF180] =	vst v63  }
0x5a: {  	s25 =	simm.s32 $0xB1A0  }
0x5b: {  	[tilespmem:s25], [sflag:$0x1] =	stream.linear.gather [hbm4b:s9+s2], $0x620, $0x38;
	[tilespmem:$0xF180] =	vst v63  }
0x5c: {  	s26 =	simm.s32 $0xB7C0  }
0x5d: {  	[tilespmem:s26], [sflag:$0x1] =	stream.linear.gather [hbm4b:s10+s2], $0x620, $0x38;
	[tilespmem:$0xF180] =	vst v63  }
0x5e: {  	s28 =	simm.s32 $0xBDE0  }
0x5f: {  	[tilespmem:s28], [sflag:$0x1] =	stream.linear.gather [hbm4b:s11+s2], $0x620, $0x38;
	[tilespmem:$0xF180] =	vst v63  }
0x60: {  	s16 =	simm.s32 @p0 $0x0;
	s17 =	simm.s32 @p0 $0xC400  }
0x61: {  	[tilespmem:s17], [sflag:$0x2] =	stream.linear.gather @p0 [hbm4b:s12+s16], $0x620, $0x38;
	[tilespmem:$0xF180] =	vst v63  }
0x62: {  	s17 =	simm.s32 @p0 $0xCA80  }
0x63: {  	[tilespmem:s17], [sflag:$0x2] =	stream.linear.gather @p0 [hbm4b:s13+s16], $0x620, $0x38;
	[tilespmem:$0xF180] =	vst v63  }
0x64: {  	s17 =	simm.s32 @p0 $0xD100  }
0x65: {  	[tilespmem:s17], [sflag:$0x2] =	stream.linear.gather @p0 [hbm4b:s19+s16], $0x620, $0x38;
	[tilespmem:$0xF180] =	vst v63  }
0x66: {  	s17 =	simm.s32 @p0 $0xD780  }
0x67: {  	[tilespmem:s17], [sflag:$0x2] =	stream.linear.gather @p0 [hbm4b:s20+s16], $0x620, $0x38;
	[tilespmem:$0xF180] =	vst v63  }
0x68: {  	s17 =	simm.s32 @p0 $0xDE00  }
0x69: {  	[tilespmem:s17], [sflag:$0x2] =	stream.linear.gather @p0 [hbm4b:s21+s16], $0x620, $0x38;
	[tilespmem:$0xF180] =	vst v63  }
0x6a: {  	s17 =	simm.s32 @p0 $0xE480  }
0x6b: {  	[tilespmem:s17], [sflag:$0x2] =	stream.linear.gather @p0 [hbm4b:s22+s16], $0x620, $0x38;
	[tilespmem:$0xF180] =	vst v63  }
0x6c: {  	s17 =	simm.s32 @p0 $0x2  }
0x6d: {  	_ =	swait.ge @p0 [sflag:s17], $0x620  }
0x6e: {  	[sflag:s17] =	ssyncset.done @p0 $0x0  }
0x6f: {  	[sflag:s17] =	ssyncadd.s32 @p0 $0xFFFFF9E0  }
0x70: {  	_ =	swait.ge @p0 [sflag:s17], $0x620  }
0x71: {  	[sflag:s17] =	ssyncset.done @p0 $0x0  }
0x72: {  	[sflag:s17] =	ssyncadd.s32 @p0 $0xFFFFF9E0  }
0x73: {  	_ =	swait.ge @p0 [sflag:s17], $0x620  }
0x74: {  	[sflag:s17] =	ssyncset.done @p0 $0x0  }
0x75: {  	[sflag:s17] =	ssyncadd.s32 @p0 $0xFFFFF9E0  }
0x76: {  	_ =	swait.ge @p0 [sflag:s17], $0x620  }
0x77: {  	[sflag:s17] =	ssyncset.done @p0 $0x0  }
0x78: {  	[sflag:s17] =	ssyncadd.s32 @p0 $0xFFFFF9E0  }
0x79: {  	_ =	swait.ge @p0 [sflag:s17], $0x620  }
0x7a: {  	[sflag:s17] =	ssyncset.done @p0 $0x0  }
0x7b: {  	[sflag:s17] =	ssyncadd.s32 @p0 $0xFFFFF9E0  }
0x7c: {  	_ =	swait.ge @p0 [sflag:s17], $0x620  }
0x7d: {  	[sflag:s17] =	ssyncset.done @p0 $0x0  }
0x7e: {  	s18 =	simm.s32 @!p0 $0xC400;
	[sflag:s17] =	ssyncadd.s32 @p0 $0xFFFFF9E0;
	s17 =	simm.s32 @!p0 $0x0  }
0x7f: {  	[tilespmem:s18], [sflag:$0x2] =	stream.linear.gather @!p0 [hbm4b:s12+s17], $0x570, $0x38;
	[tilespmem:$0xF180] =	vst v63  }
0x80: {  	s18 =	simm.s32 @!p0 $0xCA80  }
0x81: {  	[tilespmem:s18], [sflag:$0x2] =	stream.linear.gather @!p0 [hbm4b:s13+s17], $0x570, $0x38;
	[tilespmem:$0xF180] =	vst v63  }
0x82: {  	s18 =	simm.s32 @!p0 $0xD100  }
0x83: {  	[tilespmem:s18], [sflag:$0x2] =	stream.linear.gather @!p0 [hbm4b:s19+s17], $0x570, $0x38;
	[tilespmem:$0xF180] =	vst v63  }
0x84: {  	s18 =	simm.s32 @!p0 $0xD780  }
0x85: {  	[tilespmem:s18], [sflag:$0x2] =	stream.linear.gather @!p0 [hbm4b:s20+s17], $0x570, $0x38;
	[tilespmem:$0xF180] =	vst v63  }
0x86: {  	s18 =	simm.s32 @!p0 $0xDE00  }
0x87: {  	[tilespmem:s18], [sflag:$0x2] =	stream.linear.gather @!p0 [hbm4b:s21+s17], $0x570, $0x38;
	[tilespmem:$0xF180] =	vst v63  }
0x88: {  	s18 =	simm.s32 @!p0 $0xE480  }
0x89: {  	[tilespmem:s18], [sflag:$0x2] =	stream.linear.gather @!p0 [hbm4b:s22+s17], $0x570, $0x38;
	[tilespmem:$0xF180] =	vst v63  }
0x8a: {  	s18 =	simm.s32 @!p0 $0x2  }
0x8b: {  	_ =	swait.ge @!p0 [sflag:s18], $0x570  }
0x8c: {  	[sflag:s18] =	ssyncset.done @!p0 $0x0  }
0x8d: {  	[sflag:s18] =	ssyncadd.s32 @!p0 $0xFFFFFA90  }
0x8e: {  	_ =	swait.ge @!p0 [sflag:s18], $0x570  }
0x8f: {  	[sflag:s18] =	ssyncset.done @!p0 $0x0  }
0x90: {  	[sflag:s18] =	ssyncadd.s32 @!p0 $0xFFFFFA90  }
0x91: {  	_ =	swait.ge @!p0 [sflag:s18], $0x570  }
0x92: {  	[sflag:s18] =	ssyncset.done @!p0 $0x0  }
0x93: {  	[sflag:s18] =	ssyncadd.s32 @!p0 $0xFFFFFA90  }
0x94: {  	_ =	swait.ge @!p0 [sflag:s18], $0x570  }
0x95: {  	[sflag:s18] =	ssyncset.done @!p0 $0x0  }
0x96: {  	[sflag:s18] =	ssyncadd.s32 @!p0 $0xFFFFFA90  }
0x97: {  	_ =	swait.ge @!p0 [sflag:s18], $0x570  }
0x98: {  	[sflag:s18] =	ssyncset.done @!p0 $0x0  }
0x99: {  	[sflag:s18] =	ssyncadd.s32 @!p0 $0xFFFFFA90  }
0x9a: {  	_ =	swait.ge @!p0 [sflag:s18], $0x570  }
0x9b: {  	[sflag:s18] =	ssyncset.done @!p0 $0x0  }
0x9c: {  	[sflag:s18] =	ssyncadd.s32 @!p0 $0xFFFFFA90  }
0x9d: {  	_ =	swait.ge [sflag:s14], $0x620  }
0x9e: {  	[sflag:s14] =	ssyncset.done $0x0  }
0x9f: {  	[sflag:s14] =	ssyncadd.s32 $0xFFFFF9E0  }
0xa0: {  	_ =	swait.ge [sflag:s14], $0x620  }
0xa1: {  	[sflag:s14] =	ssyncset.done $0x0  }
0xa2: {  	[sflag:s14] =	ssyncadd.s32 $0xFFFFF9E0  }
0xa3: {  	_ =	swait.ge [sflag:s14], $0x620  }
0xa4: {  	[sflag:s14] =	ssyncset.done $0x0  }
0xa5: {  	[sflag:s14] =	ssyncadd.s32 $0xFFFFF9E0  }
0xa6: {  	_ =	swait.ge [sflag:s14], $0x620  }
0xa7: {  	[sflag:s14] =	ssyncset.done $0x0  }
0xa8: {  	[sflag:s14] =	ssyncadd.s32 $0xFFFFF9E0  }
0xa9: {  	_ =	swait.ge [sflag:s14], $0x620  }
0xaa: {  	[sflag:s14] =	ssyncset.done $0x0  }
0xab: {  	[sflag:s14] =	ssyncadd.s32 $0xFFFFF9E0  }
0xac: {  	_ =	swait.ge [sflag:s14], $0x620  }
0xad: {  	[sflag:s14] =	ssyncset.done $0x0  }
0xae: {  	[sflag:s14] =	ssyncadd.s32 $0xFFFFF9E0  }
0xaf: {  	_ =	swait.ge [sflag:s14], $0x620  }
0xb0: {  	[sflag:s14] =	ssyncset.done $0x0  }
0xb1: {  	[sflag:s14] =	ssyncadd.s32 $0xFFFFF9E0  }
0xb2: {  	_ =	swait.ge [sflag:s14], $0x620  }
0xb3: {  	[sflag:s14] =	ssyncset.done $0x0  }
0xb4: {  	[sflag:s14] =	ssyncadd.s32 $0xFFFFF9E0  }
0xb5: {  	_ =	swait.ge [sflag:s14], $0x620  }
0xb6: {  	[sflag:s14] =	ssyncset.done $0x0  }
0xb7: {  	[sflag:s14] =	ssyncadd.s32 $0xFFFFF9E0  }
0xb8: {  	_ =	swait.ge [sflag:s14], $0x620  }
0xb9: {  	[sflag:s14] =	ssyncset.done $0x0  }
0xba: {  	[sflag:s14] =	ssyncadd.s32 $0xFFFFF9E0  }
0xbb: {  	_ =	swait.ge [sflag:s14], $0x620  }
0xbc: {  	[sflag:s14] =	ssyncset.done $0x0  }
0xbd: {  	[sflag:s14] =	ssyncadd.s32 $0xFFFFF9E0  }
0xbe: {  	_ =	swait.ge [sflag:s14], $0x620  }
0xbf: {  	[sflag:s14] =	ssyncset.done $0x0  }
0xc0: {  	[sflag:s14] =	ssyncadd.s32 $0xFFFFF9E0  }
0xc1: {  	_ =	swait.ge [sflag:s14], $0x620  }
0xc2: {  	[sflag:s14] =	ssyncset.done $0x0  }
0xc3: {  	[sflag:s14] =	ssyncadd.s32 $0xFFFFF9E0  }
0xc4: {  	_ =	swait.ge [sflag:s14], $0x620  }
0xc5: {  	[sflag:s14] =	ssyncset.done $0x0  }
0xc6: {  	[sflag:s14] =	ssyncadd.s32 $0xFFFFF9E0  }
0xc7: {  	_ =	swait.ge [sflag:s14], $0x620  }
0xc8: {  	[sflag:s14] =	ssyncset.done $0x0  }
0xc9: {  	[sflag:s14] =	ssyncadd.s32 $0xFFFFF9E0  }
0xca: {  	_ =	swait.ge [sflag:s14], $0x620  }
0xcb: {  	[sflag:s14] =	ssyncset.done $0x0  }
0xcc: {  	[sflag:s14] =	ssyncadd.s32 $0xFFFFF9E0  }
0xcd: {  	_ =	swait.ge [sflag:s14], $0x620  }
0xce: {  	[sflag:s14] =	ssyncset.done $0x0  }
0xcf: {  	[sflag:s14] =	ssyncadd.s32 $0xFFFFF9E0  }
0xd0: {  	_ =	swait.ge [sflag:s14], $0x620  }
0xd1: {  	[sflag:s14] =	ssyncset.done $0x0  }
0xd2: {  	[sflag:s14] =	ssyncadd.s32 $0xFFFFF9E0  }
0xd3: {  	_ =	swait.ge [sflag:s14], $0x620  }
0xd4: {  	[sflag:s14] =	ssyncset.done $0x0  }
0xd5: {  	[sflag:s14] =	ssyncadd.s32 $0xFFFFF9E0  }
0xd6: {  	_ =	swait.ge [sflag:s14], $0x620  }
0xd7: {  	[sflag:s14] =	ssyncset.done $0x0  }
0xd8: {  	[sflag:s14] =	ssyncadd.s32 $0xFFFFF9E0  }
0xd9: {  	_ =	swait.ge [sflag:s14], $0x620  }
0xda: {  	[sflag:s14] =	ssyncset.done $0x0  }
0xdb: {  	[sflag:s14] =	ssyncadd.s32 $0xFFFFF9E0  }
0xdc: {  	_ =	swait.ge [sflag:s14], $0x620  }
0xdd: {  	[sflag:s14] =	ssyncset.done $0x0  }
0xde: {  	[sflag:s14] =	ssyncadd.s32 $0xFFFFF9E0  }
0xdf: {  	_ =	swait.ge [sflag:s14], $0x620  }
0xe0: {  	[sflag:s14] =	ssyncset.done $0x0  }
0xe1: {  	[sflag:s14] =	ssyncadd.s32 $0xFFFFF9E0  }
0xe2: {  	_ =	swait.ge [sflag:s14], $0x620  }
0xe3: {  	[sflag:s14] =	ssyncset.done $0x0  }
0xe4: {  	[sflag:s14] =	ssyncadd.s32 $0xFFFFF9E0  }
0xe5: {  	_ =	swait.ge [sflag:s14], $0x620  }
0xe6: {  	[sflag:s14] =	ssyncset.done $0x0  }
0xe7: {  	[sflag:s14] =	ssyncadd.s32 $0xFFFFF9E0  }
0xe8: {  	_ =	swait.ge [sflag:s14], $0x620  }
0xe9: {  	[sflag:s14] =	ssyncset.done $0x0  }
0xea: {  	[sflag:s14] =	ssyncadd.s32 $0xFFFFF9E0  }
0xeb: {  	_ =	swait.ge [sflag:s14], $0x620  }
0xec: {  	[sflag:s14] =	ssyncset.done $0x0  }
0xed: {  	[sflag:s14] =	ssyncadd.s32 $0xFFFFF9E0  }
0xee: {  	_ =	swait.ge [sflag:s14], $0x620  }
0xef: {  	[sflag:s14] =	ssyncset.done $0x0  }
0xf0: {  	[sflag:s14] =	ssyncadd.s32 $0xFFFFF9E0  }
0xf1: {  	_ =	swait.ge [sflag:s14], $0x620  }
0xf2: {  	[sflag:s14] =	ssyncset.done $0x0  }
0xf3: {  	[sflag:s14] =	ssyncadd.s32 $0xFFFFF9E0  }
0xf4: {  	_ =	swait.ge [sflag:s14], $0x620  }
0xf5: {  	[sflag:s14] =	ssyncset.done $0x0  }
0xf6: {  	[sflag:s14] =	ssyncadd.s32 $0xFFFFF9E0  }
0xf7: {  	_ =	swait.ge [sflag:s14], $0x620  }
0xf8: {  	[sflag:s14] =	ssyncset.done $0x0  }
0xf9: {  	[sflag:s14] =	ssyncadd.s32 $0xFFFFF9E0  }
0xfa: {  	_ =	swait.ge [sflag:s14], $0x620  }
0xfb: {  	[sflag:s14] =	ssyncset.done $0x0  }
0xfc: {  	s18 =	simm.s32 $0x0;
	[sflag:s14] =	ssyncadd.s32 $0xFFFFF9E0  }
0xfd: {  	v1 =	vld [tilespmem:s18+$0x0]  }
0xfe: {  	v2 =	vld [tilespmem:s18+$0x620];
	_ =	sdelay $0x1  }
0xff: {  	v3 =	vld [tilespmem:s18+$0xC40];
	_ =	sdelay $0x1  }
0x100: {  	v4 =	vld [tilespmem:s18+$0x1260]  }
0x101: {  	s23 =	sand.u32 $0xFFFFFFF0, s2;
	v1 =	vadd.f32 v2, v1  }
0x102: {  	v2 =	vld [tilespmem:s23+$0x1880]  }
0x103: {  	v1 =	vadd.f32 v3, v1  }
0x104: {  	v3 =	vld [tilespmem:s18+$0x1EA0]  }
0x105: {  	v1 =	vadd.f32 v4, v1  }
0x106: {  	v54 =	vld [tilespmem:s18+$0x24C0]  }
0x107: {  	v1 =	vadd.f32 v2, v1  }
0x108: {  	v2 =	vld [tilespmem:s18+$0x2AE0]  }
0x109: {  	v1 =	vadd.f32 v3, v1  }
0x10a: {  	v3 =	vld [tilespmem:s23+$0x3100]  }
0x10b: {  	v1 =	vadd.f32 v54, v1  }
0x10c: {  	v55 =	vld [tilespmem:s18+$0x3720]  }
0x10d: {  	v1 =	vadd.f32 v2, v1  }
0x10e: {  	v2 =	vld [tilespmem:s18+$0x3D40]  }
0x10f: {  	v1 =	vadd.f32 v3, v1  }
0x110: {  	v3 =	vld [tilespmem:s18+$0x4360]  }
0x111: {  	v1 =	vadd.f32 v55, v1  }
0x112: {  	v56 =	vld [tilespmem:s23+$0x4980]  }
0x113: {  	v1 =	vadd.f32 v2, v1  }
0x114: {  	v2 =	vld [tilespmem:s18+$0x4FA0]  }
0x115: {  	v1 =	vadd.f32 v3, v1  }
0x116: {  	v3 =	vld [tilespmem:s18+$0x55C0]  }
0x117: {  	v1 =	vadd.f32 v56, v1  }
0x118: {  	v57 =	vld [tilespmem:s18+$0x5BE0]  }
0x119: {  	v1 =	vadd.f32 v2, v1  }
0x11a: {  	v2 =	vld [tilespmem:s23+$0x6200]  }
0x11b: {  	v1 =	vadd.f32 v3, v1  }
0x11c: {  	v3 =	vld [tilespmem:s18+$0x6820]  }
0x11d: {  	v1 =	vadd.f32 v57, v1  }
0x11e: {  	v58 =	vld [tilespmem:s18+$0x6E40]  }
0x11f: {  	v1 =	vadd.f32 v2, v1  }
0x120: {  	v2 =	vld [tilespmem:s18+$0x7460]  }
0x121: {  	v1 =	vadd.f32 v3, v1  }
0x122: {  	v3 =	vld [tilespmem:s23+$0x7A80]  }
0x123: {  	v1 =	vadd.f32 v58, v1  }
0x124: {  	v59 =	vld [tilespmem:s18+$0x80A0]  }
0x125: {  	v1 =	vadd.f32 v2, v1  }
0x126: {  	v2 =	vld [tilespmem:s18+$0x86C0]  }
0x127: {  	v1 =	vadd.f32 v3, v1  }
0x128: {  	v3 =	vld [tilespmem:s18+$0x8CE0]  }
0x129: {  	v1 =	vadd.f32 v59, v1  }
0x12a: {  	v60 =	vld [tilespmem:s23+$0x9300]  }
0x12b: {  	v1 =	vadd.f32 v2, v1  }
0x12c: {  	v2 =	vld [tilespmem:s18+$0x9920]  }
0x12d: {  	v1 =	vadd.f32 v3, v1  }
0x12e: {  	v3 =	vld [tilespmem:s18+$0x9F40]  }
0x12f: {  	v1 =	vadd.f32 v60, v1  }
0x130: {  	v61 =	vld [tilespmem:s18+$0xA560]  }
0x131: {  	v1 =	vadd.f32 v2, v1  }
0x132: {  	v2 =	vld [tilespmem:s23+$0xAB80]  }
0x133: {  	v5 =	vld [tilespmem:s18+$0xB7C0];
	v1 =	vadd.f32 v3, v1  }
0x134: {  	v3 =	vld [tilespmem:s18+$0xB1A0]  }
0x135: {  	v62 =	vld [tilespmem:s18+$0xCA80];
	v1 =	vadd.f32 v61, v1  }
0x136: {  	v6 =	vld [tilespmem:s18+$0xC400]  }
0x137: {  	v63 =	vld [tilespmem:s18+$0xE480];
	v1 =	vadd.f32 v2, v1  }
0x138: {  	v2 =	vld [tilespmem:s18+$0xBDE0]  }
0x139: {  	v7 =	vld [tilespmem:s18+$0xD780];
	v1 =	vadd.f32 v3, v1  }
0x13a: {  	s23 =	simm.s32 @!p0 $0x57;
	v3 =	vld [tilespmem:s18+$0xD100]  }
0x13b: {  	v4 =	vsub.f32 $1.000000000e+00, v62;
	s23 =	simm.s32 @p0 $0x62;
	v1 =	vadd.f32 v5, v1  }
0x13c: {  	(erf) = vrcp.f32 v63;
	s23 =	sshll.u32 s23, $0x6  }
0x13d: {  	p1 =	sne.s32 s23, $0x40;
	v1 =	vadd.f32 v2, v1;
	v2 =	vmul.f32 v4, v6  }
.Ltmp0:
0x13e: {  	_ = 	snop;
	(pc) =	sbr.rel @!p1 .LBB2_3-.Ltmp0, $2  }
0x13f: {  	v2 =	vmul.f32 v2, v3;
	v3 =	vmul.f32 v7, v1;
	v1 =	vld [tilespmem:s18+$0xDE00];
	_ =	sdelay $0x2  }
0x140: {  	s24 =	simm.s32 $0x40;
	s25 =	simm.s32 $0x0;
	v2 =	vadd.f32 v3, v2  }
.LBB2_2:
0x141: {  	s28 =	sshra.s32 s24, $0x2  }
0x142: {  	s24 =	sadd.s32 $0x40, s24;
	v3 =	vld [tilespmem:s28+$0x0];
	v1 =	vsub.f32 v2, v1  }
0x143: {  	p1 =	sne.s32 s23, s24;
	v2 =	vld [tilespmem:s28+$0x620];
	v4 =	vpop (erf)  }
0x144: {  	v1 =	vmul.f32 v4, v1  }
0x145: {  	v4 =	vld [tilespmem:s28+$0xC40]  }
0x146: {  	vm0 =	vgt.f32 v1, $0.0e+00  }
0x147: {  	s25 =	sadd.s32 $0x10, s25;
	v1 =	vld [tilespmem:s28+$0x1260];
	v5 =	vsel vm0, $0x3F800000, v0  }
0x148: {  	s26 =	sand.u32 $0xFFFFFFF0, s25;
	v2 =	vadd.f32 v2, v3;
	[tilespmem:s18+$0xEB00] =	vst v5;
	s18 =	smov.u32 s28  }
0x149: {  	v3 =	vld [tilespmem:s26+$0x1880]  }
0x14a: {  	v2 =	vadd.f32 v4, v2  }
0x14b: {  	v4 =	vld [tilespmem:s18+$0x1EA0]  }
0x14c: {  	v1 =	vadd.f32 v1, v2  }
0x14d: {  	v2 =	vld [tilespmem:s18+$0x24C0]  }
0x14e: {  	v1 =	vadd.f32 v3, v1  }
0x14f: {  	v3 =	vld [tilespmem:s18+$0x2AE0]  }
0x150: {  	v1 =	vadd.f32 v4, v1  }
0x151: {  	v4 =	vld [tilespmem:s26+$0x3100]  }
0x152: {  	v1 =	vadd.f32 v2, v1  }
0x153: {  	v2 =	vld [tilespmem:s18+$0x3720]  }
0x154: {  	v1 =	vadd.f32 v3, v1  }
0x155: {  	v3 =	vld [tilespmem:s18+$0x3D40]  }
0x156: {  	v1 =	vadd.f32 v4, v1  }
0x157: {  	v4 =	vld [tilespmem:s18+$0x4360]  }
0x158: {  	v1 =	vadd.f32 v2, v1  }
0x159: {  	v2 =	vld [tilespmem:s26+$0x4980]  }
0x15a: {  	v1 =	vadd.f32 v3, v1  }
0x15b: {  	v3 =	vld [tilespmem:s18+$0x4FA0]  }
0x15c: {  	v1 =	vadd.f32 v4, v1  }
0x15d: {  	v4 =	vld [tilespmem:s18+$0x55C0]  }
0x15e: {  	v1 =	vadd.f32 v2, v1  }
0x15f: {  	v2 =	vld [tilespmem:s18+$0x5BE0]  }
0x160: {  	v1 =	vadd.f32 v3, v1  }
0x161: {  	v3 =	vld [tilespmem:s26+$0x6200]  }
0x162: {  	v1 =	vadd.f32 v4, v1  }
0x163: {  	v4 =	vld [tilespmem:s18+$0x6820]  }
0x164: {  	v1 =	vadd.f32 v2, v1  }
0x165: {  	v2 =	vld [tilespmem:s18+$0x6E40]  }
0x166: {  	v1 =	vadd.f32 v3, v1  }
0x167: {  	v3 =	vld [tilespmem:s18+$0x7460]  }
0x168: {  	v1 =	vadd.f32 v4, v1  }
0x169: {  	v4 =	vld [tilespmem:s26+$0x7A80]  }
0x16a: {  	v1 =	vadd.f32 v2, v1  }
0x16b: {  	v2 =	vld [tilespmem:s18+$0x80A0]  }
0x16c: {  	v1 =	vadd.f32 v3, v1  }
0x16d: {  	v3 =	vld [tilespmem:s18+$0x86C0]  }
0x16e: {  	v1 =	vadd.f32 v4, v1  }
0x16f: {  	v4 =	vld [tilespmem:s18+$0x8CE0]  }
0x170: {  	v1 =	vadd.f32 v2, v1  }
0x171: {  	v2 =	vld [tilespmem:s26+$0x9300]  }
0x172: {  	v1 =	vadd.f32 v3, v1  }
0x173: {  	v3 =	vld [tilespmem:s18+$0x9920]  }
0x174: {  	v1 =	vadd.f32 v4, v1  }
0x175: {  	v4 =	vld [tilespmem:s18+$0x9F40]  }
0x176: {  	v1 =	vadd.f32 v2, v1  }
0x177: {  	v2 =	vld [tilespmem:s18+$0xA560]  }
0x178: {  	v1 =	vadd.f32 v3, v1  }
0x179: {  	v3 =	vld [tilespmem:s26+$0xAB80]  }
0x17a: {  	v1 =	vadd.f32 v4, v1;
	v4 =	vld [tilespmem:s18+$0xB7C0]  }
0x17b: {  	v5 =	vld [tilespmem:s18+$0xB1A0]  }
0x17c: {  	v1 =	vadd.f32 v2, v1;
	v2 =	vld [tilespmem:s18+$0xCA80]  }
0x17d: {  	v6 =	vld [tilespmem:s18+$0xE480]  }
0x17e: {  	v1 =	vadd.f32 v3, v1;
	v3 =	vld [tilespmem:s18+$0xBDE0]  }
0x17f: {  	v7 =	vld [tilespmem:s18+$0xC400]  }
0x180: {  	v1 =	vadd.f32 v5, v1;
	v5 =	vld [tilespmem:s18+$0xD100]  }
0x181: {  	v8 =	vld [tilespmem:s18+$0xD780]  }
0x182: {  	v2 =	vsub.f32 $1.000000000e+00, v2;
	v1 =	vadd.f32 v4, v1;
	(erf) = vrcp.f32 v6;
	_ =	sdelay $0x1  }
.Ltmp1:
0x183: {  	v3 =	vadd.f32 v3, v1;
	v2 =	vmul.f32 v2, v7;
	(pc) =	sbr.rel @p1 .LBB2_2-.Ltmp1, $3  }
0x184: {  	v1 =	vld [tilespmem:s18+$0xDE00]  }
0x185: {  	v2 =	vmul.f32 v2, v5;
	v3 =	vmul.f32 v8, v3;
	_ =	sdelay $0x1  }
0x186: {  	v2 =	vadd.f32 v3, v2  }
.LBB2_3:
0x187: {  	_ = 	snop  }
0x188: {  	v1 =	vsub.f32 v2, v1  }
0x189: {  	v2 =	vpop (erf)  }
0x18a: {  	v1 =	vmul.f32 v2, v1;
	_ =	sdelay $0x1  }
0x18b: {  	vm0 =	vgt.f32 v1, $0.0e+00  }
0x18c: {  	v1 =	vsel vm0, $0x3F800000, v0  }
0x18d: {  	[tilespmem:s18+$0xEB00] =	vst v1;
	s18 =	simm.s32 @p0 $0xEB00  }
0x18e: {  	[hbm4b:s3+s16] =	stream.linear.scatter @p0 [tilespmem:s18], [sflag:$0x3], $0x620, $0x38;
	[tilespmem:$0xF180] =	vst v63  }
0x18f: {  	s16 =	simm.s32 @p0 $0x3  }
0x190: {  	_ =	swait.ge @p0 [sflag:s16], $0x620  }
0x191: {  	[sflag:s16] =	ssyncset.done @p0 $0x0  }
0x192: {  	[sflag:s16] =	ssyncadd.s32 @p0 $0xFFFFF9E0;
	s16 =	simm.s32 @!p0 $0xEB00  }
0x193: {  	[hbm4b:s3+s17] =	stream.linear.scatter @!p0 [tilespmem:s16], [sflag:$0x3], $0x570, $0x38;
	[tilespmem:$0xF180] =	vst v63  }
0x194: {  	s16 =	simm.s32 @!p0 $0x3  }
0x195: {  	_ =	swait.ge @!p0 [sflag:s16], $0x570  }
0x196: {  	s15 =	sadd.s32 $0x1, s15;
	s28 =	rddreg [dreg:$0x17]  }
0x197: {  	p1 =	sne.s32 s15, s28  }
.Ltmp2:
0x198: {  	_ = 	snop;
	(pc) =	sbr.rel @p1 .LBB2_1-.Ltmp2, $3  }
0x199: {  	_ =	sdelay $0x1  }
0x19a: {  	[sflag:s16] =	ssyncset.done @!p0 $0x0  }
0x19b: {  	[sflag:s16] =	ssyncadd.s32 @!p0 $0xFFFFFA90  }
0x19c: {  	_ =	sfence.sel $0x180000  }
0x19d: {  	[bflag:$0x0] =	sbarrier.arrive $0xFFFF  }
0x19e: {  	_ =	strace $0x9000004A  }
0x19f: {  	s0 =	stileid.u32;
	[bflag:$0x2] =	sbarrier.arrive $0xFFFF  }
0x1a0: {  	p0 =	sne.s32 s0, $0x0;
	s0 =	rddreg [dreg:$0x5]  }
0x1a1: {  	s0 =	sadd.s32 @!p0 $0x100000, s0  }
0x1a2: {  	[sflag:s0] =	ssyncadd.tile.s32 @!p0 $0x1;
	_ =	shalt  }
.Lfunc_end2:
_tile_overlayer_lowered:
.L_overlay_start_2:
0x1a3: {  	(tag) =	ssettag $0x2  }
0x1a4: {  	s0 =	rddreg [dreg:$0x0];
	s2 =	stileid.u32  }
0x1a5: {  	s1 =	rddreg [dreg:$0x1];
	p0 =	sne.s32 s2, $0x0  }
0x1a6: {  	s3 =	rddreg [dreg:$0x2];
	[bflag:$0x3] =	sbarrier.arrive $0xFFFF;
	s2 =	simm.s32 @!p0 $0x1C03  }
0x1a7: {  	[timem:s3], [sflag:s2] =	dma.local @!p0 [hbm:s0], s1  }
0x1a8: {  	s0 =	simm.s32 @!p0 $0x3  }
0x1a9: {  	_ =	swait.ge @!p0 [sflag:s0], s1  }
0x1aa: {  	s1 =	ssub.s32 @!p0 $0x0, s1;
	[sflag:s0] =	ssyncset.done @!p0 $0x0  }
0x1ab: {  	[sflag:s0] =	ssyncadd.s32 @!p0 s1  }
0x1ac: {  	[bflag:$0x3] =	sbarrier.arrive $0xFFFF  }
0x1ad: {  	_ =	shalt  }

</sc_bundles>
